<compile_context>
chip_gen: v7x
topology: tpu7x:2x2x1
jax: 0.10.2.dev20260603
libtpu: 0.0.44.dev20260713+nightly
codegen_flags: <defaults>
</compile_context>

<pallas_src>
import dataclasses
import functools

import jax
import jax.numpy as jnp
from jax import lax
from jax.experimental import pallas as pl
from jax.experimental.pallas import tpu as pltpu
from jax.experimental.pallas import tpu_sc as plsc

TOPK = 2
TB = 512
BLK = 512
GW = 64
CW = 32
LANES = 16


def _router_body(G, x_ref, embT_ref, gates_ref, pos_ref, be_ref,
                 e0_s, e1_s, carry_s, bstart_s, gstart_s):
    p = pl.program_id(0)
    b = pl.program_id(1)
    nb = pl.num_programs(1)
    E = embT_ref.shape[1]

    iota8 = jax.lax.broadcasted_iota(jnp.int32, (TB, E), 1)

    @pl.when(p == 0)
    def _phase0():
        x = x_ref[...]
        logits = jnp.dot(x, embT_ref[...], preferred_element_type=jnp.float32)
        m0 = jnp.max(logits, axis=1, keepdims=True)
        i0 = jnp.min(jnp.where(logits == m0, iota8, E), axis=1, keepdims=True)
        l2 = jnp.where(iota8 == i0, -jnp.inf, logits)
        m1 = jnp.max(l2, axis=1, keepdims=True)
        i1 = jnp.min(jnp.where(l2 == m1, iota8, E), axis=1, keepdims=True)
        e1v = jnp.exp(m1 - m0)
        s = 1.0 + e1v
        w0 = 1.0 / s
        w1 = e1v / s
        gates_ref[...] = (jnp.where(iota8 == 0, w0, 0.0)
                          + jnp.where(iota8 == 1, w1, 0.0))
        e0_s[pl.ds(b * TB, TB), :] = i0
        e1_s[pl.ds(b * TB, TB), :] = i1
        oh0 = (iota8 == i0).astype(jnp.float32)
        oh1 = (iota8 == i1).astype(jnp.float32)
        blockcnt = jnp.sum(oh0 + oh1, axis=0, keepdims=True).astype(jnp.int32)

        @pl.when(b == 0)
        def _():
            carry_s[...] = jnp.zeros_like(carry_s)

        bstart_s[pl.ds(b, 1), :] = carry_s[...]
        carry_s[...] += blockcnt

        @pl.when(b == nb - 1)
        def _finalize():
            c = carry_s[...]
            pc = ((c + (BLK - 1)) // BLK) * BLK
            gstart = jnp.zeros_like(pc)
            for e in range(E):
                pce = pc[0:1, e:e + 1]
                lane = jax.lax.broadcasted_iota(jnp.int32, (1, E), 1)
                gstart = gstart + jnp.where(lane > e, pce, 0)
            gstart_s[...] = gstart
            pend = gstart + pc
            total = jnp.sum(pc, axis=1, keepdims=True)
            lane128 = jax.lax.broadcasted_iota(jnp.int32, be_ref.shape, 1)
            acc = jnp.zeros(be_ref.shape, jnp.int32)
            for e in range(E):
                acc = acc + (pend[0:1, e:e + 1] <= lane128 * BLK).astype(jnp.int32)
            be = jnp.minimum(acc, E - 1)
            be_ref[...] = jnp.where(lane128 == G, total, be)

    @pl.when(p == 1)
    def _phase1():
        e0 = e0_s[pl.ds(b * TB, TB), :]
        e1 = e1_s[pl.ds(b * TB, TB), :]
        oh0 = (iota8 == e0).astype(jnp.float32)
        oh1 = (iota8 == e1).astype(jnp.float32)
        r = jax.lax.broadcasted_iota(jnp.int32, (TB, TB), 0)
        cidx = jax.lax.broadcasted_iota(jnp.int32, (TB, TB), 1)
        M = (r > cidx).astype(jnp.float32)
        r0 = jnp.dot(M, oh0, preferred_element_type=jnp.float32)
        r1 = jnp.dot(M, oh1, preferred_element_type=jnp.float32)
        tot0 = jnp.sum(oh0, axis=0, keepdims=True)
        base = (gstart_s[...] + bstart_s[pl.ds(b, 1), :]).astype(jnp.float32)
        pos0 = jnp.sum((base + r0) * oh0, axis=1, keepdims=True)
        pos1 = jnp.sum((base + tot0 + r1) * oh1, axis=1, keepdims=True)
        pos_ref[...] = (jnp.where(iota8 == 0, pos0.astype(jnp.int32), 0)
                        + jnp.where(iota8 == 1, pos1.astype(jnp.int32), 0))


def _router(x2, embT, N, D, E, G):
    nb = N // TB
    return pl.pallas_call(
        functools.partial(_router_body, G),
        grid=(2, nb),
        in_specs=[
            pl.BlockSpec((TB, D), lambda p, b: (b, 0)),
            pl.BlockSpec((D, E), lambda p, b: (0, 0)),
        ],
        out_specs=[
            pl.BlockSpec((TB, E), lambda p, b: (b + p * (nb - b), 0)),
            pl.BlockSpec((TB, E), lambda p, b: (b + (1 - p) * (nb - b), 0)),
            pl.BlockSpec((8, 128), lambda p, b: (0, 0)),
        ],
        out_shape=[
            jax.ShapeDtypeStruct((N + TB, E), jnp.float32),
            jax.ShapeDtypeStruct((N + TB, E), jnp.int32),
            jax.ShapeDtypeStruct((8, 128), jnp.int32),
        ],
        scratch_shapes=[
            pltpu.VMEM((N, 1), jnp.int32),
            pltpu.VMEM((N, 1), jnp.int32),
            pltpu.VMEM((1, E), jnp.int32),
            pltpu.VMEM((nb, E), jnp.int32),
            pltpu.VMEM((1, E), jnp.int32),
        ],
        compiler_params=pltpu.CompilerParams(
            dimension_semantics=("arbitrary", "arbitrary"),
        ),
    )(x2, embT)


def _mlp_body(be_ref, xs_ref, W1_ref, b1_ref, W2_ref, b2_ref, gp_ref, out_ref):
    g = pl.program_id(0)
    G = pl.num_programs(0)
    total = be_ref[G]

    @pl.when(g * BLK < total)
    def _():
        xv = xs_ref[...]
        h = jnp.dot(xv, W1_ref[0], preferred_element_type=jnp.float32) + b1_ref[0]
        h = jnp.maximum(h, 0.0)
        y = jnp.dot(h, W2_ref[0], preferred_element_type=jnp.float32) + b2_ref[0]
        out_ref[...] = y * gp_ref[...]


def _grouped_mlp(xs, W1, b1r, W2, b2r, gatep2, be_arr, P, D, F, G):
    grid_spec = pltpu.PrefetchScalarGridSpec(
        num_scalar_prefetch=1,
        grid=(G,),
        in_specs=[
            pl.BlockSpec((BLK, D), lambda g, be: (g, 0)),
            pl.BlockSpec((1, D, F), lambda g, be: (be[g], 0, 0)),
            pl.BlockSpec((1, 1, F), lambda g, be: (be[g], 0, 0)),
            pl.BlockSpec((1, F, D), lambda g, be: (be[g], 0, 0)),
            pl.BlockSpec((1, 1, D), lambda g, be: (be[g], 0, 0)),
            pl.BlockSpec((BLK, 1), lambda g, be: (g, 0)),
        ],
        out_specs=pl.BlockSpec((BLK, D), lambda g, be: (g, 0)),
    )
    return pl.pallas_call(
        _mlp_body,
        grid_spec=grid_spec,
        out_shape=jax.ShapeDtypeStruct((P, D), jnp.float32),
        compiler_params=pltpu.CompilerParams(
            dimension_semantics=("arbitrary",),
        ),
    )(be_arr, xs, W1, b1r, W2, b2r, gatep2)


def _sc_mesh():
    return plsc.VectorSubcoreMesh(core_axis_name="c", subcore_axis_name="s")


def _sc_compiler_params():
    cp = pltpu.CompilerParams()
    if "needs_layout_passes" in pltpu.CompilerParams.__dataclass_fields__:
        cp = dataclasses.replace(cp, needs_layout_passes=False)
    return cp


def _sc_scatter(posf, gatesf, P):
    NSLOT = posf.shape[0]

    @functools.partial(
        pl.kernel,
        out_type=[jax.ShapeDtypeStruct((P,), jnp.int32),
                  jax.ShapeDtypeStruct((P,), jnp.float32)],
        mesh=_sc_mesh(),
        compiler_params=_sc_compiler_params(),
        scratch_types=[pltpu.VMEM((NSLOT,), jnp.int32),
                       pltpu.VMEM((NSLOT,), jnp.float32),
                       pltpu.VMEM((P,), jnp.int32),
                       pltpu.VMEM((P,), jnp.float32)],
    )
    def k(posf_hbm, gatesf_hbm, invtok_hbm, gatep_hbm, pos_v, gval_v, tbl_i, tbl_f):
        wid = lax.axis_index("s") * 2 + lax.axis_index("c")
        zi = jnp.zeros((LANES,), jnp.int32)
        zf = jnp.zeros((LANES,), jnp.float32)
        lane = lax.iota(jnp.int32, LANES)

        @pl.when(wid == 0)
        def _():
            pltpu.sync_copy(posf_hbm, pos_v)

            @pl.loop(0, P, step=LANES)
            def _(i):
                tbl_i[pl.ds(i, LANES)] = zi

            @pl.loop(0, NSLOT, step=LANES)
            def _(i):
                p16 = pos_v[pl.ds(i, LANES)]
                tok16 = (i + lane) // TOPK
                plsc.store_scatter(tbl_i, [p16], tok16)

            pltpu.sync_copy(tbl_i, invtok_hbm)

        @pl.when(wid == 1)
        def _():
            pltpu.sync_copy(posf_hbm, pos_v)
            pltpu.sync_copy(gatesf_hbm, gval_v)

            @pl.loop(0, P, step=LANES)
            def _(i):
                tbl_f[pl.ds(i, LANES)] = zf

            @pl.loop(0, NSLOT, step=LANES)
            def _(i):
                p16 = pos_v[pl.ds(i, LANES)]
                v16 = gval_v[pl.ds(i, LANES)]
                plsc.store_scatter(tbl_f, [p16], v16)

            pltpu.sync_copy(tbl_f, gatep_hbm)

    return k(posf, gatesf)


NW = 32


def _sc_gather_rows(x2, inv, P, D):
    per_w = P // NW
    nchunk = per_w // GW

    @functools.partial(
        pl.kernel,
        out_type=jax.ShapeDtypeStruct((P, D), jnp.float32),
        mesh=_sc_mesh(),
        scratch_types=[pltpu.VMEM((GW,), jnp.int32),
                       pltpu.VMEM((GW, D), jnp.float32),
                       pltpu.SemaphoreType.DMA],
    )
    def k(x_hbm, inv_hbm, xs_hbm, idx_v, rows_v, sem):
        wid = lax.axis_index("s") * 2 + lax.axis_index("c")

        @pl.loop(0, nchunk)
        def _(c):
            base = wid * per_w + c * GW
            pltpu.sync_copy(inv_hbm.at[pl.ds(base, GW)], idx_v)
            pltpu.async_copy(x_hbm.at[idx_v], rows_v, sem).wait()
            pltpu.sync_copy(rows_v, xs_hbm.at[pl.ds(base, GW)])

    return k(x2, inv)


def _sc_combine(ys, pos0c, pos1c, N, D):
    per_w = N // NW
    nchunk = per_w // CW

    @functools.partial(
        pl.kernel,
        out_type=jax.ShapeDtypeStruct((N, D), jnp.float32),
        mesh=_sc_mesh(),
        scratch_types=[pltpu.VMEM((CW,), jnp.int32),
                       pltpu.VMEM((CW,), jnp.int32),
                       pltpu.VMEM((CW, D), jnp.float32),
                       pltpu.VMEM((CW, D), jnp.float32),
                       pltpu.SemaphoreType.DMA,
                       pltpu.SemaphoreType.DMA],
    )
    def k(ys_hbm, p0_hbm, p1_hbm, out_hbm, iA_v, iB_v, bufA, bufB, semA, semB):
        wid = lax.axis_index("s") * 2 + lax.axis_index("c")

        @pl.loop(0, nchunk)
        def _(c):
            base = wid * per_w + c * CW
            pltpu.sync_copy(p0_hbm.at[pl.ds(base, CW)], iA_v)
            pltpu.sync_copy(p1_hbm.at[pl.ds(base, CW)], iB_v)
            cpA = pltpu.async_copy(ys_hbm.at[iA_v], bufA, semA)
            cpB = pltpu.async_copy(ys_hbm.at[iB_v], bufB, semB)
            cpA.wait()
            cpB.wait()

            @pl.loop(0, CW)
            def _(r):
                for cc in range(D // LANES):
                    sl = pl.ds(cc * LANES, LANES)
                    bufA[r, sl] = bufA[r, sl] + bufB[r, sl]

            pltpu.sync_copy(bufA, out_hbm.at[pl.ds(base, CW)])

    return k(ys, pos0c, pos1c)


def kernel(x, expert_embeddings, W1, b1, W2, b2):
    B, S, D = x.shape
    E, _, F = W1.shape
    N = B * S
    NS = N * TOPK
    P = NS + E * BLK
    G = P // BLK

    x2 = x.reshape(N, D)
    embT = expert_embeddings.T
    b1r = b1.reshape(E, 1, F)
    b2r = b2.reshape(E, 1, D)

    gates8, pos8, be_out = _router(x2, embT, N, D, E, G)

    gates8 = gates8[:N]
    pos8 = pos8[:N]
    posf = pos8[:, :TOPK].reshape(NS)
    gatesf = gates8[:, :TOPK].reshape(NS)
    be_arr = be_out[0, :G + 1]

    invtok, gatep = _sc_scatter(posf, gatesf, P)
    xs = _sc_gather_rows(x2, invtok, P, D)

    ys = _grouped_mlp(xs, W1, b1r, W2, b2r, gatep.reshape(P, 1), be_arr,
                      P, D, F, G)

    out2 = _sc_combine(ys, pos8[:, 0], pos8[:, 1], N, D)
    return out2.reshape(B, S, D)

# --- scband reference (transcript-rebuilt; emitter-appended) ---
"""Pipeline reference for scband-expert-constellation-51410758533301 (READ-ONLY COPY).

The authoritative reference and input builder live on the scoring server;
editing this copy changes nothing except your own understanding.
"""

import jax, jax.numpy as jnp
import numpy as np

TOP_K = 2

def setup_inputs(seed: int = 0) -> dict:
    key = jax.random.key(seed)
    ks = jax.random.split(key, 6)
    B, S, D, E, F = 2, 2048, 768, 8, 768
    x = jax.random.normal(ks[0], (B, S, D), dtype=jnp.float32)
    expert_embeddings = jax.random.normal(ks[1], (E, D), dtype=jnp.float32)
    W1 = jax.random.normal(ks[2], (E, D, F), dtype=jnp.float32) * 0.02
    b1 = jnp.zeros((E, F), dtype=jnp.float32)
    W2 = jax.random.normal(ks[3], (E, F, D), dtype=jnp.float32) * 0.02
    b2 = jnp.zeros((E, D), dtype=jnp.float32)
    return {"x": x, "expert_embeddings": expert_embeddings, "W1": W1, "b1": b1, "W2": W2, "b2": b2}


def reference(x, expert_embeddings, W1, b1, W2, b2):
    # Supervisor: router logits = x . expert_embeddings^T, top-k selection + softmax gating
    B, S, D = x.shape
    logits = jnp.einsum('bsd,ed->bse', x, expert_embeddings)
    gate_vals, expert_indices = jax.lax.top_k(logits, TOP_K)
    gating_weights = jax.nn.softmax(gate_vals, axis=-1)
    # Each expert is a 2-layer MLP. The torch module runs each activated expert
    # over the FULL input and masks per-token (torch.where). Mathematically this
    # equals computing all expert outputs and gathering per-token by expert id.
    h = jnp.einsum('bsd,edf->bsef', x, W1) + b1[None, None, :, :]
    h = jax.nn.relu(h)
    out_all = jnp.einsum('bsef,efo->bseo', h, W2) + b2[None, None, :, :]  # [B,S,E,D]
    combined = jnp.zeros((B, S, D), dtype=x.dtype)
    for k in range(TOP_K):
        idx_k = expert_indices[:, :, k]  # [B,S]
        gidx = jnp.broadcast_to(idx_k[:, :, None, None], (B, S, 1, D))
        gathered = jnp.take_along_axis(out_all, gidx, axis=2)[:, :, 0, :]  # [B,S,D]
        combined = combined + gathered * gating_weights[:, :, k:k + 1]
    return combined

if __name__ == "__main__":
    import jax
    _d = setup_inputs()
    print(jax.jit(kernel)(*tuple(_d.values())))

</pallas_src>

<mosaic_0001>
#map = affine_map<(d0, d1) -> (0)>
module attributes {stable_mosaic.version = 14 : i64} {
  func.func @k(%arg0: i32, %arg1: i32, %arg2: memref<8192xi32, #tpu.memory_space<hbm>>, %arg3: memref<8192xf32, #tpu.memory_space<hbm>>, %arg4: memref<12288xi32, #tpu.memory_space<hbm>>, %arg5: memref<12288xf32, #tpu.memory_space<hbm>>, %arg6: memref<8192xi32, #tpu.memory_space<vmem>>, %arg7: memref<8192xf32, #tpu.memory_space<vmem>>, %arg8: memref<12288xi32, #tpu.memory_space<vmem>>, %arg9: memref<12288xf32, #tpu.memory_space<vmem>>) attributes {dimension_semantics = [#tpu.dimension_semantics<core_parallel>, #tpu.dimension_semantics<subcore_parallel>], iteration_bounds = array<i64: 2, 16>, scalar_prefetch = 0 : i64, scratch_operands = 4 : i64, tpu.core_type = #tpu.core_type<sc_vector_subcore>, window_params = [{transform_indices = #map}, {transform_indices = #map}, {transform_indices = #map}, {transform_indices = #map}]} {
    %mul3A = arith.constant 2 : i32
    %mul3A_0 = arith.muli %arg1, %mul3A : i32
    %add3A = arith.addi %mul3A_0, %arg0 : i32
    %broadcast_in_dim3A = arith.constant 0 : i32
    %broadcast_in_dim3A_1 = vector.broadcast %broadcast_in_dim3A : i32 to vector<16xi32>
    %broadcast_in_dim3A_2 = arith.constant 0.000000e+00 : f32
    %broadcast_in_dim3A_3 = vector.broadcast %broadcast_in_dim3A_2 : f32 to vector<16xf32>
    %iota3A = tpu.iota {dimensions = array<i32: 0>} : vector<16xi32>
    %eq3A = arith.constant 0 : i32
    %eq3A_4 = arith.cmpi eq, %add3A, %eq3A : i32
    %convert_element_type3A = arith.extui %eq3A_4 : i1 to i32
    %cond3A = arith.constant 0 : i32
    %cond3A_5 = arith.cmpi ne, %convert_element_type3A, %cond3A : i32
    scf.if %cond3A_5 {
      "tpu.region"() ({
        %run_scoped3A = tpu.sem_alloc : memref<!tpu.dma_semaphore, #tpu.memory_space<semaphore_mem>>
        tpu.enqueue_dma source(%arg2 : memref<8192xi32, #tpu.memory_space<hbm>>) target(%arg6 : memref<8192xi32, #tpu.memory_space<vmem>>) target_semaphore(%run_scoped3A : memref<!tpu.dma_semaphore, #tpu.memory_space<semaphore_mem>>)
        tpu.wait_dma2 semaphore(%run_scoped3A : memref<!tpu.dma_semaphore, #tpu.memory_space<semaphore_mem>>) src(%arg2 : memref<8192xi32, #tpu.memory_space<hbm>>) dst(%arg6 : memref<8192xi32, #tpu.memory_space<vmem>>)
        tpu.yield
      }) : () -> ()
      %scan3A = arith.constant 0 : i32
      %scan3A_11 = arith.constant 768 : i32
      %scan3A_12 = arith.addi %scan3A, %scan3A_11 : i32
      %scan3A_13 = arith.constant 1 : i32
      scf.for %scan3A_20 = %scan3A to %scan3A_12 step %scan3A_13  : i32 {
        %mul3A_21 = arith.constant 16 : i32
        %mul3A_22 = arith.muli %scan3A_20, %mul3A_21 : i32
        %add3A_23 = arith.constant 0 : i32
        %add3A_24 = arith.addi %add3A_23, %mul3A_22 : i32
        %swap3A = arith.index_cast %add3A_24 : i32 to index
        %swap3A_25 = tpu.vector_load %arg8[%swap3A] {strides = array<i32>} : memref<12288xi32, #tpu.memory_space<vmem>>, vector<16xi32>,
        tpu.vector_store %arg8[%swap3A], %broadcast_in_dim3A_1 {strides = array<i32>} : memref<12288xi32, #tpu.memory_space<vmem>>, vector<16xi32>,
      }
      %scan3A_14 = arith.constant 768 : i32
      %scan3A_15 = arith.constant 0 : i32
      %scan3A_16 = arith.constant 512 : i32
      %scan3A_17 = arith.addi %scan3A_15, %scan3A_16 : i32
      %scan3A_18 = arith.constant 1 : i32
      scf.for %scan3A_20 = %scan3A_15 to %scan3A_17 step %scan3A_18  : i32 {
        %mul3A_21 = arith.constant 16 : i32
        %mul3A_22 = arith.muli %scan3A_20, %mul3A_21 : i32
        %add3A_23 = arith.constant 0 : i32
        %add3A_24 = arith.addi %add3A_23, %mul3A_22 : i32
        %get3A = arith.index_cast %add3A_24 : i32 to index
        %get3A_25 = tpu.vector_load %arg6[%get3A] {strides = array<i32>} : memref<8192xi32, #tpu.memory_space<vmem>>, vector<16xi32>,
        %add3A_26 = vector.broadcast %add3A_24 : i32 to vector<16xi32>
        %add3A_27 = arith.addi %add3A_26, %iota3A : vector<16xi32>
        %jit3A = arith.constant 2 : i32
        %div3A = vector.broadcast %jit3A : i32 to vector<16xi32>
        %div3A_28 = arith.divsi %add3A_27, %div3A : vector<16xi32>
        %sign3A = arith.constant 0 : i32
        %sign3A_29 = vector.broadcast %sign3A : i32 to vector<16xi32>
        %sign3A_30 = arith.cmpi sgt, %add3A_27, %sign3A_29 : vector<16xi32>
        %sign3A_31 = arith.extui %sign3A_30 : vector<16xi1> to vector<16xi32>
        %sign3A_32 = arith.constant 0 : i32
        %sign3A_33 = vector.broadcast %sign3A_32 : i32 to vector<16xi32>
        %sign3A_34 = arith.cmpi slt, %add3A_27, %sign3A_33 : vector<16xi32>
        %sign3A_35 = arith.extui %sign3A_34 : vector<16xi1> to vector<16xi32>
        %sign3A_36 = arith.subi %sign3A_31, %sign3A_35 : vector<16xi32>
        %sign3A_37 = arith.constant 0 : i32
        %sign3A_38 = arith.cmpi sgt, %jit3A, %sign3A_37 : i32
        %sign3A_39 = arith.extui %sign3A_38 : i1 to i32
        %sign3A_40 = arith.constant 0 : i32
        %sign3A_41 = arith.cmpi slt, %jit3A, %sign3A_40 : i32
        %sign3A_42 = arith.extui %sign3A_41 : i1 to i32
        %sign3A_43 = arith.subi %sign3A_39, %sign3A_42 : i32
        %ne3A = vector.broadcast %sign3A_43 : i32 to vector<16xi32>
        %ne3A_44 = arith.cmpi ne, %sign3A_36, %ne3A : vector<16xi32>
        %rem3A = vector.broadcast %jit3A : i32 to vector<16xi32>
        %rem3A_45 = arith.remsi %add3A_27, %rem3A : vector<16xi32>
        %ne3A_46 = arith.constant 0 : i32
        %ne3A_47 = vector.broadcast %ne3A_46 : i32 to vector<16xi32>
        %ne3A_48 = arith.cmpi ne, %rem3A_45, %ne3A_47 : vector<16xi32>
        %and3A = arith.andi %ne3A_44, %ne3A_48 : vector<16xi1>
        %sub3A = arith.constant 1 : i32
        %sub3A_49 = vector.broadcast %sub3A : i32 to vector<16xi32>
        %sub3A_50 = arith.subi %div3A_28, %sub3A_49 : vector<16xi32>
        %select_n3A = arith.select %and3A, %sub3A_50, %div3A_28 : vector<16xi1>, vector<16xi32>
        tpu.vector_store_idx %arg8[%get3A_25], %select_n3A : memref<12288xi32, #tpu.memory_space<vmem>>[vector<16xi32>], vector<16xi32>,
      }
      %scan3A_19 = arith.constant 512 : i32
      "tpu.region"() ({
        %run_scoped3A = tpu.sem_alloc : memref<!tpu.dma_semaphore, #tpu.memory_space<semaphore_mem>>
        tpu.enqueue_dma source(%arg8 : memref<12288xi32, #tpu.memory_space<vmem>>) target(%arg4 : memref<12288xi32, #tpu.memory_space<hbm>>) target_semaphore(%run_scoped3A : memref<!tpu.dma_semaphore, #tpu.memory_space<semaphore_mem>>)
        tpu.wait_dma2 semaphore(%run_scoped3A : memref<!tpu.dma_semaphore, #tpu.memory_space<semaphore_mem>>) src(%arg8 : memref<12288xi32, #tpu.memory_space<vmem>>) dst(%arg4 : memref<12288xi32, #tpu.memory_space<hbm>>)
        tpu.yield
      }) : () -> ()
    } else {
    }
    %eq3A_6 = arith.constant 1 : i32
    %eq3A_7 = arith.cmpi eq, %add3A, %eq3A_6 : i32
    %convert_element_type3A_8 = arith.extui %eq3A_7 : i1 to i32
    %cond3A_9 = arith.constant 0 : i32
    %cond3A_10 = arith.cmpi ne, %convert_element_type3A_8, %cond3A_9 : i32
    scf.if %cond3A_10 {
      "tpu.region"() ({
        %run_scoped3A = tpu.sem_alloc : memref<!tpu.dma_semaphore, #tpu.memory_space<semaphore_mem>>
        tpu.enqueue_dma source(%arg2 : memref<8192xi32, #tpu.memory_space<hbm>>) target(%arg6 : memref<8192xi32, #tpu.memory_space<vmem>>) target_semaphore(%run_scoped3A : memref<!tpu.dma_semaphore, #tpu.memory_space<semaphore_mem>>)
        tpu.wait_dma2 semaphore(%run_scoped3A : memref<!tpu.dma_semaphore, #tpu.memory_space<semaphore_mem>>) src(%arg2 : memref<8192xi32, #tpu.memory_space<hbm>>) dst(%arg6 : memref<8192xi32, #tpu.memory_space<vmem>>)
        tpu.yield
      }) : () -> ()
      "tpu.region"() ({
        %run_scoped3A = tpu.sem_alloc : memref<!tpu.dma_semaphore, #tpu.memory_space<semaphore_mem>>
        tpu.enqueue_dma source(%arg3 : memref<8192xf32, #tpu.memory_space<hbm>>) target(%arg7 : memref<8192xf32, #tpu.memory_space<vmem>>) target_semaphore(%run_scoped3A : memref<!tpu.dma_semaphore, #tpu.memory_space<semaphore_mem>>)
        tpu.wait_dma2 semaphore(%run_scoped3A : memref<!tpu.dma_semaphore, #tpu.memory_space<semaphore_mem>>) src(%arg3 : memref<8192xf32, #tpu.memory_space<hbm>>) dst(%arg7 : memref<8192xf32, #tpu.memory_space<vmem>>)
        tpu.yield
      }) : () -> ()
      %scan3A = arith.constant 0 : i32
      %scan3A_11 = arith.constant 768 : i32
      %scan3A_12 = arith.addi %scan3A, %scan3A_11 : i32
      %scan3A_13 = arith.constant 1 : i32
      scf.for %scan3A_20 = %scan3A to %scan3A_12 step %scan3A_13  : i32 {
        %mul3A_21 = arith.constant 16 : i32
        %mul3A_22 = arith.muli %scan3A_20, %mul3A_21 : i32
        %add3A_23 = arith.constant 0 : i32
        %add3A_24 = arith.addi %add3A_23, %mul3A_22 : i32
        %swap3A = arith.index_cast %add3A_24 : i32 to index
        %swap3A_25 = tpu.vector_load %arg9[%swap3A] {strides = array<i32>} : memref<12288xf32, #tpu.memory_space<vmem>>, vector<16xf32>,
        tpu.vector_store %arg9[%swap3A], %broadcast_in_dim3A_3 {strides = array<i32>} : memref<12288xf32, #tpu.memory_space<vmem>>, vector<16xf32>,
      }
      %scan3A_14 = arith.constant 768 : i32
      %scan3A_15 = arith.constant 0 : i32
      %scan3A_16 = arith.constant 512 : i32
      %scan3A_17 = arith.addi %scan3A_15, %scan3A_16 : i32
      %scan3A_18 = arith.constant 1 : i32
      scf.for %scan3A_20 = %scan3A_15 to %scan3A_17 step %scan3A_18  : i32 {
        %mul3A_21 = arith.constant 16 : i32
        %mul3A_22 = arith.muli %scan3A_20, %mul3A_21 : i32
        %add3A_23 = arith.constant 0 : i32
        %add3A_24 = arith.addi %add3A_23, %mul3A_22 : i32
        %get3A = arith.index_cast %add3A_24 : i32 to index
        %get3A_25 = tpu.vector_load %arg6[%get3A] {strides = array<i32>} : memref<8192xi32, #tpu.memory_space<vmem>>, vector<16xi32>,
        %get3A_26 = arith.index_cast %add3A_24 : i32 to index
        %get3A_27 = tpu.vector_load %arg7[%get3A_26] {strides = array<i32>} : memref<8192xf32, #tpu.memory_space<vmem>>, vector<16xf32>,
        tpu.vector_store_idx %arg9[%get3A_25], %get3A_27 : memref<12288xf32, #tpu.memory_space<vmem>>[vector<16xi32>], vector<16xf32>,
      }
      %scan3A_19 = arith.constant 512 : i32
      "tpu.region"() ({
        %run_scoped3A = tpu.sem_alloc : memref<!tpu.dma_semaphore, #tpu.memory_space<semaphore_mem>>
        tpu.enqueue_dma source(%arg9 : memref<12288xf32, #tpu.memory_space<vmem>>) target(%arg5 : memref<12288xf32, #tpu.memory_space<hbm>>) target_semaphore(%run_scoped3A : memref<!tpu.dma_semaphore, #tpu.memory_space<semaphore_mem>>)
        tpu.wait_dma2 semaphore(%run_scoped3A : memref<!tpu.dma_semaphore, #tpu.memory_space<semaphore_mem>>) src(%arg9 : memref<12288xf32, #tpu.memory_space<vmem>>) dst(%arg5 : memref<12288xf32, #tpu.memory_space<hbm>>)
        tpu.yield
      }) : () -> ()
    } else {
    }
    return
  }
}

#map = affine_map<(d0, d1) -> (0, 0)>
#map1 = affine_map<(d0, d1) -> (0)>
module attributes {stable_mosaic.version = 14 : i64} {
  func.func @k(%arg0: i32, %arg1: i32, %arg2: memref<4096x768xf32, #tpu.memory_space<hbm>>, %arg3: memref<12288xi32, #tpu.memory_space<hbm>>, %arg4: memref<12288x768xf32, #tpu.memory_space<hbm>>, %arg5: memref<64xi32, #tpu.memory_space<vmem>>, %arg6: memref<64x768xf32, #tpu.memory_space<vmem>>, %arg7: memref<!tpu.dma_semaphore, #tpu.memory_space<semaphore_mem>>) attributes {dimension_semantics = [#tpu.dimension_semantics<core_parallel>, #tpu.dimension_semantics<subcore_parallel>], iteration_bounds = array<i64: 2, 16>, scalar_prefetch = 0 : i64, scratch_operands = 3 : i64, tpu.core_type = #tpu.core_type<sc_vector_subcore>, window_params = [{transform_indices = #map}, {transform_indices = #map1}, {transform_indices = #map}]} {
    %mul3A = arith.constant 2 : i32
    %mul3A_0 = arith.muli %arg1, %mul3A : i32
    %add3A = arith.addi %mul3A_0, %arg0 : i32
    %scan3A = arith.constant 0 : i32
    %scan3A_1 = arith.constant 6 : i32
    %scan3A_2 = arith.addi %scan3A, %scan3A_1 : i32
    %scan3A_3 = arith.constant 1 : i32
    scf.for %scan3A_5 = %scan3A to %scan3A_2 step %scan3A_3  : i32 {
      %mul3A_6 = arith.constant 1 : i32
      %mul3A_7 = arith.muli %scan3A_5, %mul3A_6 : i32
      %add3A_8 = arith.constant 0 : i32
      %add3A_9 = arith.addi %add3A_8, %mul3A_7 : i32
      %mul3A_10 = arith.constant 384 : i32
      %mul3A_11 = arith.muli %add3A, %mul3A_10 : i32
      %mul3A_12 = arith.constant 64 : i32
      %mul3A_13 = arith.muli %add3A_9, %mul3A_12 : i32
      %add3A_14 = arith.addi %mul3A_11, %mul3A_13 : i32
      "tpu.region"() ({
        %run_scoped3A = tpu.sem_alloc : memref<!tpu.dma_semaphore, #tpu.memory_space<semaphore_mem>>
        %dma_start3A_19 = tpu.memref_slice %arg3[%add3A_14] : memref<12288xi32, #tpu.memory_space<hbm>> -> memref<64xi32, #tpu.memory_space<hbm>>
        %dma_start3A_20 = tpu.memref_slice %arg3[%add3A_14] : memref<12288xi32, #tpu.memory_space<hbm>> -> memref<64xi32, #tpu.memory_space<hbm>>
        tpu.enqueue_dma source(%dma_start3A_20 : memref<64xi32, #tpu.memory_space<hbm>>) target(%arg5 : memref<64xi32, #tpu.memory_space<vmem>>) target_semaphore(%run_scoped3A : memref<!tpu.dma_semaphore, #tpu.memory_space<semaphore_mem>>)
        %dma_wait3A_21 = tpu.memref_slice %arg3[%add3A_14] : memref<12288xi32, #tpu.memory_space<hbm>> -> memref<64xi32, #tpu.memory_space<hbm>>
        %dma_wait3A_22 = tpu.memref_slice %arg3[%add3A_14] : memref<12288xi32, #tpu.memory_space<hbm>> -> memref<64xi32, #tpu.memory_space<hbm>>
        tpu.wait_dma2 semaphore(%run_scoped3A : memref<!tpu.dma_semaphore, #tpu.memory_space<semaphore_mem>>) src(%dma_wait3A_22 : memref<64xi32, #tpu.memory_space<hbm>>) dst(%arg5 : memref<64xi32, #tpu.memory_space<vmem>>)
        tpu.yield
      }) : () -> ()
      %dma_start3A = arith.constant 0 : i32
      %dma_start3A_15 = arith.constant 0 : i32
      %dma_start3A_16 = tpu.memref_slice %arg2[%dma_start3A, %dma_start3A_15] : memref<4096x768xf32, #tpu.memory_space<hbm>> -> memref<4096x768xf32, #tpu.memory_space<hbm>>
      tpu.enqueue_indirect_dma source(%dma_start3A_16 : memref<4096x768xf32, #tpu.memory_space<hbm>>) target(%arg6 : memref<64x768xf32, #tpu.memory_space<vmem>>) offsets(%arg5 : memref<64xi32, #tpu.memory_space<vmem>>) semaphore(%arg7 : memref<!tpu.dma_semaphore, #tpu.memory_space<semaphore_mem>>)
      %dma_wait3A = arith.constant 0 : i32
      %dma_wait3A_17 = arith.constant 0 : i32
      %dma_wait3A_18 = tpu.memref_slice %arg2[%dma_wait3A, %dma_wait3A_17] : memref<4096x768xf32, #tpu.memory_space<hbm>> -> memref<4096x768xf32, #tpu.memory_space<hbm>>
      tpu.wait_indirect_dma semaphore(%arg7 : memref<!tpu.dma_semaphore, #tpu.memory_space<semaphore_mem>>) src(%dma_wait3A_18 : memref<4096x768xf32, #tpu.memory_space<hbm>>) dst(%arg6 : memref<64x768xf32, #tpu.memory_space<vmem>>)
      "tpu.region"() ({
        %run_scoped3A = tpu.sem_alloc : memref<!tpu.dma_semaphore, #tpu.memory_space<semaphore_mem>>
        %dma_start3A_19 = arith.constant 0 : i32
        %dma_start3A_20 = tpu.memref_slice %arg4[%add3A_14, %dma_start3A_19] : memref<12288x768xf32, #tpu.memory_space<hbm>> -> memref<64x768xf32, #tpu.memory_space<hbm>>
        %dma_start3A_21 = arith.constant 0 : i32
        %dma_start3A_22 = tpu.memref_slice %arg4[%add3A_14, %dma_start3A_21] : memref<12288x768xf32, #tpu.memory_space<hbm>> -> memref<64x768xf32, #tpu.memory_space<hbm>>
        tpu.enqueue_dma source(%arg6 : memref<64x768xf32, #tpu.memory_space<vmem>>) target(%dma_start3A_22 : memref<64x768xf32, #tpu.memory_space<hbm>>) target_semaphore(%run_scoped3A : memref<!tpu.dma_semaphore, #tpu.memory_space<semaphore_mem>>)
        %dma_wait3A_23 = arith.constant 0 : i32
        %dma_wait3A_24 = tpu.memref_slice %arg4[%add3A_14, %dma_wait3A_23] : memref<12288x768xf32, #tpu.memory_space<hbm>> -> memref<64x768xf32, #tpu.memory_space<hbm>>
        %dma_wait3A_25 = arith.constant 0 : i32
        %dma_wait3A_26 = tpu.memref_slice %arg4[%add3A_14, %dma_wait3A_25] : memref<12288x768xf32, #tpu.memory_space<hbm>> -> memref<64x768xf32, #tpu.memory_space<hbm>>
        tpu.wait_dma2 semaphore(%run_scoped3A : memref<!tpu.dma_semaphore, #tpu.memory_space<semaphore_mem>>) src(%arg6 : memref<64x768xf32, #tpu.memory_space<vmem>>) dst(%dma_wait3A_26 : memref<64x768xf32, #tpu.memory_space<hbm>>)
        tpu.yield
      }) : () -> ()
    }
    %scan3A_4 = arith.constant 6 : i32
    return
  }
}

#map = affine_map<(d0, d1) -> (0, 0)>
#map1 = affine_map<(d0, d1) -> (0)>
module attributes {stable_mosaic.version = 14 : i64} {
  func.func @k(%arg0: i32, %arg1: i32, %arg2: memref<12288x768xf32, #tpu.memory_space<hbm>>, %arg3: memref<4096xi32, #tpu.memory_space<hbm>>, %arg4: memref<4096xi32, #tpu.memory_space<hbm>>, %arg5: memref<4096x768xf32, #tpu.memory_space<hbm>>, %arg6: memref<32xi32, #tpu.memory_space<vmem>>, %arg7: memref<32xi32, #tpu.memory_space<vmem>>, %arg8: memref<32x768xf32, #tpu.memory_space<vmem>>, %arg9: memref<32x768xf32, #tpu.memory_space<vmem>>, %arg10: memref<!tpu.dma_semaphore, #tpu.memory_space<semaphore_mem>>, %arg11: memref<!tpu.dma_semaphore, #tpu.memory_space<semaphore_mem>>) attributes {dimension_semantics = [#tpu.dimension_semantics<core_parallel>, #tpu.dimension_semantics<subcore_parallel>], iteration_bounds = array<i64: 2, 16>, scalar_prefetch = 0 : i64, scratch_operands = 6 : i64, tpu.core_type = #tpu.core_type<sc_vector_subcore>, window_params = [{transform_indices = #map}, {transform_indices = #map1}, {transform_indices = #map1}, {transform_indices = #map}]} {
    %mul3A = arith.constant 2 : i32
    %mul3A_0 = arith.muli %arg1, %mul3A : i32
    %add3A = arith.addi %mul3A_0, %arg0 : i32
    %scan3A = arith.constant 0 : i32
    %scan3A_1 = arith.constant 4 : i32
    %scan3A_2 = arith.addi %scan3A, %scan3A_1 : i32
    %scan3A_3 = arith.constant 1 : i32
    scf.for %scan3A_5 = %scan3A to %scan3A_2 step %scan3A_3  : i32 {
      %mul3A_6 = arith.constant 1 : i32
      %mul3A_7 = arith.muli %scan3A_5, %mul3A_6 : i32
      %add3A_8 = arith.constant 0 : i32
      %add3A_9 = arith.addi %add3A_8, %mul3A_7 : i32
      %mul3A_10 = arith.constant 128 : i32
      %mul3A_11 = arith.muli %add3A, %mul3A_10 : i32
      %mul3A_12 = arith.constant 32 : i32
      %mul3A_13 = arith.muli %add3A_9, %mul3A_12 : i32
      %add3A_14 = arith.addi %mul3A_11, %mul3A_13 : i32
      "tpu.region"() ({
        %run_scoped3A = tpu.sem_alloc : memref<!tpu.dma_semaphore, #tpu.memory_space<semaphore_mem>>
        %dma_start3A_30 = tpu.memref_slice %arg3[%add3A_14] : memref<4096xi32, #tpu.memory_space<hbm>> -> memref<32xi32, #tpu.memory_space<hbm>>
        %dma_start3A_31 = tpu.memref_slice %arg3[%add3A_14] : memref<4096xi32, #tpu.memory_space<hbm>> -> memref<32xi32, #tpu.memory_space<hbm>>
        tpu.enqueue_dma source(%dma_start3A_31 : memref<32xi32, #tpu.memory_space<hbm>>) target(%arg6 : memref<32xi32, #tpu.memory_space<vmem>>) target_semaphore(%run_scoped3A : memref<!tpu.dma_semaphore, #tpu.memory_space<semaphore_mem>>)
        %dma_wait3A_32 = tpu.memref_slice %arg3[%add3A_14] : memref<4096xi32, #tpu.memory_space<hbm>> -> memref<32xi32, #tpu.memory_space<hbm>>
        %dma_wait3A_33 = tpu.memref_slice %arg3[%add3A_14] : memref<4096xi32, #tpu.memory_space<hbm>> -> memref<32xi32, #tpu.memory_space<hbm>>
        tpu.wait_dma2 semaphore(%run_scoped3A : memref<!tpu.dma_semaphore, #tpu.memory_space<semaphore_mem>>) src(%dma_wait3A_33 : memref<32xi32, #tpu.memory_space<hbm>>) dst(%arg6 : memref<32xi32, #tpu.memory_space<vmem>>)
        tpu.yield
      }) : () -> ()
      "tpu.region"() ({
        %run_scoped3A = tpu.sem_alloc : memref<!tpu.dma_semaphore, #tpu.memory_space<semaphore_mem>>
        %dma_start3A_30 = tpu.memref_slice %arg4[%add3A_14] : memref<4096xi32, #tpu.memory_space<hbm>> -> memref<32xi32, #tpu.memory_space<hbm>>
        %dma_start3A_31 = tpu.memref_slice %arg4[%add3A_14] : memref<4096xi32, #tpu.memory_space<hbm>> -> memref<32xi32, #tpu.memory_space<hbm>>
        tpu.enqueue_dma source(%dma_start3A_31 : memref<32xi32, #tpu.memory_space<hbm>>) target(%arg7 : memref<32xi32, #tpu.memory_space<vmem>>) target_semaphore(%run_scoped3A : memref<!tpu.dma_semaphore, #tpu.memory_space<semaphore_mem>>)
        %dma_wait3A_32 = tpu.memref_slice %arg4[%add3A_14] : memref<4096xi32, #tpu.memory_space<hbm>> -> memref<32xi32, #tpu.memory_space<hbm>>
        %dma_wait3A_33 = tpu.memref_slice %arg4[%add3A_14] : memref<4096xi32, #tpu.memory_space<hbm>> -> memref<32xi32, #tpu.memory_space<hbm>>
        tpu.wait_dma2 semaphore(%run_scoped3A : memref<!tpu.dma_semaphore, #tpu.memory_space<semaphore_mem>>) src(%dma_wait3A_33 : memref<32xi32, #tpu.memory_space<hbm>>) dst(%arg7 : memref<32xi32, #tpu.memory_space<vmem>>)
        tpu.yield
      }) : () -> ()
      %dma_start3A = arith.constant 0 : i32
      %dma_start3A_15 = arith.constant 0 : i32
      %dma_start3A_16 = tpu.memref_slice %arg2[%dma_start3A, %dma_start3A_15] : memref<12288x768xf32, #tpu.memory_space<hbm>> -> memref<12288x768xf32, #tpu.memory_space<hbm>>
      tpu.enqueue_indirect_dma source(%dma_start3A_16 : memref<12288x768xf32, #tpu.memory_space<hbm>>) target(%arg8 : memref<32x768xf32, #tpu.memory_space<vmem>>) offsets(%arg6 : memref<32xi32, #tpu.memory_space<vmem>>) semaphore(%arg10 : memref<!tpu.dma_semaphore, #tpu.memory_space<semaphore_mem>>)
      %dma_start3A_17 = arith.constant 0 : i32
      %dma_start3A_18 = arith.constant 0 : i32
      %dma_start3A_19 = tpu.memref_slice %arg2[%dma_start3A_17, %dma_start3A_18] : memref<12288x768xf32, #tpu.memory_space<hbm>> -> memref<12288x768xf32, #tpu.memory_space<hbm>>
      tpu.enqueue_indirect_dma source(%dma_start3A_19 : memref<12288x768xf32, #tpu.memory_space<hbm>>) target(%arg9 : memref<32x768xf32, #tpu.memory_space<vmem>>) offsets(%arg7 : memref<32xi32, #tpu.memory_space<vmem>>) semaphore(%arg11 : memref<!tpu.dma_semaphore, #tpu.memory_space<semaphore_mem>>)
      %dma_wait3A = arith.constant 0 : i32
      %dma_wait3A_20 = arith.constant 0 : i32
      %dma_wait3A_21 = tpu.memref_slice %arg2[%dma_wait3A, %dma_wait3A_20] : memref<12288x768xf32, #tpu.memory_space<hbm>> -> memref<12288x768xf32, #tpu.memory_space<hbm>>
      tpu.wait_indirect_dma semaphore(%arg10 : memref<!tpu.dma_semaphore, #tpu.memory_space<semaphore_mem>>) src(%dma_wait3A_21 : memref<12288x768xf32, #tpu.memory_space<hbm>>) dst(%arg8 : memref<32x768xf32, #tpu.memory_space<vmem>>)
      %dma_wait3A_22 = arith.constant 0 : i32
      %dma_wait3A_23 = arith.constant 0 : i32
      %dma_wait3A_24 = tpu.memref_slice %arg2[%dma_wait3A_22, %dma_wait3A_23] : memref<12288x768xf32, #tpu.memory_space<hbm>> -> memref<12288x768xf32, #tpu.memory_space<hbm>>
      tpu.wait_indirect_dma semaphore(%arg11 : memref<!tpu.dma_semaphore, #tpu.memory_space<semaphore_mem>>) src(%dma_wait3A_24 : memref<12288x768xf32, #tpu.memory_space<hbm>>) dst(%arg9 : memref<32x768xf32, #tpu.memory_space<vmem>>)
      %scan3A_25 = arith.constant 0 : i32
      %scan3A_26 = arith.constant 32 : i32
      %scan3A_27 = arith.addi %scan3A_25, %scan3A_26 : i32
      %scan3A_28 = arith.constant 1 : i32
      scf.for %scan3A_30 = %scan3A_25 to %scan3A_27 step %scan3A_28  : i32 {
        %mul3A_31 = arith.constant 1 : i32
        %mul3A_32 = arith.muli %scan3A_30, %mul3A_31 : i32
        %add3A_33 = arith.constant 0 : i32
        %add3A_34 = arith.addi %add3A_33, %mul3A_32 : i32
        %get3A = arith.index_cast %add3A_34 : i32 to index
        %get3A_35 = arith.constant 0 : index
        %get3A_36 = tpu.vector_load %arg8[%get3A, %get3A_35] {strides = array<i32>} : memref<32x768xf32, #tpu.memory_space<vmem>>, vector<1x16xf32>,
        %get3A_37 = vector.shape_cast %get3A_36 : vector<1x16xf32> to vector<16xf32>
        %get3A_38 = arith.index_cast %add3A_34 : i32 to index
        %get3A_39 = arith.constant 0 : index
        %get3A_40 = tpu.vector_load %arg9[%get3A_38, %get3A_39] {strides = array<i32>} : memref<32x768xf32, #tpu.memory_space<vmem>>, vector<1x16xf32>,
        %get3A_41 = vector.shape_cast %get3A_40 : vector<1x16xf32> to vector<16xf32>
        %add3A_42 = arith.addf %get3A_37, %get3A_41 : vector<16xf32>
        %swap3A = arith.index_cast %add3A_34 : i32 to index
        %swap3A_43 = arith.constant 0 : index
        %swap3A_44 = tpu.vector_load %arg8[%swap3A, %swap3A_43] {strides = array<i32>} : memref<32x768xf32, #tpu.memory_space<vmem>>, vector<1x16xf32>,
        %swap3A_45 = vector.shape_cast %swap3A_44 : vector<1x16xf32> to vector<16xf32>
        %swap3A_46 = vector.shape_cast %add3A_42 : vector<16xf32> to vector<1x16xf32>
        tpu.vector_store %arg8[%swap3A, %swap3A_43], %swap3A_46 {strides = array<i32>} : memref<32x768xf32, #tpu.memory_space<vmem>>, vector<1x16xf32>,
        %get3A_47 = arith.index_cast %add3A_34 : i32 to index
        %get3A_48 = arith.constant 16 : index
        %get3A_49 = tpu.vector_load %arg8[%get3A_47, %get3A_48] {strides = array<i32>} : memref<32x768xf32, #tpu.memory_space<vmem>>, vector<1x16xf32>,
        %get3A_50 = vector.shape_cast %get3A_49 : vector<1x16xf32> to vector<16xf32>
        %get3A_51 = arith.index_cast %add3A_34 : i32 to index
        %get3A_52 = arith.constant 16 : index
        %get3A_53 = tpu.vector_load %arg9[%get3A_51, %get3A_52] {strides = array<i32>} : memref<32x768xf32, #tpu.memory_space<vmem>>, vector<1x16xf32>,
        %get3A_54 = vector.shape_cast %get3A_53 : vector<1x16xf32> to vector<16xf32>
        %add3A_55 = arith.addf %get3A_50, %get3A_54 : vector<16xf32>
        %swap3A_56 = arith.index_cast %add3A_34 : i32 to index
        %swap3A_57 = arith.constant 16 : index
        %swap3A_58 = tpu.vector_load %arg8[%swap3A_56, %swap3A_57] {strides = array<i32>} : memref<32x768xf32, #tpu.memory_space<vmem>>, vector<1x16xf32>,
        %swap3A_59 = vector.shape_cast %swap3A_58 : vector<1x16xf32> to vector<16xf32>
        %swap3A_60 = vector.shape_cast %add3A_55 : vector<16xf32> to vector<1x16xf32>
        tpu.vector_store %arg8[%swap3A_56, %swap3A_57], %swap3A_60 {strides = array<i32>} : memref<32x768xf32, #tpu.memory_space<vmem>>, vector<1x16xf32>,
        %get3A_61 = arith.index_cast %add3A_34 : i32 to index
        %get3A_62 = arith.constant 32 : index
        %get3A_63 = tpu.vector_load %arg8[%get3A_61, %get3A_62] {strides = array<i32>} : memref<32x768xf32, #tpu.memory_space<vmem>>, vector<1x16xf32>,
        %get3A_64 = vector.shape_cast %get3A_63 : vector<1x16xf32> to vector<16xf32>
        %get3A_65 = arith.index_cast %add3A_34 : i32 to index
        %get3A_66 = arith.constant 32 : index
        %get3A_67 = tpu.vector_load %arg9[%get3A_65, %get3A_66] {strides = array<i32>} : memref<32x768xf32, #tpu.memory_space<vmem>>, vector<1x16xf32>,
        %get3A_68 = vector.shape_cast %get3A_67 : vector<1x16xf32> to vector<16xf32>
        %add3A_69 = arith.addf %get3A_64, %get3A_68 : vector<16xf32>
        %swap3A_70 = arith.index_cast %add3A_34 : i32 to index
        %swap3A_71 = arith.constant 32 : index
        %swap3A_72 = tpu.vector_load %arg8[%swap3A_70, %swap3A_71] {strides = array<i32>} : memref<32x768xf32, #tpu.memory_space<vmem>>, vector<1x16xf32>,
        %swap3A_73 = vector.shape_cast %swap3A_72 : vector<1x16xf32> to vector<16xf32>
        %swap3A_74 = vector.shape_cast %add3A_69 : vector<16xf32> to vector<1x16xf32>
        tpu.vector_store %arg8[%swap3A_70, %swap3A_71], %swap3A_74 {strides = array<i32>} : memref<32x768xf32, #tpu.memory_space<vmem>>, vector<1x16xf32>,
        %get3A_75 = arith.index_cast %add3A_34 : i32 to index
        %get3A_76 = arith.constant 48 : index
        %get3A_77 = tpu.vector_load %arg8[%get3A_75, %get3A_76] {strides = array<i32>} : memref<32x768xf32, #tpu.memory_space<vmem>>, vector<1x16xf32>,
        %get3A_78 = vector.shape_cast %get3A_77 : vector<1x16xf32> to vector<16xf32>
        %get3A_79 = arith.index_cast %add3A_34 : i32 to index
        %get3A_80 = arith.constant 48 : index
        %get3A_81 = tpu.vector_load %arg9[%get3A_79, %get3A_80] {strides = array<i32>} : memref<32x768xf32, #tpu.memory_space<vmem>>, vector<1x16xf32>,
        %get3A_82 = vector.shape_cast %get3A_81 : vector<1x16xf32> to vector<16xf32>
        %add3A_83 = arith.addf %get3A_78, %get3A_82 : vector<16xf32>
        %swap3A_84 = arith.index_cast %add3A_34 : i32 to index
        %swap3A_85 = arith.constant 48 : index
        %swap3A_86 = tpu.vector_load %arg8[%swap3A_84, %swap3A_85] {strides = array<i32>} : memref<32x768xf32, #tpu.memory_space<vmem>>, vector<1x16xf32>,
        %swap3A_87 = vector.shape_cast %swap3A_86 : vector<1x16xf32> to vector<16xf32>
        %swap3A_88 = vector.shape_cast %add3A_83 : vector<16xf32> to vector<1x16xf32>
        tpu.vector_store %arg8[%swap3A_84, %swap3A_85], %swap3A_88 {strides = array<i32>} : memref<32x768xf32, #tpu.memory_space<vmem>>, vector<1x16xf32>,
        %get3A_89 = arith.index_cast %add3A_34 : i32 to index
        %get3A_90 = arith.constant 64 : index
        %get3A_91 = tpu.vector_load %arg8[%get3A_89, %get3A_90] {strides = array<i32>} : memref<32x768xf32, #tpu.memory_space<vmem>>, vector<1x16xf32>,
        %get3A_92 = vector.shape_cast %get3A_91 : vector<1x16xf32> to vector<16xf32>
        %get3A_93 = arith.index_cast %add3A_34 : i32 to index
        %get3A_94 = arith.constant 64 : index
        %get3A_95 = tpu.vector_load %arg9[%get3A_93, %get3A_94] {strides = array<i32>} : memref<32x768xf32, #tpu.memory_space<vmem>>, vector<1x16xf32>,
        %get3A_96 = vector.shape_cast %get3A_95 : vector<1x16xf32> to vector<16xf32>
        %add3A_97 = arith.addf %get3A_92, %get3A_96 : vector<16xf32>
        %swap3A_98 = arith.index_cast %add3A_34 : i32 to index
        %swap3A_99 = arith.constant 64 : index
        %swap3A_100 = tpu.vector_load %arg8[%swap3A_98, %swap3A_99] {strides = array<i32>} : memref<32x768xf32, #tpu.memory_space<vmem>>, vector<1x16xf32>,
        %swap3A_101 = vector.shape_cast %swap3A_100 : vector<1x16xf32> to vector<16xf32>
        %swap3A_102 = vector.shape_cast %add3A_97 : vector<16xf32> to vector<1x16xf32>
        tpu.vector_store %arg8[%swap3A_98, %swap3A_99], %swap3A_102 {strides = array<i32>} : memref<32x768xf32, #tpu.memory_space<vmem>>, vector<1x16xf32>,
        %get3A_103 = arith.index_cast %add3A_34 : i32 to index
        %get3A_104 = arith.constant 80 : index
        %get3A_105 = tpu.vector_load %arg8[%get3A_103, %get3A_104] {strides = array<i32>} : memref<32x768xf32, #tpu.memory_space<vmem>>, vector<1x16xf32>,
        %get3A_106 = vector.shape_cast %get3A_105 : vector<1x16xf32> to vector<16xf32>
        %get3A_107 = arith.index_cast %add3A_34 : i32 to index
        %get3A_108 = arith.constant 80 : index
        %get3A_109 = tpu.vector_load %arg9[%get3A_107, %get3A_108] {strides = array<i32>} : memref<32x768xf32, #tpu.memory_space<vmem>>, vector<1x16xf32>,
        %get3A_110 = vector.shape_cast %get3A_109 : vector<1x16xf32> to vector<16xf32>
        %add3A_111 = arith.addf %get3A_106, %get3A_110 : vector<16xf32>
        %swap3A_112 = arith.index_cast %add3A_34 : i32 to index
        %swap3A_113 = arith.constant 80 : index
        %swap3A_114 = tpu.vector_load %arg8[%swap3A_112, %swap3A_113] {strides = array<i32>} : memref<32x768xf32, #tpu.memory_space<vmem>>, vector<1x16xf32>,
        %swap3A_115 = vector.shape_cast %swap3A_114 : vector<1x16xf32> to vector<16xf32>
        %swap3A_116 = vector.shape_cast %add3A_111 : vector<16xf32> to vector<1x16xf32>
        tpu.vector_store %arg8[%swap3A_112, %swap3A_113], %swap3A_116 {strides = array<i32>} : memref<32x768xf32, #tpu.memory_space<vmem>>, vector<1x16xf32>,
        %get3A_117 = arith.index_cast %add3A_34 : i32 to index
        %get3A_118 = arith.constant 96 : index
        %get3A_119 = tpu.vector_load %arg8[%get3A_117, %get3A_118] {strides = array<i32>} : memref<32x768xf32, #tpu.memory_space<vmem>>, vector<1x16xf32>,
        %get3A_120 = vector.shape_cast %get3A_119 : vector<1x16xf32> to vector<16xf32>
        %get3A_121 = arith.index_cast %add3A_34 : i32 to index
        %get3A_122 = arith.constant 96 : index
        %get3A_123 = tpu.vector_load %arg9[%get3A_121, %get3A_122] {strides = array<i32>} : memref<32x768xf32, #tpu.memory_space<vmem>>, vector<1x16xf32>,
        %get3A_124 = vector.shape_cast %get3A_123 : vector<1x16xf32> to vector<16xf32>
        %add3A_125 = arith.addf %get3A_120, %get3A_124 : vector<16xf32>
        %swap3A_126 = arith.index_cast %add3A_34 : i32 to index
        %swap3A_127 = arith.constant 96 : index
        %swap3A_128 = tpu.vector_load %arg8[%swap3A_126, %swap3A_127] {strides = array<i32>} : memref<32x768xf32, #tpu.memory_space<vmem>>, vector<1x16xf32>,
        %swap3A_129 = vector.shape_cast %swap3A_128 : vector<1x16xf32> to vector<16xf32>
        %swap3A_130 = vector.shape_cast %add3A_125 : vector<16xf32> to vector<1x16xf32>
        tpu.vector_store %arg8[%swap3A_126, %swap3A_127], %swap3A_130 {strides = array<i32>} : memref<32x768xf32, #tpu.memory_space<vmem>>, vector<1x16xf32>,
        %get3A_131 = arith.index_cast %add3A_34 : i32 to index
        %get3A_132 = arith.constant 112 : index
        %get3A_133 = tpu.vector_load %arg8[%get3A_131, %get3A_132] {strides = array<i32>} : memref<32x768xf32, #tpu.memory_space<vmem>>, vector<1x16xf32>,
        %get3A_134 = vector.shape_cast %get3A_133 : vector<1x16xf32> to vector<16xf32>
        %get3A_135 = arith.index_cast %add3A_34 : i32 to index
        %get3A_136 = arith.constant 112 : index
        %get3A_137 = tpu.vector_load %arg9[%get3A_135, %get3A_136] {strides = array<i32>} : memref<32x768xf32, #tpu.memory_space<vmem>>, vector<1x16xf32>,
        %get3A_138 = vector.shape_cast %get3A_137 : vector<1x16xf32> to vector<16xf32>
        %add3A_139 = arith.addf %get3A_134, %get3A_138 : vector<16xf32>
        %swap3A_140 = arith.index_cast %add3A_34 : i32 to index
        %swap3A_141 = arith.constant 112 : index
        %swap3A_142 = tpu.vector_load %arg8[%swap3A_140, %swap3A_141] {strides = array<i32>} : memref<32x768xf32, #tpu.memory_space<vmem>>, vector<1x16xf32>,
        %swap3A_143 = vector.shape_cast %swap3A_142 : vector<1x16xf32> to vector<16xf32>
        %swap3A_144 = vector.shape_cast %add3A_139 : vector<16xf32> to vector<1x16xf32>
        tpu.vector_store %arg8[%swap3A_140, %swap3A_141], %swap3A_144 {strides = array<i32>} : memref<32x768xf32, #tpu.memory_space<vmem>>, vector<1x16xf32>,
        %get3A_145 = arith.index_cast %add3A_34 : i32 to index
        %get3A_146 = arith.constant 128 : index
        %get3A_147 = tpu.vector_load %arg8[%get3A_145, %get3A_146] {strides = array<i32>} : memref<32x768xf32, #tpu.memory_space<vmem>>, vector<1x16xf32>,
        %get3A_148 = vector.shape_cast %get3A_147 : vector<1x16xf32> to vector<16xf32>
        %get3A_149 = arith.index_cast %add3A_34 : i32 to index
        %get3A_150 = arith.constant 128 : index
        %get3A_151 = tpu.vector_load %arg9[%get3A_149, %get3A_150] {strides = array<i32>} : memref<32x768xf32, #tpu.memory_space<vmem>>, vector<1x16xf32>,
        %get3A_152 = vector.shape_cast %get3A_151 : vector<1x16xf32> to vector<16xf32>
        %add3A_153 = arith.addf %get3A_148, %get3A_152 : vector<16xf32>
        %swap3A_154 = arith.index_cast %add3A_34 : i32 to index
        %swap3A_155 = arith.constant 128 : index
        %swap3A_156 = tpu.vector_load %arg8[%swap3A_154, %swap3A_155] {strides = array<i32>} : memref<32x768xf32, #tpu.memory_space<vmem>>, vector<1x16xf32>,
        %swap3A_157 = vector.shape_cast %swap3A_156 : vector<1x16xf32> to vector<16xf32>
        %swap3A_158 = vector.shape_cast %add3A_153 : vector<16xf32> to vector<1x16xf32>
        tpu.vector_store %arg8[%swap3A_154, %swap3A_155], %swap3A_158 {strides = array<i32>} : memref<32x768xf32, #tpu.memory_space<vmem>>, vector<1x16xf32>,
        %get3A_159 = arith.index_cast %add3A_34 : i32 to index
        %get3A_160 = arith.constant 144 : index
        %get3A_161 = tpu.vector_load %arg8[%get3A_159, %get3A_160] {strides = array<i32>} : memref<32x768xf32, #tpu.memory_space<vmem>>, vector<1x16xf32>,
        %get3A_162 = vector.shape_cast %get3A_161 : vector<1x16xf32> to vector<16xf32>
        %get3A_163 = arith.index_cast %add3A_34 : i32 to index
        %get3A_164 = arith.constant 144 : index
        %get3A_165 = tpu.vector_load %arg9[%get3A_163, %get3A_164] {strides = array<i32>} : memref<32x768xf32, #tpu.memory_space<vmem>>, vector<1x16xf32>,
        %get3A_166 = vector.shape_cast %get3A_165 : vector<1x16xf32> to vector<16xf32>
        %add3A_167 = arith.addf %get3A_162, %get3A_166 : vector<16xf32>
        %swap3A_168 = arith.index_cast %add3A_34 : i32 to index
        %swap3A_169 = arith.constant 144 : index
        %swap3A_170 = tpu.vector_load %arg8[%swap3A_168, %swap3A_169] {strides = array<i32>} : memref<32x768xf32, #tpu.memory_space<vmem>>, vector<1x16xf32>,
        %swap3A_171 = vector.shape_cast %swap3A_170 : vector<1x16xf32> to vector<16xf32>
        %swap3A_172 = vector.shape_cast %add3A_167 : vector<16xf32> to vector<1x16xf32>
        tpu.vector_store %arg8[%swap3A_168, %swap3A_169], %swap3A_172 {strides = array<i32>} : memref<32x768xf32, #tpu.memory_space<vmem>>, vector<1x16xf32>,
        %get3A_173 = arith.index_cast %add3A_34 : i32 to index
        %get3A_174 = arith.constant 160 : index
        %get3A_175 = tpu.vector_load %arg8[%get3A_173, %get3A_174] {strides = array<i32>} : memref<32x768xf32, #tpu.memory_space<vmem>>, vector<1x16xf32>,
        %get3A_176 = vector.shape_cast %get3A_175 : vector<1x16xf32> to vector<16xf32>
        %get3A_177 = arith.index_cast %add3A_34 : i32 to index
        %get3A_178 = arith.constant 160 : index
        %get3A_179 = tpu.vector_load %arg9[%get3A_177, %get3A_178] {strides = array<i32>} : memref<32x768xf32, #tpu.memory_space<vmem>>, vector<1x16xf32>,
        %get3A_180 = vector.shape_cast %get3A_179 : vector<1x16xf32> to vector<16xf32>
        %add3A_181 = arith.addf %get3A_176, %get3A_180 : vector<16xf32>
        %swap3A_182 = arith.index_cast %add3A_34 : i32 to index
        %swap3A_183 = arith.constant 160 : index
        %swap3A_184 = tpu.vector_load %arg8[%swap3A_182, %swap3A_183] {strides = array<i32>} : memref<32x768xf32, #tpu.memory_space<vmem>>, vector<1x16xf32>,
        %swap3A_185 = vector.shape_cast %swap3A_184 : vector<1x16xf32> to vector<16xf32>
        %swap3A_186 = vector.shape_cast %add3A_181 : vector<16xf32> to vector<1x16xf32>
        tpu.vector_store %arg8[%swap3A_182, %swap3A_183], %swap3A_186 {strides = array<i32>} : memref<32x768xf32, #tpu.memory_space<vmem>>, vector<1x16xf32>,
        %get3A_187 = arith.index_cast %add3A_34 : i32 to index
        %get3A_188 = arith.constant 176 : index
        %get3A_189 = tpu.vector_load %arg8[%get3A_187, %get3A_188] {strides = array<i32>} : memref<32x768xf32, #tpu.memory_space<vmem>>, vector<1x16xf32>,
        %get3A_190 = vector.shape_cast %get3A_189 : vector<1x16xf32> to vector<16xf32>
        %get3A_191 = arith.index_cast %add3A_34 : i32 to index
        %get3A_192 = arith.constant 176 : index
        %get3A_193 = tpu.vector_load %arg9[%get3A_191, %get3A_192] {strides = array<i32>} : memref<32x768xf32, #tpu.memory_space<vmem>>, vector<1x16xf32>,
        %get3A_194 = vector.shape_cast %get3A_193 : vector<1x16xf32> to vector<16xf32>
        %add3A_195 = arith.addf %get3A_190, %get3A_194 : vector<16xf32>
        %swap3A_196 = arith.index_cast %add3A_34 : i32 to index
        %swap3A_197 = arith.constant 176 : index
        %swap3A_198 = tpu.vector_load %arg8[%swap3A_196, %swap3A_197] {strides = array<i32>} : memref<32x768xf32, #tpu.memory_space<vmem>>, vector<1x16xf32>,
        %swap3A_199 = vector.shape_cast %swap3A_198 : vector<1x16xf32> to vector<16xf32>
        %swap3A_200 = vector.shape_cast %add3A_195 : vector<16xf32> to vector<1x16xf32>
        tpu.vector_store %arg8[%swap3A_196, %swap3A_197], %swap3A_200 {strides = array<i32>} : memref<32x768xf32, #tpu.memory_space<vmem>>, vector<1x16xf32>,
        %get3A_201 = arith.index_cast %add3A_34 : i32 to index
        %get3A_202 = arith.constant 192 : index
        %get3A_203 = tpu.vector_load %arg8[%get3A_201, %get3A_202] {strides = array<i32>} : memref<32x768xf32, #tpu.memory_space<vmem>>, vector<1x16xf32>,
        %get3A_204 = vector.shape_cast %get3A_203 : vector<1x16xf32> to vector<16xf32>
        %get3A_205 = arith.index_cast %add3A_34 : i32 to index
        %get3A_206 = arith.constant 192 : index
        %get3A_207 = tpu.vector_load %arg9[%get3A_205, %get3A_206] {strides = array<i32>} : memref<32x768xf32, #tpu.memory_space<vmem>>, vector<1x16xf32>,
        %get3A_208 = vector.shape_cast %get3A_207 : vector<1x16xf32> to vector<16xf32>
        %add3A_209 = arith.addf %get3A_204, %get3A_208 : vector<16xf32>
        %swap3A_210 = arith.index_cast %add3A_34 : i32 to index
        %swap3A_211 = arith.constant 192 : index
        %swap3A_212 = tpu.vector_load %arg8[%swap3A_210, %swap3A_211] {strides = array<i32>} : memref<32x768xf32, #tpu.memory_space<vmem>>, vector<1x16xf32>,
        %swap3A_213 = vector.shape_cast %swap3A_212 : vector<1x16xf32> to vector<16xf32>
        %swap3A_214 = vector.shape_cast %add3A_209 : vector<16xf32> to vector<1x16xf32>
        tpu.vector_store %arg8[%swap3A_210, %swap3A_211], %swap3A_214 {strides = array<i32>} : memref<32x768xf32, #tpu.memory_space<vmem>>, vector<1x16xf32>,
        %get3A_215 = arith.index_cast %add3A_34 : i32 to index
        %get3A_216 = arith.constant 208 : index
        %get3A_217 = tpu.vector_load %arg8[%get3A_215, %get3A_216] {strides = array<i32>} : memref<32x768xf32, #tpu.memory_space<vmem>>, vector<1x16xf32>,
        %get3A_218 = vector.shape_cast %get3A_217 : vector<1x16xf32> to vector<16xf32>
        %get3A_219 = arith.index_cast %add3A_34 : i32 to index
        %get3A_220 = arith.constant 208 : index
        %get3A_221 = tpu.vector_load %arg9[%get3A_219, %get3A_220] {strides = array<i32>} : memref<32x768xf32, #tpu.memory_space<vmem>>, vector<1x16xf32>,
        %get3A_222 = vector.shape_cast %get3A_221 : vector<1x16xf32> to vector<16xf32>
        %add3A_223 = arith.addf %get3A_218, %get3A_222 : vector<16xf32>
        %swap3A_224 = arith.index_cast %add3A_34 : i32 to index
        %swap3A_225 = arith.constant 208 : index
        %swap3A_226 = tpu.vector_load %arg8[%swap3A_224, %swap3A_225] {strides = array<i32>} : memref<32x768xf32, #tpu.memory_space<vmem>>, vector<1x16xf32>,
        %swap3A_227 = vector.shape_cast %swap3A_226 : vector<1x16xf32> to vector<16xf32>
        %swap3A_228 = vector.shape_cast %add3A_223 : vector<16xf32> to vector<1x16xf32>
        tpu.vector_store %arg8[%swap3A_224, %swap3A_225], %swap3A_228 {strides = array<i32>} : memref<32x768xf32, #tpu.memory_space<vmem>>, vector<1x16xf32>,
        %get3A_229 = arith.index_cast %add3A_34 : i32 to index
        %get3A_230 = arith.constant 224 : index
        %get3A_231 = tpu.vector_load %arg8[%get3A_229, %get3A_230] {strides = array<i32>} : memref<32x768xf32, #tpu.memory_space<vmem>>, vector<1x16xf32>,
        %get3A_232 = vector.shape_cast %get3A_231 : vector<1x16xf32> to vector<16xf32>
        %get3A_233 = arith.index_cast %add3A_34 : i32 to index
        %get3A_234 = arith.constant 224 : index
        %get3A_235 = tpu.vector_load %arg9[%get3A_233, %get3A_234] {strides = array<i32>} : memref<32x768xf32, #tpu.memory_space<vmem>>, vector<1x16xf32>,
        %get3A_236 = vector.shape_cast %get3A_235 : vector<1x16xf32> to vector<16xf32>
        %add3A_237 = arith.addf %get3A_232, %get3A_236 : vector<16xf32>
        %swap3A_238 = arith.index_cast %add3A_34 : i32 to index
        %swap3A_239 = arith.constant 224 : index
        %swap3A_240 = tpu.vector_load %arg8[%swap3A_238, %swap3A_239] {strides = array<i32>} : memref<32x768xf32, #tpu.memory_space<vmem>>, vector<1x16xf32>,
        %swap3A_241 = vector.shape_cast %swap3A_240 : vector<1x16xf32> to vector<16xf32>
        %swap3A_242 = vector.shape_cast %add3A_237 : vector<16xf32> to vector<1x16xf32>
        tpu.vector_store %arg8[%swap3A_238, %swap3A_239], %swap3A_242 {strides = array<i32>} : memref<32x768xf32, #tpu.memory_space<vmem>>, vector<1x16xf32>,
        %get3A_243 = arith.index_cast %add3A_34 : i32 to index
        %get3A_244 = arith.constant 240 : index
        %get3A_245 = tpu.vector_load %arg8[%get3A_243, %get3A_244] {strides = array<i32>} : memref<32x768xf32, #tpu.memory_space<vmem>>, vector<1x16xf32>,
        %get3A_246 = vector.shape_cast %get3A_245 : vector<1x16xf32> to vector<16xf32>
        %get3A_247 = arith.index_cast %add3A_34 : i32 to index
        %get3A_248 = arith.constant 240 : index
        %get3A_249 = tpu.vector_load %arg9[%get3A_247, %get3A_248] {strides = array<i32>} : memref<32x768xf32, #tpu.memory_space<vmem>>, vector<1x16xf32>,
        %get3A_250 = vector.shape_cast %get3A_249 : vector<1x16xf32> to vector<16xf32>
        %add3A_251 = arith.addf %get3A_246, %get3A_250 : vector<16xf32>
        %swap3A_252 = arith.index_cast %add3A_34 : i32 to index
        %swap3A_253 = arith.constant 240 : index
        %swap3A_254 = tpu.vector_load %arg8[%swap3A_252, %swap3A_253] {strides = array<i32>} : memref<32x768xf32, #tpu.memory_space<vmem>>, vector<1x16xf32>,
        %swap3A_255 = vector.shape_cast %swap3A_254 : vector<1x16xf32> to vector<16xf32>
        %swap3A_256 = vector.shape_cast %add3A_251 : vector<16xf32> to vector<1x16xf32>
        tpu.vector_store %arg8[%swap3A_252, %swap3A_253], %swap3A_256 {strides = array<i32>} : memref<32x768xf32, #tpu.memory_space<vmem>>, vector<1x16xf32>,
        %get3A_257 = arith.index_cast %add3A_34 : i32 to index
        %get3A_258 = arith.constant 256 : index
        %get3A_259 = tpu.vector_load %arg8[%get3A_257, %get3A_258] {strides = array<i32>} : memref<32x768xf32, #tpu.memory_space<vmem>>, vector<1x16xf32>,
        %get3A_260 = vector.shape_cast %get3A_259 : vector<1x16xf32> to vector<16xf32>
        %get3A_261 = arith.index_cast %add3A_34 : i32 to index
        %get3A_262 = arith.constant 256 : index
        %get3A_263 = tpu.vector_load %arg9[%get3A_261, %get3A_262] {strides = array<i32>} : memref<32x768xf32, #tpu.memory_space<vmem>>, vector<1x16xf32>,
        %get3A_264 = vector.shape_cast %get3A_263 : vector<1x16xf32> to vector<16xf32>
        %add3A_265 = arith.addf %get3A_260, %get3A_264 : vector<16xf32>
        %swap3A_266 = arith.index_cast %add3A_34 : i32 to index
        %swap3A_267 = arith.constant 256 : index
        %swap3A_268 = tpu.vector_load %arg8[%swap3A_266, %swap3A_267] {strides = array<i32>} : memref<32x768xf32, #tpu.memory_space<vmem>>, vector<1x16xf32>,
        %swap3A_269 = vector.shape_cast %swap3A_268 : vector<1x16xf32> to vector<16xf32>
        %swap3A_270 = vector.shape_cast %add3A_265 : vector<16xf32> to vector<1x16xf32>
        tpu.vector_store %arg8[%swap3A_266, %swap3A_267], %swap3A_270 {strides = array<i32>} : memref<32x768xf32, #tpu.memory_space<vmem>>, vector<1x16xf32>,
        %get3A_271 = arith.index_cast %add3A_34 : i32 to index
        %get3A_272 = arith.constant 272 : index
        %get3A_273 = tpu.vector_load %arg8[%get3A_271, %get3A_272] {strides = array<i32>} : memref<32x768xf32, #tpu.memory_space<vmem>>, vector<1x16xf32>,
        %get3A_274 = vector.shape_cast %get3A_273 : vector<1x16xf32> to vector<16xf32>
        %get3A_275 = arith.index_cast %add3A_34 : i32 to index
        %get3A_276 = arith.constant 272 : index
        %get3A_277 = tpu.vector_load %arg9[%get3A_275, %get3A_276] {strides = array<i32>} : memref<32x768xf32, #tpu.memory_space<vmem>>, vector<1x16xf32>,
        %get3A_278 = vector.shape_cast %get3A_277 : vector<1x16xf32> to vector<16xf32>
        %add3A_279 = arith.addf %get3A_274, %get3A_278 : vector<16xf32>
        %swap3A_280 = arith.index_cast %add3A_34 : i32 to index
        %swap3A_281 = arith.constant 272 : index
        %swap3A_282 = tpu.vector_load %arg8[%swap3A_280, %swap3A_281] {strides = array<i32>} : memref<32x768xf32, #tpu.memory_space<vmem>>, vector<1x16xf32>,
        %swap3A_283 = vector.shape_cast %swap3A_282 : vector<1x16xf32> to vector<16xf32>
        %swap3A_284 = vector.shape_cast %add3A_279 : vector<16xf32> to vector<1x16xf32>
        tpu.vector_store %arg8[%swap3A_280, %swap3A_281], %swap3A_284 {strides = array<i32>} : memref<32x768xf32, #tpu.memory_space<vmem>>, vector<1x16xf32>,
        %get3A_285 = arith.index_cast %add3A_34 : i32 to index
        %get3A_286 = arith.constant 288 : index
        %get3A_287 = tpu.vector_load %arg8[%get3A_285, %get3A_286] {strides = array<i32>} : memref<32x768xf32, #tpu.memory_space<vmem>>, vector<1x16xf32>,
        %get3A_288 = vector.shape_cast %get3A_287 : vector<1x16xf32> to vector<16xf32>
        %get3A_289 = arith.index_cast %add3A_34 : i32 to index
        %get3A_290 = arith.constant 288 : index
        %get3A_291 = tpu.vector_load %arg9[%get3A_289, %get3A_290] {strides = array<i32>} : memref<32x768xf32, #tpu.memory_space<vmem>>, vector<1x16xf32>,
        %get3A_292 = vector.shape_cast %get3A_291 : vector<1x16xf32> to vector<16xf32>
        %add3A_293 = arith.addf %get3A_288, %get3A_292 : vector<16xf32>
        %swap3A_294 = arith.index_cast %add3A_34 : i32 to index
        %swap3A_295 = arith.constant 288 : index
        %swap3A_296 = tpu.vector_load %arg8[%swap3A_294, %swap3A_295] {strides = array<i32>} : memref<32x768xf32, #tpu.memory_space<vmem>>, vector<1x16xf32>,
        %swap3A_297 = vector.shape_cast %swap3A_296 : vector<1x16xf32> to vector<16xf32>
        %swap3A_298 = vector.shape_cast %add3A_293 : vector<16xf32> to vector<1x16xf32>
        tpu.vector_store %arg8[%swap3A_294, %swap3A_295], %swap3A_298 {strides = array<i32>} : memref<32x768xf32, #tpu.memory_space<vmem>>, vector<1x16xf32>,
        %get3A_299 = arith.index_cast %add3A_34 : i32 to index
        %get3A_300 = arith.constant 304 : index
        %get3A_301 = tpu.vector_load %arg8[%get3A_299, %get3A_300] {strides = array<i32>} : memref<32x768xf32, #tpu.memory_space<vmem>>, vector<1x16xf32>,
        %get3A_302 = vector.shape_cast %get3A_301 : vector<1x16xf32> to vector<16xf32>
        %get3A_303 = arith.index_cast %add3A_34 : i32 to index
        %get3A_304 = arith.constant 304 : index
        %get3A_305 = tpu.vector_load %arg9[%get3A_303, %get3A_304] {strides = array<i32>} : memref<32x768xf32, #tpu.memory_space<vmem>>, vector<1x16xf32>,
        %get3A_306 = vector.shape_cast %get3A_305 : vector<1x16xf32> to vector<16xf32>
        %add3A_307 = arith.addf %get3A_302, %get3A_306 : vector<16xf32>
        %swap3A_308 = arith.index_cast %add3A_34 : i32 to index
        %swap3A_309 = arith.constant 304 : index
        %swap3A_310 = tpu.vector_load %arg8[%swap3A_308, %swap3A_309] {strides = array<i32>} : memref<32x768xf32, #tpu.memory_space<vmem>>, vector<1x16xf32>,
        %swap3A_311 = vector.shape_cast %swap3A_310 : vector<1x16xf32> to vector<16xf32>
        %swap3A_312 = vector.shape_cast %add3A_307 : vector<16xf32> to vector<1x16xf32>
        tpu.vector_store %arg8[%swap3A_308, %swap3A_309], %swap3A_312 {strides = array<i32>} : memref<32x768xf32, #tpu.memory_space<vmem>>, vector<1x16xf32>,
        %get3A_313 = arith.index_cast %add3A_34 : i32 to index
        %get3A_314 = arith.constant 320 : index
        %get3A_315 = tpu.vector_load %arg8[%get3A_313, %get3A_314] {strides = array<i32>} : memref<32x768xf32, #tpu.memory_space<vmem>>, vector<1x16xf32>,
        %get3A_316 = vector.shape_cast %get3A_315 : vector<1x16xf32> to vector<16xf32>
        %get3A_317 = arith.index_cast %add3A_34 : i32 to index
        %get3A_318 = arith.constant 320 : index
        %get3A_319 = tpu.vector_load %arg9[%get3A_317, %get3A_318] {strides = array<i32>} : memref<32x768xf32, #tpu.memory_space<vmem>>, vector<1x16xf32>,
        %get3A_320 = vector.shape_cast %get3A_319 : vector<1x16xf32> to vector<16xf32>
        %add3A_321 = arith.addf %get3A_316, %get3A_320 : vector<16xf32>
        %swap3A_322 = arith.index_cast %add3A_34 : i32 to index
        %swap3A_323 = arith.constant 320 : index
        %swap3A_324 = tpu.vector_load %arg8[%swap3A_322, %swap3A_323] {strides = array<i32>} : memref<32x768xf32, #tpu.memory_space<vmem>>, vector<1x16xf32>,
        %swap3A_325 = vector.shape_cast %swap3A_324 : vector<1x16xf32> to vector<16xf32>
        %swap3A_326 = vector.shape_cast %add3A_321 : vector<16xf32> to vector<1x16xf32>
        tpu.vector_store %arg8[%swap3A_322, %swap3A_323], %swap3A_326 {strides = array<i32>} : memref<32x768xf32, #tpu.memory_space<vmem>>, vector<1x16xf32>,
        %get3A_327 = arith.index_cast %add3A_34 : i32 to index
        %get3A_328 = arith.constant 336 : index
        %get3A_329 = tpu.vector_load %arg8[%get3A_327, %get3A_328] {strides = array<i32>} : memref<32x768xf32, #tpu.memory_space<vmem>>, vector<1x16xf32>,
        %get3A_330 = vector.shape_cast %get3A_329 : vector<1x16xf32> to vector<16xf32>
        %get3A_331 = arith.index_cast %add3A_34 : i32 to index
        %get3A_332 = arith.constant 336 : index
        %get3A_333 = tpu.vector_load %arg9[%get3A_331, %get3A_332] {strides = array<i32>} : memref<32x768xf32, #tpu.memory_space<vmem>>, vector<1x16xf32>,
        %get3A_334 = vector.shape_cast %get3A_333 : vector<1x16xf32> to vector<16xf32>
        %add3A_335 = arith.addf %get3A_330, %get3A_334 : vector<16xf32>
        %swap3A_336 = arith.index_cast %add3A_34 : i32 to index
        %swap3A_337 = arith.constant 336 : index
        %swap3A_338 = tpu.vector_load %arg8[%swap3A_336, %swap3A_337] {strides = array<i32>} : memref<32x768xf32, #tpu.memory_space<vmem>>, vector<1x16xf32>,
        %swap3A_339 = vector.shape_cast %swap3A_338 : vector<1x16xf32> to vector<16xf32>
        %swap3A_340 = vector.shape_cast %add3A_335 : vector<16xf32> to vector<1x16xf32>
        tpu.vector_store %arg8[%swap3A_336, %swap3A_337], %swap3A_340 {strides = array<i32>} : memref<32x768xf32, #tpu.memory_space<vmem>>, vector<1x16xf32>,
        %get3A_341 = arith.index_cast %add3A_34 : i32 to index
        %get3A_342 = arith.constant 352 : index
        %get3A_343 = tpu.vector_load %arg8[%get3A_341, %get3A_342] {strides = array<i32>} : memref<32x768xf32, #tpu.memory_space<vmem>>, vector<1x16xf32>,
        %get3A_344 = vector.shape_cast %get3A_343 : vector<1x16xf32> to vector<16xf32>
        %get3A_345 = arith.index_cast %add3A_34 : i32 to index
        %get3A_346 = arith.constant 352 : index
        %get3A_347 = tpu.vector_load %arg9[%get3A_345, %get3A_346] {strides = array<i32>} : memref<32x768xf32, #tpu.memory_space<vmem>>, vector<1x16xf32>,
        %get3A_348 = vector.shape_cast %get3A_347 : vector<1x16xf32> to vector<16xf32>
        %add3A_349 = arith.addf %get3A_344, %get3A_348 : vector<16xf32>
        %swap3A_350 = arith.index_cast %add3A_34 : i32 to index
        %swap3A_351 = arith.constant 352 : index
        %swap3A_352 = tpu.vector_load %arg8[%swap3A_350, %swap3A_351] {strides = array<i32>} : memref<32x768xf32, #tpu.memory_space<vmem>>, vector<1x16xf32>,
        %swap3A_353 = vector.shape_cast %swap3A_352 : vector<1x16xf32> to vector<16xf32>
        %swap3A_354 = vector.shape_cast %add3A_349 : vector<16xf32> to vector<1x16xf32>
        tpu.vector_store %arg8[%swap3A_350, %swap3A_351], %swap3A_354 {strides = array<i32>} : memref<32x768xf32, #tpu.memory_space<vmem>>, vector<1x16xf32>,
        %get3A_355 = arith.index_cast %add3A_34 : i32 to index
        %get3A_356 = arith.constant 368 : index
        %get3A_357 = tpu.vector_load %arg8[%get3A_355, %get3A_356] {strides = array<i32>} : memref<32x768xf32, #tpu.memory_space<vmem>>, vector<1x16xf32>,
        %get3A_358 = vector.shape_cast %get3A_357 : vector<1x16xf32> to vector<16xf32>
        %get3A_359 = arith.index_cast %add3A_34 : i32 to index
        %get3A_360 = arith.constant 368 : index
        %get3A_361 = tpu.vector_load %arg9[%get3A_359, %get3A_360] {strides = array<i32>} : memref<32x768xf32, #tpu.memory_space<vmem>>, vector<1x16xf32>,
        %get3A_362 = vector.shape_cast %get3A_361 : vector<1x16xf32> to vector<16xf32>
        %add3A_363 = arith.addf %get3A_358, %get3A_362 : vector<16xf32>
        %swap3A_364 = arith.index_cast %add3A_34 : i32 to index
        %swap3A_365 = arith.constant 368 : index
        %swap3A_366 = tpu.vector_load %arg8[%swap3A_364, %swap3A_365] {strides = array<i32>} : memref<32x768xf32, #tpu.memory_space<vmem>>, vector<1x16xf32>,
        %swap3A_367 = vector.shape_cast %swap3A_366 : vector<1x16xf32> to vector<16xf32>
        %swap3A_368 = vector.shape_cast %add3A_363 : vector<16xf32> to vector<1x16xf32>
        tpu.vector_store %arg8[%swap3A_364, %swap3A_365], %swap3A_368 {strides = array<i32>} : memref<32x768xf32, #tpu.memory_space<vmem>>, vector<1x16xf32>,
        %get3A_369 = arith.index_cast %add3A_34 : i32 to index
        %get3A_370 = arith.constant 384 : index
        %get3A_371 = tpu.vector_load %arg8[%get3A_369, %get3A_370] {strides = array<i32>} : memref<32x768xf32, #tpu.memory_space<vmem>>, vector<1x16xf32>,
        %get3A_372 = vector.shape_cast %get3A_371 : vector<1x16xf32> to vector<16xf32>
        %get3A_373 = arith.index_cast %add3A_34 : i32 to index
        %get3A_374 = arith.constant 384 : index
        %get3A_375 = tpu.vector_load %arg9[%get3A_373, %get3A_374] {strides = array<i32>} : memref<32x768xf32, #tpu.memory_space<vmem>>, vector<1x16xf32>,
        %get3A_376 = vector.shape_cast %get3A_375 : vector<1x16xf32> to vector<16xf32>
        %add3A_377 = arith.addf %get3A_372, %get3A_376 : vector<16xf32>
        %swap3A_378 = arith.index_cast %add3A_34 : i32 to index
        %swap3A_379 = arith.constant 384 : index
        %swap3A_380 = tpu.vector_load %arg8[%swap3A_378, %swap3A_379] {strides = array<i32>} : memref<32x768xf32, #tpu.memory_space<vmem>>, vector<1x16xf32>,
        %swap3A_381 = vector.shape_cast %swap3A_380 : vector<1x16xf32> to vector<16xf32>
        %swap3A_382 = vector.shape_cast %add3A_377 : vector<16xf32> to vector<1x16xf32>
        tpu.vector_store %arg8[%swap3A_378, %swap3A_379], %swap3A_382 {strides = array<i32>} : memref<32x768xf32, #tpu.memory_space<vmem>>, vector<1x16xf32>,
        %get3A_383 = arith.index_cast %add3A_34 : i32 to index
        %get3A_384 = arith.constant 400 : index
        %get3A_385 = tpu.vector_load %arg8[%get3A_383, %get3A_384] {strides = array<i32>} : memref<32x768xf32, #tpu.memory_space<vmem>>, vector<1x16xf32>,
        %get3A_386 = vector.shape_cast %get3A_385 : vector<1x16xf32> to vector<16xf32>
        %get3A_387 = arith.index_cast %add3A_34 : i32 to index
        %get3A_388 = arith.constant 400 : index
        %get3A_389 = tpu.vector_load %arg9[%get3A_387, %get3A_388] {strides = array<i32>} : memref<32x768xf32, #tpu.memory_space<vmem>>, vector<1x16xf32>,
        %get3A_390 = vector.shape_cast %get3A_389 : vector<1x16xf32> to vector<16xf32>
        %add3A_391 = arith.addf %get3A_386, %get3A_390 : vector<16xf32>
        %swap3A_392 = arith.index_cast %add3A_34 : i32 to index
        %swap3A_393 = arith.constant 400 : index
        %swap3A_394 = tpu.vector_load %arg8[%swap3A_392, %swap3A_393] {strides = array<i32>} : memref<32x768xf32, #tpu.memory_space<vmem>>, vector<1x16xf32>,
        %swap3A_395 = vector.shape_cast %swap3A_394 : vector<1x16xf32> to vector<16xf32>
        %swap3A_396 = vector.shape_cast %add3A_391 : vector<16xf32> to vector<1x16xf32>
        tpu.vector_store %arg8[%swap3A_392, %swap3A_393], %swap3A_396 {strides = array<i32>} : memref<32x768xf32, #tpu.memory_space<vmem>>, vector<1x16xf32>,
        %get3A_397 = arith.index_cast %add3A_34 : i32 to index
        %get3A_398 = arith.constant 416 : index
        %get3A_399 = tpu.vector_load %arg8[%get3A_397, %get3A_398] {strides = array<i32>} : memref<32x768xf32, #tpu.memory_space<vmem>>, vector<1x16xf32>,
        %get3A_400 = vector.shape_cast %get3A_399 : vector<1x16xf32> to vector<16xf32>
        %get3A_401 = arith.index_cast %add3A_34 : i32 to index
        %get3A_402 = arith.constant 416 : index
        %get3A_403 = tpu.vector_load %arg9[%get3A_401, %get3A_402] {strides = array<i32>} : memref<32x768xf32, #tpu.memory_space<vmem>>, vector<1x16xf32>,
        %get3A_404 = vector.shape_cast %get3A_403 : vector<1x16xf32> to vector<16xf32>
        %add3A_405 = arith.addf %get3A_400, %get3A_404 : vector<16xf32>
        %swap3A_406 = arith.index_cast %add3A_34 : i32 to index
        %swap3A_407 = arith.constant 416 : index
        %swap3A_408 = tpu.vector_load %arg8[%swap3A_406, %swap3A_407] {strides = array<i32>} : memref<32x768xf32, #tpu.memory_space<vmem>>, vector<1x16xf32>,
        %swap3A_409 = vector.shape_cast %swap3A_408 : vector<1x16xf32> to vector<16xf32>
        %swap3A_410 = vector.shape_cast %add3A_405 : vector<16xf32> to vector<1x16xf32>
        tpu.vector_store %arg8[%swap3A_406, %swap3A_407], %swap3A_410 {strides = array<i32>} : memref<32x768xf32, #tpu.memory_space<vmem>>, vector<1x16xf32>,
        %get3A_411 = arith.index_cast %add3A_34 : i32 to index
        %get3A_412 = arith.constant 432 : index
        %get3A_413 = tpu.vector_load %arg8[%get3A_411, %get3A_412] {strides = array<i32>} : memref<32x768xf32, #tpu.memory_space<vmem>>, vector<1x16xf32>,
        %get3A_414 = vector.shape_cast %get3A_413 : vector<1x16xf32> to vector<16xf32>
        %get3A_415 = arith.index_cast %add3A_34 : i32 to index
        %get3A_416 = arith.constant 432 : index
        %get3A_417 = tpu.vector_load %arg9[%get3A_415, %get3A_416] {strides = array<i32>} : memref<32x768xf32, #tpu.memory_space<vmem>>, vector<1x16xf32>,
        %get3A_418 = vector.shape_cast %get3A_417 : vector<1x16xf32> to vector<16xf32>
        %add3A_419 = arith.addf %get3A_414, %get3A_418 : vector<16xf32>
        %swap3A_420 = arith.index_cast %add3A_34 : i32 to index
        %swap3A_421 = arith.constant 432 : index
        %swap3A_422 = tpu.vector_load %arg8[%swap3A_420, %swap3A_421] {strides = array<i32>} : memref<32x768xf32, #tpu.memory_space<vmem>>, vector<1x16xf32>,
        %swap3A_423 = vector.shape_cast %swap3A_422 : vector<1x16xf32> to vector<16xf32>
        %swap3A_424 = vector.shape_cast %add3A_419 : vector<16xf32> to vector<1x16xf32>
        tpu.vector_store %arg8[%swap3A_420, %swap3A_421], %swap3A_424 {strides = array<i32>} : memref<32x768xf32, #tpu.memory_space<vmem>>, vector<1x16xf32>,
        %get3A_425 = arith.index_cast %add3A_34 : i32 to index
        %get3A_426 = arith.constant 448 : index
        %get3A_427 = tpu.vector_load %arg8[%get3A_425, %get3A_426] {strides = array<i32>} : memref<32x768xf32, #tpu.memory_space<vmem>>, vector<1x16xf32>,
        %get3A_428 = vector.shape_cast %get3A_427 : vector<1x16xf32> to vector<16xf32>
        %get3A_429 = arith.index_cast %add3A_34 : i32 to index
        %get3A_430 = arith.constant 448 : index
        %get3A_431 = tpu.vector_load %arg9[%get3A_429, %get3A_430] {strides = array<i32>} : memref<32x768xf32, #tpu.memory_space<vmem>>, vector<1x16xf32>,
        %get3A_432 = vector.shape_cast %get3A_431 : vector<1x16xf32> to vector<16xf32>
        %add3A_433 = arith.addf %get3A_428, %get3A_432 : vector<16xf32>
        %swap3A_434 = arith.index_cast %add3A_34 : i32 to index
        %swap3A_435 = arith.constant 448 : index
        %swap3A_436 = tpu.vector_load %arg8[%swap3A_434, %swap3A_435] {strides = array<i32>} : memref<32x768xf32, #tpu.memory_space<vmem>>, vector<1x16xf32>,
        %swap3A_437 = vector.shape_cast %swap3A_436 : vector<1x16xf32> to vector<16xf32>
        %swap3A_438 = vector.shape_cast %add3A_433 : vector<16xf32> to vector<1x16xf32>
        tpu.vector_store %arg8[%swap3A_434, %swap3A_435], %swap3A_438 {strides = array<i32>} : memref<32x768xf32, #tpu.memory_space<vmem>>, vector<1x16xf32>,
        %get3A_439 = arith.index_cast %add3A_34 : i32 to index
        %get3A_440 = arith.constant 464 : index
        %get3A_441 = tpu.vector_load %arg8[%get3A_439, %get3A_440] {strides = array<i32>} : memref<32x768xf32, #tpu.memory_space<vmem>>, vector<1x16xf32>,
        %get3A_442 = vector.shape_cast %get3A_441 : vector<1x16xf32> to vector<16xf32>
        %get3A_443 = arith.index_cast %add3A_34 : i32 to index
        %get3A_444 = arith.constant 464 : index
        %get3A_445 = tpu.vector_load %arg9[%get3A_443, %get3A_444] {strides = array<i32>} : memref<32x768xf32, #tpu.memory_space<vmem>>, vector<1x16xf32>,
        %get3A_446 = vector.shape_cast %get3A_445 : vector<1x16xf32> to vector<16xf32>
        %add3A_447 = arith.addf %get3A_442, %get3A_446 : vector<16xf32>
        %swap3A_448 = arith.index_cast %add3A_34 : i32 to index
        %swap3A_449 = arith.constant 464 : index
        %swap3A_450 = tpu.vector_load %arg8[%swap3A_448, %swap3A_449] {strides = array<i32>} : memref<32x768xf32, #tpu.memory_space<vmem>>, vector<1x16xf32>,
        %swap3A_451 = vector.shape_cast %swap3A_450 : vector<1x16xf32> to vector<16xf32>
        %swap3A_452 = vector.shape_cast %add3A_447 : vector<16xf32> to vector<1x16xf32>
        tpu.vector_store %arg8[%swap3A_448, %swap3A_449], %swap3A_452 {strides = array<i32>} : memref<32x768xf32, #tpu.memory_space<vmem>>, vector<1x16xf32>,
        %get3A_453 = arith.index_cast %add3A_34 : i32 to index
        %get3A_454 = arith.constant 480 : index
        %get3A_455 = tpu.vector_load %arg8[%get3A_453, %get3A_454] {strides = array<i32>} : memref<32x768xf32, #tpu.memory_space<vmem>>, vector<1x16xf32>,
        %get3A_456 = vector.shape_cast %get3A_455 : vector<1x16xf32> to vector<16xf32>
        %get3A_457 = arith.index_cast %add3A_34 : i32 to index
        %get3A_458 = arith.constant 480 : index
        %get3A_459 = tpu.vector_load %arg9[%get3A_457, %get3A_458] {strides = array<i32>} : memref<32x768xf32, #tpu.memory_space<vmem>>, vector<1x16xf32>,
        %get3A_460 = vector.shape_cast %get3A_459 : vector<1x16xf32> to vector<16xf32>
        %add3A_461 = arith.addf %get3A_456, %get3A_460 : vector<16xf32>
        %swap3A_462 = arith.index_cast %add3A_34 : i32 to index
        %swap3A_463 = arith.constant 480 : index
        %swap3A_464 = tpu.vector_load %arg8[%swap3A_462, %swap3A_463] {strides = array<i32>} : memref<32x768xf32, #tpu.memory_space<vmem>>, vector<1x16xf32>,
        %swap3A_465 = vector.shape_cast %swap3A_464 : vector<1x16xf32> to vector<16xf32>
        %swap3A_466 = vector.shape_cast %add3A_461 : vector<16xf32> to vector<1x16xf32>
        tpu.vector_store %arg8[%swap3A_462, %swap3A_463], %swap3A_466 {strides = array<i32>} : memref<32x768xf32, #tpu.memory_space<vmem>>, vector<1x16xf32>,
        %get3A_467 = arith.index_cast %add3A_34 : i32 to index
        %get3A_468 = arith.constant 496 : index
        %get3A_469 = tpu.vector_load %arg8[%get3A_467, %get3A_468] {strides = array<i32>} : memref<32x768xf32, #tpu.memory_space<vmem>>, vector<1x16xf32>,
        %get3A_470 = vector.shape_cast %get3A_469 : vector<1x16xf32> to vector<16xf32>
        %get3A_471 = arith.index_cast %add3A_34 : i32 to index
        %get3A_472 = arith.constant 496 : index
        %get3A_473 = tpu.vector_load %arg9[%get3A_471, %get3A_472] {strides = array<i32>} : memref<32x768xf32, #tpu.memory_space<vmem>>, vector<1x16xf32>,
        %get3A_474 = vector.shape_cast %get3A_473 : vector<1x16xf32> to vector<16xf32>
        %add3A_475 = arith.addf %get3A_470, %get3A_474 : vector<16xf32>
        %swap3A_476 = arith.index_cast %add3A_34 : i32 to index
        %swap3A_477 = arith.constant 496 : index
        %swap3A_478 = tpu.vector_load %arg8[%swap3A_476, %swap3A_477] {strides = array<i32>} : memref<32x768xf32, #tpu.memory_space<vmem>>, vector<1x16xf32>,
        %swap3A_479 = vector.shape_cast %swap3A_478 : vector<1x16xf32> to vector<16xf32>
        %swap3A_480 = vector.shape_cast %add3A_475 : vector<16xf32> to vector<1x16xf32>
        tpu.vector_store %arg8[%swap3A_476, %swap3A_477], %swap3A_480 {strides = array<i32>} : memref<32x768xf32, #tpu.memory_space<vmem>>, vector<1x16xf32>,
        %get3A_481 = arith.index_cast %add3A_34 : i32 to index
        %get3A_482 = arith.constant 512 : index
        %get3A_483 = tpu.vector_load %arg8[%get3A_481, %get3A_482] {strides = array<i32>} : memref<32x768xf32, #tpu.memory_space<vmem>>, vector<1x16xf32>,
        %get3A_484 = vector.shape_cast %get3A_483 : vector<1x16xf32> to vector<16xf32>
        %get3A_485 = arith.index_cast %add3A_34 : i32 to index
        %get3A_486 = arith.constant 512 : index
        %get3A_487 = tpu.vector_load %arg9[%get3A_485, %get3A_486] {strides = array<i32>} : memref<32x768xf32, #tpu.memory_space<vmem>>, vector<1x16xf32>,
        %get3A_488 = vector.shape_cast %get3A_487 : vector<1x16xf32> to vector<16xf32>
        %add3A_489 = arith.addf %get3A_484, %get3A_488 : vector<16xf32>
        %swap3A_490 = arith.index_cast %add3A_34 : i32 to index
        %swap3A_491 = arith.constant 512 : index
        %swap3A_492 = tpu.vector_load %arg8[%swap3A_490, %swap3A_491] {strides = array<i32>} : memref<32x768xf32, #tpu.memory_space<vmem>>, vector<1x16xf32>,
        %swap3A_493 = vector.shape_cast %swap3A_492 : vector<1x16xf32> to vector<16xf32>
        %swap3A_494 = vector.shape_cast %add3A_489 : vector<16xf32> to vector<1x16xf32>
        tpu.vector_store %arg8[%swap3A_490, %swap3A_491], %swap3A_494 {strides = array<i32>} : memref<32x768xf32, #tpu.memory_space<vmem>>, vector<1x16xf32>,
        %get3A_495 = arith.index_cast %add3A_34 : i32 to index
        %get3A_496 = arith.constant 528 : index
        %get3A_497 = tpu.vector_load %arg8[%get3A_495, %get3A_496] {strides = array<i32>} : memref<32x768xf32, #tpu.memory_space<vmem>>, vector<1x16xf32>,
        %get3A_498 = vector.shape_cast %get3A_497 : vector<1x16xf32> to vector<16xf32>
        %get3A_499 = arith.index_cast %add3A_34 : i32 to index
        %get3A_500 = arith.constant 528 : index
        %get3A_501 = tpu.vector_load %arg9[%get3A_499, %get3A_500] {strides = array<i32>} : memref<32x768xf32, #tpu.memory_space<vmem>>, vector<1x16xf32>,
        %get3A_502 = vector.shape_cast %get3A_501 : vector<1x16xf32> to vector<16xf32>
        %add3A_503 = arith.addf %get3A_498, %get3A_502 : vector<16xf32>
        %swap3A_504 = arith.index_cast %add3A_34 : i32 to index
        %swap3A_505 = arith.constant 528 : index
        %swap3A_506 = tpu.vector_load %arg8[%swap3A_504, %swap3A_505] {strides = array<i32>} : memref<32x768xf32, #tpu.memory_space<vmem>>, vector<1x16xf32>,
        %swap3A_507 = vector.shape_cast %swap3A_506 : vector<1x16xf32> to vector<16xf32>
        %swap3A_508 = vector.shape_cast %add3A_503 : vector<16xf32> to vector<1x16xf32>
        tpu.vector_store %arg8[%swap3A_504, %swap3A_505], %swap3A_508 {strides = array<i32>} : memref<32x768xf32, #tpu.memory_space<vmem>>, vector<1x16xf32>,
        %get3A_509 = arith.index_cast %add3A_34 : i32 to index
        %get3A_510 = arith.constant 544 : index
        %get3A_511 = tpu.vector_load %arg8[%get3A_509, %get3A_510] {strides = array<i32>} : memref<32x768xf32, #tpu.memory_space<vmem>>, vector<1x16xf32>,
        %get3A_512 = vector.shape_cast %get3A_511 : vector<1x16xf32> to vector<16xf32>
        %get3A_513 = arith.index_cast %add3A_34 : i32 to index
        %get3A_514 = arith.constant 544 : index
        %get3A_515 = tpu.vector_load %arg9[%get3A_513, %get3A_514] {strides = array<i32>} : memref<32x768xf32, #tpu.memory_space<vmem>>, vector<1x16xf32>,
        %get3A_516 = vector.shape_cast %get3A_515 : vector<1x16xf32> to vector<16xf32>
        %add3A_517 = arith.addf %get3A_512, %get3A_516 : vector<16xf32>
        %swap3A_518 = arith.index_cast %add3A_34 : i32 to index
        %swap3A_519 = arith.constant 544 : index
        %swap3A_520 = tpu.vector_load %arg8[%swap3A_518, %swap3A_519] {strides = array<i32>} : memref<32x768xf32, #tpu.memory_space<vmem>>, vector<1x16xf32>,
        %swap3A_521 = vector.shape_cast %swap3A_520 : vector<1x16xf32> to vector<16xf32>
        %swap3A_522 = vector.shape_cast %add3A_517 : vector<16xf32> to vector<1x16xf32>
        tpu.vector_store %arg8[%swap3A_518, %swap3A_519], %swap3A_522 {strides = array<i32>} : memref<32x768xf32, #tpu.memory_space<vmem>>, vector<1x16xf32>,
        %get3A_523 = arith.index_cast %add3A_34 : i32 to index
        %get3A_524 = arith.constant 560 : index
        %get3A_525 = tpu.vector_load %arg8[%get3A_523, %get3A_524] {strides = array<i32>} : memref<32x768xf32, #tpu.memory_space<vmem>>, vector<1x16xf32>,
        %get3A_526 = vector.shape_cast %get3A_525 : vector<1x16xf32> to vector<16xf32>
        %get3A_527 = arith.index_cast %add3A_34 : i32 to index
        %get3A_528 = arith.constant 560 : index
        %get3A_529 = tpu.vector_load %arg9[%get3A_527, %get3A_528] {strides = array<i32>} : memref<32x768xf32, #tpu.memory_space<vmem>>, vector<1x16xf32>,
        %get3A_530 = vector.shape_cast %get3A_529 : vector<1x16xf32> to vector<16xf32>
        %add3A_531 = arith.addf %get3A_526, %get3A_530 : vector<16xf32>
        %swap3A_532 = arith.index_cast %add3A_34 : i32 to index
        %swap3A_533 = arith.constant 560 : index
        %swap3A_534 = tpu.vector_load %arg8[%swap3A_532, %swap3A_533] {strides = array<i32>} : memref<32x768xf32, #tpu.memory_space<vmem>>, vector<1x16xf32>,
        %swap3A_535 = vector.shape_cast %swap3A_534 : vector<1x16xf32> to vector<16xf32>
        %swap3A_536 = vector.shape_cast %add3A_531 : vector<16xf32> to vector<1x16xf32>
        tpu.vector_store %arg8[%swap3A_532, %swap3A_533], %swap3A_536 {strides = array<i32>} : memref<32x768xf32, #tpu.memory_space<vmem>>, vector<1x16xf32>,
        %get3A_537 = arith.index_cast %add3A_34 : i32 to index
        %get3A_538 = arith.constant 576 : index
        %get3A_539 = tpu.vector_load %arg8[%get3A_537, %get3A_538] {strides = array<i32>} : memref<32x768xf32, #tpu.memory_space<vmem>>, vector<1x16xf32>,
        %get3A_540 = vector.shape_cast %get3A_539 : vector<1x16xf32> to vector<16xf32>
        %get3A_541 = arith.index_cast %add3A_34 : i32 to index
        %get3A_542 = arith.constant 576 : index
        %get3A_543 = tpu.vector_load %arg9[%get3A_541, %get3A_542] {strides = array<i32>} : memref<32x768xf32, #tpu.memory_space<vmem>>, vector<1x16xf32>,
        %get3A_544 = vector.shape_cast %get3A_543 : vector<1x16xf32> to vector<16xf32>
        %add3A_545 = arith.addf %get3A_540, %get3A_544 : vector<16xf32>
        %swap3A_546 = arith.index_cast %add3A_34 : i32 to index
        %swap3A_547 = arith.constant 576 : index
        %swap3A_548 = tpu.vector_load %arg8[%swap3A_546, %swap3A_547] {strides = array<i32>} : memref<32x768xf32, #tpu.memory_space<vmem>>, vector<1x16xf32>,
        %swap3A_549 = vector.shape_cast %swap3A_548 : vector<1x16xf32> to vector<16xf32>
        %swap3A_550 = vector.shape_cast %add3A_545 : vector<16xf32> to vector<1x16xf32>
        tpu.vector_store %arg8[%swap3A_546, %swap3A_547], %swap3A_550 {strides = array<i32>} : memref<32x768xf32, #tpu.memory_space<vmem>>, vector<1x16xf32>,
        %get3A_551 = arith.index_cast %add3A_34 : i32 to index
        %get3A_552 = arith.constant 592 : index
        %get3A_553 = tpu.vector_load %arg8[%get3A_551, %get3A_552] {strides = array<i32>} : memref<32x768xf32, #tpu.memory_space<vmem>>, vector<1x16xf32>,
        %get3A_554 = vector.shape_cast %get3A_553 : vector<1x16xf32> to vector<16xf32>
        %get3A_555 = arith.index_cast %add3A_34 : i32 to index
        %get3A_556 = arith.constant 592 : index
        %get3A_557 = tpu.vector_load %arg9[%get3A_555, %get3A_556] {strides = array<i32>} : memref<32x768xf32, #tpu.memory_space<vmem>>, vector<1x16xf32>,
        %get3A_558 = vector.shape_cast %get3A_557 : vector<1x16xf32> to vector<16xf32>
        %add3A_559 = arith.addf %get3A_554, %get3A_558 : vector<16xf32>
        %swap3A_560 = arith.index_cast %add3A_34 : i32 to index
        %swap3A_561 = arith.constant 592 : index
        %swap3A_562 = tpu.vector_load %arg8[%swap3A_560, %swap3A_561] {strides = array<i32>} : memref<32x768xf32, #tpu.memory_space<vmem>>, vector<1x16xf32>,
        %swap3A_563 = vector.shape_cast %swap3A_562 : vector<1x16xf32> to vector<16xf32>
        %swap3A_564 = vector.shape_cast %add3A_559 : vector<16xf32> to vector<1x16xf32>
        tpu.vector_store %arg8[%swap3A_560, %swap3A_561], %swap3A_564 {strides = array<i32>} : memref<32x768xf32, #tpu.memory_space<vmem>>, vector<1x16xf32>,
        %get3A_565 = arith.index_cast %add3A_34 : i32 to index
        %get3A_566 = arith.constant 608 : index
        %get3A_567 = tpu.vector_load %arg8[%get3A_565, %get3A_566] {strides = array<i32>} : memref<32x768xf32, #tpu.memory_space<vmem>>, vector<1x16xf32>,
        %get3A_568 = vector.shape_cast %get3A_567 : vector<1x16xf32> to vector<16xf32>
        %get3A_569 = arith.index_cast %add3A_34 : i32 to index
        %get3A_570 = arith.constant 608 : index
        %get3A_571 = tpu.vector_load %arg9[%get3A_569, %get3A_570] {strides = array<i32>} : memref<32x768xf32, #tpu.memory_space<vmem>>, vector<1x16xf32>,
        %get3A_572 = vector.shape_cast %get3A_571 : vector<1x16xf32> to vector<16xf32>
        %add3A_573 = arith.addf %get3A_568, %get3A_572 : vector<16xf32>
        %swap3A_574 = arith.index_cast %add3A_34 : i32 to index
        %swap3A_575 = arith.constant 608 : index
        %swap3A_576 = tpu.vector_load %arg8[%swap3A_574, %swap3A_575] {strides = array<i32>} : memref<32x768xf32, #tpu.memory_space<vmem>>, vector<1x16xf32>,
        %swap3A_577 = vector.shape_cast %swap3A_576 : vector<1x16xf32> to vector<16xf32>
        %swap3A_578 = vector.shape_cast %add3A_573 : vector<16xf32> to vector<1x16xf32>
        tpu.vector_store %arg8[%swap3A_574, %swap3A_575], %swap3A_578 {strides = array<i32>} : memref<32x768xf32, #tpu.memory_space<vmem>>, vector<1x16xf32>,
        %get3A_579 = arith.index_cast %add3A_34 : i32 to index
        %get3A_580 = arith.constant 624 : index
        %get3A_581 = tpu.vector_load %arg8[%get3A_579, %get3A_580] {strides = array<i32>} : memref<32x768xf32, #tpu.memory_space<vmem>>, vector<1x16xf32>,
        %get3A_582 = vector.shape_cast %get3A_581 : vector<1x16xf32> to vector<16xf32>
        %get3A_583 = arith.index_cast %add3A_34 : i32 to index
        %get3A_584 = arith.constant 624 : index
        %get3A_585 = tpu.vector_load %arg9[%get3A_583, %get3A_584] {strides = array<i32>} : memref<32x768xf32, #tpu.memory_space<vmem>>, vector<1x16xf32>,
        %get3A_586 = vector.shape_cast %get3A_585 : vector<1x16xf32> to vector<16xf32>
        %add3A_587 = arith.addf %get3A_582, %get3A_586 : vector<16xf32>
        %swap3A_588 = arith.index_cast %add3A_34 : i32 to index
        %swap3A_589 = arith.constant 624 : index
        %swap3A_590 = tpu.vector_load %arg8[%swap3A_588, %swap3A_589] {strides = array<i32>} : memref<32x768xf32, #tpu.memory_space<vmem>>, vector<1x16xf32>,
        %swap3A_591 = vector.shape_cast %swap3A_590 : vector<1x16xf32> to vector<16xf32>
        %swap3A_592 = vector.shape_cast %add3A_587 : vector<16xf32> to vector<1x16xf32>
        tpu.vector_store %arg8[%swap3A_588, %swap3A_589], %swap3A_592 {strides = array<i32>} : memref<32x768xf32, #tpu.memory_space<vmem>>, vector<1x16xf32>,
        %get3A_593 = arith.index_cast %add3A_34 : i32 to index
        %get3A_594 = arith.constant 640 : index
        %get3A_595 = tpu.vector_load %arg8[%get3A_593, %get3A_594] {strides = array<i32>} : memref<32x768xf32, #tpu.memory_space<vmem>>, vector<1x16xf32>,
        %get3A_596 = vector.shape_cast %get3A_595 : vector<1x16xf32> to vector<16xf32>
        %get3A_597 = arith.index_cast %add3A_34 : i32 to index
        %get3A_598 = arith.constant 640 : index
        %get3A_599 = tpu.vector_load %arg9[%get3A_597, %get3A_598] {strides = array<i32>} : memref<32x768xf32, #tpu.memory_space<vmem>>, vector<1x16xf32>,
        %get3A_600 = vector.shape_cast %get3A_599 : vector<1x16xf32> to vector<16xf32>
        %add3A_601 = arith.addf %get3A_596, %get3A_600 : vector<16xf32>
        %swap3A_602 = arith.index_cast %add3A_34 : i32 to index
        %swap3A_603 = arith.constant 640 : index
        %swap3A_604 = tpu.vector_load %arg8[%swap3A_602, %swap3A_603] {strides = array<i32>} : memref<32x768xf32, #tpu.memory_space<vmem>>, vector<1x16xf32>,
        %swap3A_605 = vector.shape_cast %swap3A_604 : vector<1x16xf32> to vector<16xf32>
        %swap3A_606 = vector.shape_cast %add3A_601 : vector<16xf32> to vector<1x16xf32>
        tpu.vector_store %arg8[%swap3A_602, %swap3A_603], %swap3A_606 {strides = array<i32>} : memref<32x768xf32, #tpu.memory_space<vmem>>, vector<1x16xf32>,
        %get3A_607 = arith.index_cast %add3A_34 : i32 to index
        %get3A_608 = arith.constant 656 : index
        %get3A_609 = tpu.vector_load %arg8[%get3A_607, %get3A_608] {strides = array<i32>} : memref<32x768xf32, #tpu.memory_space<vmem>>, vector<1x16xf32>,
        %get3A_610 = vector.shape_cast %get3A_609 : vector<1x16xf32> to vector<16xf32>
        %get3A_611 = arith.index_cast %add3A_34 : i32 to index
        %get3A_612 = arith.constant 656 : index
        %get3A_613 = tpu.vector_load %arg9[%get3A_611, %get3A_612] {strides = array<i32>} : memref<32x768xf32, #tpu.memory_space<vmem>>, vector<1x16xf32>,
        %get3A_614 = vector.shape_cast %get3A_613 : vector<1x16xf32> to vector<16xf32>
        %add3A_615 = arith.addf %get3A_610, %get3A_614 : vector<16xf32>
        %swap3A_616 = arith.index_cast %add3A_34 : i32 to index
        %swap3A_617 = arith.constant 656 : index
        %swap3A_618 = tpu.vector_load %arg8[%swap3A_616, %swap3A_617] {strides = array<i32>} : memref<32x768xf32, #tpu.memory_space<vmem>>, vector<1x16xf32>,
        %swap3A_619 = vector.shape_cast %swap3A_618 : vector<1x16xf32> to vector<16xf32>
        %swap3A_620 = vector.shape_cast %add3A_615 : vector<16xf32> to vector<1x16xf32>
        tpu.vector_store %arg8[%swap3A_616, %swap3A_617], %swap3A_620 {strides = array<i32>} : memref<32x768xf32, #tpu.memory_space<vmem>>, vector<1x16xf32>,
        %get3A_621 = arith.index_cast %add3A_34 : i32 to index
        %get3A_622 = arith.constant 672 : index
        %get3A_623 = tpu.vector_load %arg8[%get3A_621, %get3A_622] {strides = array<i32>} : memref<32x768xf32, #tpu.memory_space<vmem>>, vector<1x16xf32>,
        %get3A_624 = vector.shape_cast %get3A_623 : vector<1x16xf32> to vector<16xf32>
        %get3A_625 = arith.index_cast %add3A_34 : i32 to index
        %get3A_626 = arith.constant 672 : index
        %get3A_627 = tpu.vector_load %arg9[%get3A_625, %get3A_626] {strides = array<i32>} : memref<32x768xf32, #tpu.memory_space<vmem>>, vector<1x16xf32>,
        %get3A_628 = vector.shape_cast %get3A_627 : vector<1x16xf32> to vector<16xf32>
        %add3A_629 = arith.addf %get3A_624, %get3A_628 : vector<16xf32>
        %swap3A_630 = arith.index_cast %add3A_34 : i32 to index
        %swap3A_631 = arith.constant 672 : index
        %swap3A_632 = tpu.vector_load %arg8[%swap3A_630, %swap3A_631] {strides = array<i32>} : memref<32x768xf32, #tpu.memory_space<vmem>>, vector<1x16xf32>,
        %swap3A_633 = vector.shape_cast %swap3A_632 : vector<1x16xf32> to vector<16xf32>
        %swap3A_634 = vector.shape_cast %add3A_629 : vector<16xf32> to vector<1x16xf32>
        tpu.vector_store %arg8[%swap3A_630, %swap3A_631], %swap3A_634 {strides = array<i32>} : memref<32x768xf32, #tpu.memory_space<vmem>>, vector<1x16xf32>,
        %get3A_635 = arith.index_cast %add3A_34 : i32 to index
        %get3A_636 = arith.constant 688 : index
        %get3A_637 = tpu.vector_load %arg8[%get3A_635, %get3A_636] {strides = array<i32>} : memref<32x768xf32, #tpu.memory_space<vmem>>, vector<1x16xf32>,
        %get3A_638 = vector.shape_cast %get3A_637 : vector<1x16xf32> to vector<16xf32>
        %get3A_639 = arith.index_cast %add3A_34 : i32 to index
        %get3A_640 = arith.constant 688 : index
        %get3A_641 = tpu.vector_load %arg9[%get3A_639, %get3A_640] {strides = array<i32>} : memref<32x768xf32, #tpu.memory_space<vmem>>, vector<1x16xf32>,
        %get3A_642 = vector.shape_cast %get3A_641 : vector<1x16xf32> to vector<16xf32>
        %add3A_643 = arith.addf %get3A_638, %get3A_642 : vector<16xf32>
        %swap3A_644 = arith.index_cast %add3A_34 : i32 to index
        %swap3A_645 = arith.constant 688 : index
        %swap3A_646 = tpu.vector_load %arg8[%swap3A_644, %swap3A_645] {strides = array<i32>} : memref<32x768xf32, #tpu.memory_space<vmem>>, vector<1x16xf32>,
        %swap3A_647 = vector.shape_cast %swap3A_646 : vector<1x16xf32> to vector<16xf32>
        %swap3A_648 = vector.shape_cast %add3A_643 : vector<16xf32> to vector<1x16xf32>
        tpu.vector_store %arg8[%swap3A_644, %swap3A_645], %swap3A_648 {strides = array<i32>} : memref<32x768xf32, #tpu.memory_space<vmem>>, vector<1x16xf32>,
        %get3A_649 = arith.index_cast %add3A_34 : i32 to index
        %get3A_650 = arith.constant 704 : index
        %get3A_651 = tpu.vector_load %arg8[%get3A_649, %get3A_650] {strides = array<i32>} : memref<32x768xf32, #tpu.memory_space<vmem>>, vector<1x16xf32>,
        %get3A_652 = vector.shape_cast %get3A_651 : vector<1x16xf32> to vector<16xf32>
        %get3A_653 = arith.index_cast %add3A_34 : i32 to index
        %get3A_654 = arith.constant 704 : index
        %get3A_655 = tpu.vector_load %arg9[%get3A_653, %get3A_654] {strides = array<i32>} : memref<32x768xf32, #tpu.memory_space<vmem>>, vector<1x16xf32>,
        %get3A_656 = vector.shape_cast %get3A_655 : vector<1x16xf32> to vector<16xf32>
        %add3A_657 = arith.addf %get3A_652, %get3A_656 : vector<16xf32>
        %swap3A_658 = arith.index_cast %add3A_34 : i32 to index
        %swap3A_659 = arith.constant 704 : index
        %swap3A_660 = tpu.vector_load %arg8[%swap3A_658, %swap3A_659] {strides = array<i32>} : memref<32x768xf32, #tpu.memory_space<vmem>>, vector<1x16xf32>,
        %swap3A_661 = vector.shape_cast %swap3A_660 : vector<1x16xf32> to vector<16xf32>
        %swap3A_662 = vector.shape_cast %add3A_657 : vector<16xf32> to vector<1x16xf32>
        tpu.vector_store %arg8[%swap3A_658, %swap3A_659], %swap3A_662 {strides = array<i32>} : memref<32x768xf32, #tpu.memory_space<vmem>>, vector<1x16xf32>,
        %get3A_663 = arith.index_cast %add3A_34 : i32 to index
        %get3A_664 = arith.constant 720 : index
        %get3A_665 = tpu.vector_load %arg8[%get3A_663, %get3A_664] {strides = array<i32>} : memref<32x768xf32, #tpu.memory_space<vmem>>, vector<1x16xf32>,
        %get3A_666 = vector.shape_cast %get3A_665 : vector<1x16xf32> to vector<16xf32>
        %get3A_667 = arith.index_cast %add3A_34 : i32 to index
        %get3A_668 = arith.constant 720 : index
        %get3A_669 = tpu.vector_load %arg9[%get3A_667, %get3A_668] {strides = array<i32>} : memref<32x768xf32, #tpu.memory_space<vmem>>, vector<1x16xf32>,
        %get3A_670 = vector.shape_cast %get3A_669 : vector<1x16xf32> to vector<16xf32>
        %add3A_671 = arith.addf %get3A_666, %get3A_670 : vector<16xf32>
        %swap3A_672 = arith.index_cast %add3A_34 : i32 to index
        %swap3A_673 = arith.constant 720 : index
        %swap3A_674 = tpu.vector_load %arg8[%swap3A_672, %swap3A_673] {strides = array<i32>} : memref<32x768xf32, #tpu.memory_space<vmem>>, vector<1x16xf32>,
        %swap3A_675 = vector.shape_cast %swap3A_674 : vector<1x16xf32> to vector<16xf32>
        %swap3A_676 = vector.shape_cast %add3A_671 : vector<16xf32> to vector<1x16xf32>
        tpu.vector_store %arg8[%swap3A_672, %swap3A_673], %swap3A_676 {strides = array<i32>} : memref<32x768xf32, #tpu.memory_space<vmem>>, vector<1x16xf32>,
        %get3A_677 = arith.index_cast %add3A_34 : i32 to index
        %get3A_678 = arith.constant 736 : index
        %get3A_679 = tpu.vector_load %arg8[%get3A_677, %get3A_678] {strides = array<i32>} : memref<32x768xf32, #tpu.memory_space<vmem>>, vector<1x16xf32>,
        %get3A_680 = vector.shape_cast %get3A_679 : vector<1x16xf32> to vector<16xf32>
        %get3A_681 = arith.index_cast %add3A_34 : i32 to index
        %get3A_682 = arith.constant 736 : index
        %get3A_683 = tpu.vector_load %arg9[%get3A_681, %get3A_682] {strides = array<i32>} : memref<32x768xf32, #tpu.memory_space<vmem>>, vector<1x16xf32>,
        %get3A_684 = vector.shape_cast %get3A_683 : vector<1x16xf32> to vector<16xf32>
        %add3A_685 = arith.addf %get3A_680, %get3A_684 : vector<16xf32>
        %swap3A_686 = arith.index_cast %add3A_34 : i32 to index
        %swap3A_687 = arith.constant 736 : index
        %swap3A_688 = tpu.vector_load %arg8[%swap3A_686, %swap3A_687] {strides = array<i32>} : memref<32x768xf32, #tpu.memory_space<vmem>>, vector<1x16xf32>,
        %swap3A_689 = vector.shape_cast %swap3A_688 : vector<1x16xf32> to vector<16xf32>
        %swap3A_690 = vector.shape_cast %add3A_685 : vector<16xf32> to vector<1x16xf32>
        tpu.vector_store %arg8[%swap3A_686, %swap3A_687], %swap3A_690 {strides = array<i32>} : memref<32x768xf32, #tpu.memory_space<vmem>>, vector<1x16xf32>,
        %get3A_691 = arith.index_cast %add3A_34 : i32 to index
        %get3A_692 = arith.constant 752 : index
        %get3A_693 = tpu.vector_load %arg8[%get3A_691, %get3A_692] {strides = array<i32>} : memref<32x768xf32, #tpu.memory_space<vmem>>, vector<1x16xf32>,
        %get3A_694 = vector.shape_cast %get3A_693 : vector<1x16xf32> to vector<16xf32>
        %get3A_695 = arith.index_cast %add3A_34 : i32 to index
        %get3A_696 = arith.constant 752 : index
        %get3A_697 = tpu.vector_load %arg9[%get3A_695, %get3A_696] {strides = array<i32>} : memref<32x768xf32, #tpu.memory_space<vmem>>, vector<1x16xf32>,
        %get3A_698 = vector.shape_cast %get3A_697 : vector<1x16xf32> to vector<16xf32>
        %add3A_699 = arith.addf %get3A_694, %get3A_698 : vector<16xf32>
        %swap3A_700 = arith.index_cast %add3A_34 : i32 to index
        %swap3A_701 = arith.constant 752 : index
        %swap3A_702 = tpu.vector_load %arg8[%swap3A_700, %swap3A_701] {strides = array<i32>} : memref<32x768xf32, #tpu.memory_space<vmem>>, vector<1x16xf32>,
        %swap3A_703 = vector.shape_cast %swap3A_702 : vector<1x16xf32> to vector<16xf32>
        %swap3A_704 = vector.shape_cast %add3A_699 : vector<16xf32> to vector<1x16xf32>
        tpu.vector_store %arg8[%swap3A_700, %swap3A_701], %swap3A_704 {strides = array<i32>} : memref<32x768xf32, #tpu.memory_space<vmem>>, vector<1x16xf32>,
      }
      %scan3A_29 = arith.constant 32 : i32
      "tpu.region"() ({
        %run_scoped3A = tpu.sem_alloc : memref<!tpu.dma_semaphore, #tpu.memory_space<semaphore_mem>>
        %dma_start3A_30 = arith.constant 0 : i32
        %dma_start3A_31 = tpu.memref_slice %arg5[%add3A_14, %dma_start3A_30] : memref<4096x768xf32, #tpu.memory_space<hbm>> -> memref<32x768xf32, #tpu.memory_space<hbm>>
        %dma_start3A_32 = arith.constant 0 : i32
        %dma_start3A_33 = tpu.memref_slice %arg5[%add3A_14, %dma_start3A_32] : memref<4096x768xf32, #tpu.memory_space<hbm>> -> memref<32x768xf32, #tpu.memory_space<hbm>>
        tpu.enqueue_dma source(%arg8 : memref<32x768xf32, #tpu.memory_space<vmem>>) target(%dma_start3A_33 : memref<32x768xf32, #tpu.memory_space<hbm>>) target_semaphore(%run_scoped3A : memref<!tpu.dma_semaphore, #tpu.memory_space<semaphore_mem>>)
        %dma_wait3A_34 = arith.constant 0 : i32
        %dma_wait3A_35 = tpu.memref_slice %arg5[%add3A_14, %dma_wait3A_34] : memref<4096x768xf32, #tpu.memory_space<hbm>> -> memref<32x768xf32, #tpu.memory_space<hbm>>
        %dma_wait3A_36 = arith.constant 0 : i32
        %dma_wait3A_37 = tpu.memref_slice %arg5[%add3A_14, %dma_wait3A_36] : memref<4096x768xf32, #tpu.memory_space<hbm>> -> memref<32x768xf32, #tpu.memory_space<hbm>>
        tpu.wait_dma2 semaphore(%run_scoped3A : memref<!tpu.dma_semaphore, #tpu.memory_space<semaphore_mem>>) src(%arg8 : memref<32x768xf32, #tpu.memory_space<vmem>>) dst(%dma_wait3A_37 : memref<32x768xf32, #tpu.memory_space<hbm>>)
        tpu.yield
      }) : () -> ()
    }
    %scan3A_4 = arith.constant 4 : i32
    return
  }
}

module attributes {stable_mosaic.version = 14 : i64} {
  func.func @_router_body(%arg0: i32, %arg1: i32, %arg2: memref<512x768xf32, #tpu.memory_space<vmem>>, %arg3: memref<768x8xf32, #tpu.memory_space<vmem>>, %arg4: memref<512x8xf32, #tpu.memory_space<vmem>>, %arg5: memref<512x8xi32, #tpu.memory_space<vmem>>, %arg6: memref<8x128xi32, #tpu.memory_space<vmem>>, %arg7: memref<4096x1xi32, #tpu.memory_space<vmem>>, %arg8: memref<4096x1xi32, #tpu.memory_space<vmem>>, %arg9: memref<1x8xi32, #tpu.memory_space<vmem>>, %arg10: memref<8x8xi32, #tpu.memory_space<vmem>>, %arg11: memref<1x8xi32, #tpu.memory_space<vmem>>) attributes {dimension_semantics = [#tpu.dimension_semantics<arbitrary>, #tpu.dimension_semantics<arbitrary>], iteration_bounds = array<i64: 2, 8>, scalar_prefetch = 0 : i64, scratch_operands = 5 : i64, tpu.core_type = #tpu.core_type<tc>, window_params = [{transform_indices = @transform_0, window_bounds = array<i64: 512, 768>}, {pipeline_mode = #tpu.pipeline_mode<synchronous>, transform_indices = @transform_1, window_bounds = array<i64: 768, 8>}, {transform_indices = @transform_2, window_bounds = array<i64: 512, 8>}, {transform_indices = @transform_3, window_bounds = array<i64: 512, 8>}, {pipeline_mode = #tpu.pipeline_mode<synchronous>, transform_indices = @transform_4, window_bounds = array<i64: 8, 128>}]} {
    %iota3A = tpu.iota {dimensions = array<i32: 1>} : vector<512x8xi32>
    %eq3A = arith.constant 0 : i32
    %eq3A_0 = arith.cmpi eq, %arg0, %eq3A : i32
    %convert_element_type3A = arith.extui %eq3A_0 : i1 to i32
    %cond3A = arith.constant 0 : i32
    %cond3A_1 = arith.cmpi ne, %convert_element_type3A, %cond3A : i32
    scf.if %cond3A_1 {
      %get3A = arith.constant 0 : index
      %get3A_7 = arith.constant 0 : index
      %get3A_8 = vector.load %arg2[%get3A, %get3A_7] : memref<512x768xf32, #tpu.memory_space<vmem>>, vector<512x768xf32>
      %get3A_9 = arith.constant 0 : index
      %get3A_10 = arith.constant 0 : index
      %get3A_11 = vector.load %arg3[%get3A_9, %get3A_10] : memref<768x8xf32, #tpu.memory_space<vmem>>, vector<768x8xf32>
      %dot_general3A = arith.constant dense<0.000000e+00> : vector<512x8xf32>
      %dot_general3A_12 = tpu.matmul %get3A_8, %get3A_11, %dot_general3A {dimension_numbers = #tpu.dot_dimension_numbers<[1], [0], [0], [1], [0, 0, 1, 1], [], []>, transpose_lhs_hint = false} : vector<512x768xf32>, vector<768x8xf32>, vector<512x8xf32> -> vector<512x8xf32>
      %reduce_max3A = arith.constant dense<0xFF800000> : vector<512xf32>
      %reduce_max3A_13 = vector.multi_reduction <maximumf>, %dot_general3A_12, %reduce_max3A [1] : vector<512x8xf32> to vector<512xf32>
      %broadcast_in_dim3A = vector.shape_cast %reduce_max3A_13 : vector<512xf32> to vector<512x1xf32>
      %eq3A_14 = vector.broadcast %broadcast_in_dim3A : vector<512x1xf32> to vector<512x8xf32>
      %eq3A_15 = arith.cmpf oeq, %dot_general3A_12, %eq3A_14 : vector<512x8xf32>
      %jit3A = arith.constant 8 : i32
      %broadcast_in_dim3A_16 = vector.broadcast %jit3A : i32 to vector<512x8xi32>
      %select_n3A = arith.select %eq3A_15, %iota3A, %broadcast_in_dim3A_16 : vector<512x8xi1>, vector<512x8xi32>
      %reduce_min3A = arith.constant dense<2147483647> : vector<512xi32>
      %reduce_min3A_17 = vector.multi_reduction <minsi>, %select_n3A, %reduce_min3A [1] : vector<512x8xi32> to vector<512xi32>
      %broadcast_in_dim3A_18 = vector.shape_cast %reduce_min3A_17 : vector<512xi32> to vector<512x1xi32>
      %eq3A_19 = vector.broadcast %broadcast_in_dim3A_18 : vector<512x1xi32> to vector<512x8xi32>
      %eq3A_20 = arith.cmpi eq, %iota3A, %eq3A_19 : vector<512x8xi32>
      %jit3A_21 = arith.constant 0xFF800000 : f32
      %broadcast_in_dim3A_22 = vector.broadcast %jit3A_21 : f32 to vector<512x8xf32>
      %select_n3A_23 = arith.select %eq3A_20, %broadcast_in_dim3A_22, %dot_general3A_12 : vector<512x8xi1>, vector<512x8xf32>
      %reduce_max3A_24 = arith.constant dense<0xFF800000> : vector<512xf32>
      %reduce_max3A_25 = vector.multi_reduction <maximumf>, %select_n3A_23, %reduce_max3A_24 [1] : vector<512x8xf32> to vector<512xf32>
      %broadcast_in_dim3A_26 = vector.shape_cast %reduce_max3A_25 : vector<512xf32> to vector<512x1xf32>
      %eq3A_27 = vector.broadcast %broadcast_in_dim3A_26 : vector<512x1xf32> to vector<512x8xf32>
      %eq3A_28 = arith.cmpf oeq, %select_n3A_23, %eq3A_27 : vector<512x8xf32>
      %jit3A_29 = arith.constant 8 : i32
      %broadcast_in_dim3A_30 = vector.broadcast %jit3A_29 : i32 to vector<512x8xi32>
      %select_n3A_31 = arith.select %eq3A_28, %iota3A, %broadcast_in_dim3A_30 : vector<512x8xi1>, vector<512x8xi32>
      %reduce_min3A_32 = arith.constant dense<2147483647> : vector<512xi32>
      %reduce_min3A_33 = vector.multi_reduction <minsi>, %select_n3A_31, %reduce_min3A_32 [1] : vector<512x8xi32> to vector<512xi32>
      %broadcast_in_dim3A_34 = vector.shape_cast %reduce_min3A_33 : vector<512xi32> to vector<512x1xi32>
      %sub3A = arith.subf %broadcast_in_dim3A_26, %broadcast_in_dim3A : vector<512x1xf32>
      %exp3A = math.exp %sub3A : vector<512x1xf32>
      %add3A = arith.constant 1.000000e+00 : f32
      %add3A_35 = vector.broadcast %add3A : f32 to vector<512x1xf32>
      %add3A_36 = arith.addf %add3A_35, %exp3A : vector<512x1xf32>
      %div3A = arith.constant 1.000000e+00 : f32
      %div3A_37 = vector.broadcast %div3A : f32 to vector<512x1xf32>
      %div3A_38 = arith.divf %div3A_37, %add3A_36 : vector<512x1xf32>
      %div3A_39 = arith.divf %exp3A, %add3A_36 : vector<512x1xf32>
      %eq3A_40 = arith.constant 0 : i32
      %eq3A_41 = vector.broadcast %eq3A_40 : i32 to vector<512x8xi32>
      %eq3A_42 = arith.cmpi eq, %iota3A, %eq3A_41 : vector<512x8xi32>
      %jit3A_43 = arith.constant 0.000000e+00 : f32
      %broadcast_in_dim3A_44 = vector.shape_cast %div3A_38 : vector<512x1xf32> to vector<512x1xf32>
      %broadcast_in_dim3A_45 = vector.broadcast %broadcast_in_dim3A_44 : vector<512x1xf32> to vector<512x8xf32>
      %broadcast_in_dim3A_46 = vector.broadcast %jit3A_43 : f32 to vector<512x8xf32>
      %select_n3A_47 = arith.select %eq3A_42, %broadcast_in_dim3A_45, %broadcast_in_dim3A_46 : vector<512x8xi1>, vector<512x8xf32>
      %eq3A_48 = arith.constant 1 : i32
      %eq3A_49 = vector.broadcast %eq3A_48 : i32 to vector<512x8xi32>
      %eq3A_50 = arith.cmpi eq, %iota3A, %eq3A_49 : vector<512x8xi32>
      %jit3A_51 = arith.constant 0.000000e+00 : f32
      %broadcast_in_dim3A_52 = vector.shape_cast %div3A_39 : vector<512x1xf32> to vector<512x1xf32>
      %broadcast_in_dim3A_53 = vector.broadcast %broadcast_in_dim3A_52 : vector<512x1xf32> to vector<512x8xf32>
      %broadcast_in_dim3A_54 = vector.broadcast %jit3A_51 : f32 to vector<512x8xf32>
      %select_n3A_55 = arith.select %eq3A_50, %broadcast_in_dim3A_53, %broadcast_in_dim3A_54 : vector<512x8xi1>, vector<512x8xf32>
      %add3A_56 = arith.addf %select_n3A_47, %select_n3A_55 : vector<512x8xf32>
      %swap3A = arith.constant 0 : index
      %swap3A_57 = arith.constant 0 : index
      %swap3A_58 = vector.load %arg4[%swap3A, %swap3A_57] : memref<512x8xf32, #tpu.memory_space<vmem>>, vector<512x8xf32>
      tpu.vector_store %arg4[%swap3A, %swap3A_57], %add3A_56 {strides = array<i32>} : memref<512x8xf32, #tpu.memory_space<vmem>>, vector<512x8xf32>,
      %mul3A = arith.constant 512 : i32
      %mul3A_59 = arith.muli %arg1, %mul3A : i32
      %swap3A_60 = arith.index_cast %mul3A_59 : i32 to index
      %swap3A_61 = arith.constant 0 : index
      %swap3A_62 = vector.load %arg7[%swap3A_60, %swap3A_61] : memref<4096x1xi32, #tpu.memory_space<vmem>>, vector<512x1xi32>
      tpu.vector_store %arg7[%swap3A_60, %swap3A_61], %broadcast_in_dim3A_18 {strides = array<i32>} : memref<4096x1xi32, #tpu.memory_space<vmem>>, vector<512x1xi32>,
      %mul3A_63 = arith.constant 512 : i32
      %mul3A_64 = arith.muli %arg1, %mul3A_63 : i32
      %swap3A_65 = arith.index_cast %mul3A_64 : i32 to index
      %swap3A_66 = arith.constant 0 : index
      %swap3A_67 = vector.load %arg8[%swap3A_65, %swap3A_66] : memref<4096x1xi32, #tpu.memory_space<vmem>>, vector<512x1xi32>
      tpu.vector_store %arg8[%swap3A_65, %swap3A_66], %broadcast_in_dim3A_34 {strides = array<i32>} : memref<4096x1xi32, #tpu.memory_space<vmem>>, vector<512x1xi32>,
      %eq3A_68 = vector.broadcast %broadcast_in_dim3A_18 : vector<512x1xi32> to vector<512x8xi32>
      %eq3A_69 = arith.cmpi eq, %iota3A, %eq3A_68 : vector<512x8xi32>
      %convert_element_type3A_70 = arith.extui %eq3A_69 : vector<512x8xi1> to vector<512x8xi32>
      %convert_element_type3A_71 = arith.sitofp %convert_element_type3A_70 : vector<512x8xi32> to vector<512x8xf32>
      %eq3A_72 = vector.broadcast %broadcast_in_dim3A_34 : vector<512x1xi32> to vector<512x8xi32>
      %eq3A_73 = arith.cmpi eq, %iota3A, %eq3A_72 : vector<512x8xi32>
      %convert_element_type3A_74 = arith.extui %eq3A_73 : vector<512x8xi1> to vector<512x8xi32>
      %convert_element_type3A_75 = arith.sitofp %convert_element_type3A_74 : vector<512x8xi32> to vector<512x8xf32>
      %add3A_76 = arith.addf %convert_element_type3A_71, %convert_element_type3A_75 : vector<512x8xf32>
      %reduce_sum3A = arith.constant dense<0.000000e+00> : vector<8xf32>
      %reduce_sum3A_77 = vector.multi_reduction <add>, %add3A_76, %reduce_sum3A [0] : vector<512x8xf32> to vector<8xf32>
      %broadcast_in_dim3A_78 = vector.shape_cast %reduce_sum3A_77 : vector<8xf32> to vector<1x8xf32>
      %convert_element_type3A_79 = arith.fptosi %broadcast_in_dim3A_78 : vector<1x8xf32> to vector<1x8xi32>
      %eq3A_80 = arith.constant 0 : i32
      %eq3A_81 = arith.cmpi eq, %arg1, %eq3A_80 : i32
      %convert_element_type3A_82 = arith.extui %eq3A_81 : i1 to i32
      %cond3A_83 = arith.constant 0 : i32
      %cond3A_84 = arith.cmpi ne, %convert_element_type3A_82, %cond3A_83 : i32
      scf.if %cond3A_84 {
        %broadcast_in_dim3A_103 = arith.constant 0 : i32
        %broadcast_in_dim3A_104 = vector.broadcast %broadcast_in_dim3A_103 : i32 to vector<1x8xi32>
        %swap3A_105 = arith.constant 0 : index
        %swap3A_106 = arith.constant 0 : index
        %swap3A_107 = vector.load %arg9[%swap3A_105, %swap3A_106] : memref<1x8xi32, #tpu.memory_space<vmem>>, vector<1x8xi32>
        tpu.vector_store %arg9[%swap3A_105, %swap3A_106], %broadcast_in_dim3A_104 {strides = array<i32>} : memref<1x8xi32, #tpu.memory_space<vmem>>, vector<1x8xi32>,
      } else {
      }
      %get3A_85 = arith.constant 0 : index
      %get3A_86 = arith.constant 0 : index
      %get3A_87 = vector.load %arg9[%get3A_85, %get3A_86] : memref<1x8xi32, #tpu.memory_space<vmem>>, vector<1x8xi32>
      %swap3A_88 = arith.index_cast %arg1 : i32 to index
      %swap3A_89 = arith.constant 0 : index
      %swap3A_90 = vector.load %arg10[%swap3A_88, %swap3A_89] : memref<8x8xi32, #tpu.memory_space<vmem>>, vector<1x8xi32>
      tpu.vector_store %arg10[%swap3A_88, %swap3A_89], %get3A_87 {strides = array<i32>} : memref<8x8xi32, #tpu.memory_space<vmem>>, vector<1x8xi32>,
      %get3A_91 = arith.constant 0 : index
      %get3A_92 = arith.constant 0 : index
      %get3A_93 = vector.load %arg9[%get3A_91, %get3A_92] : memref<1x8xi32, #tpu.memory_space<vmem>>, vector<1x8xi32>
      %add3A_94 = arith.addi %get3A_93, %convert_element_type3A_79 : vector<1x8xi32>
      %swap3A_95 = arith.constant 0 : index
      %swap3A_96 = arith.constant 0 : index
      %swap3A_97 = vector.load %arg9[%swap3A_95, %swap3A_96] : memref<1x8xi32, #tpu.memory_space<vmem>>, vector<1x8xi32>
      tpu.vector_store %arg9[%swap3A_95, %swap3A_96], %add3A_94 {strides = array<i32>} : memref<1x8xi32, #tpu.memory_space<vmem>>, vector<1x8xi32>,
      %eq3A_98 = arith.constant 7 : i32
      %eq3A_99 = arith.cmpi eq, %arg1, %eq3A_98 : i32
      %convert_element_type3A_100 = arith.extui %eq3A_99 : i1 to i32
      %cond3A_101 = arith.constant 0 : i32
      %cond3A_102 = arith.cmpi ne, %convert_element_type3A_100, %cond3A_101 : i32
      scf.if %cond3A_102 {
        %get3A_103 = arith.constant 0 : index
        %get3A_104 = arith.constant 0 : index
        %get3A_105 = vector.load %arg9[%get3A_103, %get3A_104] : memref<1x8xi32, #tpu.memory_space<vmem>>, vector<1x8xi32>
        %add3A_106 = arith.constant 511 : i32
        %add3A_107 = vector.broadcast %add3A_106 : i32 to vector<1x8xi32>
        %add3A_108 = arith.addi %get3A_105, %add3A_107 : vector<1x8xi32>
        %jit3A_109 = arith.constant 512 : i32
        %div3A_110 = vector.broadcast %jit3A_109 : i32 to vector<1x8xi32>
        %div3A_111 = arith.divsi %add3A_108, %div3A_110 : vector<1x8xi32>
        %sign3A = arith.constant 0 : i32
        %sign3A_112 = vector.broadcast %sign3A : i32 to vector<1x8xi32>
        %sign3A_113 = arith.cmpi sgt, %add3A_108, %sign3A_112 : vector<1x8xi32>
        %sign3A_114 = arith.extui %sign3A_113 : vector<1x8xi1> to vector<1x8xi32>
        %sign3A_115 = arith.constant 0 : i32
        %sign3A_116 = vector.broadcast %sign3A_115 : i32 to vector<1x8xi32>
        %sign3A_117 = arith.cmpi slt, %add3A_108, %sign3A_116 : vector<1x8xi32>
        %sign3A_118 = arith.extui %sign3A_117 : vector<1x8xi1> to vector<1x8xi32>
        %sign3A_119 = arith.subi %sign3A_114, %sign3A_118 : vector<1x8xi32>
        %sign3A_120 = arith.constant 0 : i32
        %sign3A_121 = arith.cmpi sgt, %jit3A_109, %sign3A_120 : i32
        %sign3A_122 = arith.extui %sign3A_121 : i1 to i32
        %sign3A_123 = arith.constant 0 : i32
        %sign3A_124 = arith.cmpi slt, %jit3A_109, %sign3A_123 : i32
        %sign3A_125 = arith.extui %sign3A_124 : i1 to i32
        %sign3A_126 = arith.subi %sign3A_122, %sign3A_125 : i32
        %ne3A = vector.broadcast %sign3A_126 : i32 to vector<1x8xi32>
        %ne3A_127 = arith.cmpi ne, %sign3A_119, %ne3A : vector<1x8xi32>
        %rem3A = vector.broadcast %jit3A_109 : i32 to vector<1x8xi32>
        %rem3A_128 = arith.remsi %add3A_108, %rem3A : vector<1x8xi32>
        %ne3A_129 = arith.constant 0 : i32
        %ne3A_130 = vector.broadcast %ne3A_129 : i32 to vector<1x8xi32>
        %ne3A_131 = arith.cmpi ne, %rem3A_128, %ne3A_130 : vector<1x8xi32>
        %and3A = arith.andi %ne3A_127, %ne3A_131 : vector<1x8xi1>
        %sub3A_132 = arith.constant 1 : i32
        %sub3A_133 = vector.broadcast %sub3A_132 : i32 to vector<1x8xi32>
        %sub3A_134 = arith.subi %div3A_111, %sub3A_133 : vector<1x8xi32>
        %select_n3A_135 = arith.select %and3A, %sub3A_134, %div3A_111 : vector<1x8xi1>, vector<1x8xi32>
        %mul3A_136 = arith.constant 512 : i32
        %mul3A_137 = vector.broadcast %mul3A_136 : i32 to vector<1x8xi32>
        %mul3A_138 = arith.muli %select_n3A_135, %mul3A_137 : vector<1x8xi32>
        %broadcast_in_dim3A_139 = arith.constant 0 : i32
        %broadcast_in_dim3A_140 = vector.broadcast %broadcast_in_dim3A_139 : i32 to vector<1x8xi32>
        %slice3A = vector.extract_strided_slice %mul3A_138 {offsets = [0, 0], sizes = [1, 1], strides = [1, 1]} : vector<1x8xi32> to vector<1x1xi32>
        %iota3A_141 = tpu.iota {dimensions = array<i32: 1>} : vector<1x8xi32>
        %gt3A = arith.constant 0 : i32
        %gt3A_142 = vector.broadcast %gt3A : i32 to vector<1x8xi32>
        %gt3A_143 = arith.cmpi sgt, %iota3A_141, %gt3A_142 : vector<1x8xi32>
        %jit3A_144 = arith.constant 0 : i32
        %broadcast_in_dim3A_145 = vector.shape_cast %slice3A : vector<1x1xi32> to vector<1x1xi32>
        %broadcast_in_dim3A_146 = vector.broadcast %broadcast_in_dim3A_145 : vector<1x1xi32> to vector<1x8xi32>
        %broadcast_in_dim3A_147 = vector.broadcast %jit3A_144 : i32 to vector<1x8xi32>
        %select_n3A_148 = arith.select %gt3A_143, %broadcast_in_dim3A_146, %broadcast_in_dim3A_147 : vector<1x8xi1>, vector<1x8xi32>
        %add3A_149 = arith.addi %broadcast_in_dim3A_140, %select_n3A_148 : vector<1x8xi32>
        %slice3A_150 = vector.extract_strided_slice %mul3A_138 {offsets = [0, 1], sizes = [1, 1], strides = [1, 1]} : vector<1x8xi32> to vector<1x1xi32>
        %iota3A_151 = tpu.iota {dimensions = array<i32: 1>} : vector<1x8xi32>
        %gt3A_152 = arith.constant 1 : i32
        %gt3A_153 = vector.broadcast %gt3A_152 : i32 to vector<1x8xi32>
        %gt3A_154 = arith.cmpi sgt, %iota3A_151, %gt3A_153 : vector<1x8xi32>
        %jit3A_155 = arith.constant 0 : i32
        %broadcast_in_dim3A_156 = vector.shape_cast %slice3A_150 : vector<1x1xi32> to vector<1x1xi32>
        %broadcast_in_dim3A_157 = vector.broadcast %broadcast_in_dim3A_156 : vector<1x1xi32> to vector<1x8xi32>
        %broadcast_in_dim3A_158 = vector.broadcast %jit3A_155 : i32 to vector<1x8xi32>
        %select_n3A_159 = arith.select %gt3A_154, %broadcast_in_dim3A_157, %broadcast_in_dim3A_158 : vector<1x8xi1>, vector<1x8xi32>
        %add3A_160 = arith.addi %add3A_149, %select_n3A_159 : vector<1x8xi32>
        %slice3A_161 = vector.extract_strided_slice %mul3A_138 {offsets = [0, 2], sizes = [1, 1], strides = [1, 1]} : vector<1x8xi32> to vector<1x1xi32>
        %iota3A_162 = tpu.iota {dimensions = array<i32: 1>} : vector<1x8xi32>
        %gt3A_163 = arith.constant 2 : i32
        %gt3A_164 = vector.broadcast %gt3A_163 : i32 to vector<1x8xi32>
        %gt3A_165 = arith.cmpi sgt, %iota3A_162, %gt3A_164 : vector<1x8xi32>
        %jit3A_166 = arith.constant 0 : i32
        %broadcast_in_dim3A_167 = vector.shape_cast %slice3A_161 : vector<1x1xi32> to vector<1x1xi32>
        %broadcast_in_dim3A_168 = vector.broadcast %broadcast_in_dim3A_167 : vector<1x1xi32> to vector<1x8xi32>
        %broadcast_in_dim3A_169 = vector.broadcast %jit3A_166 : i32 to vector<1x8xi32>
        %select_n3A_170 = arith.select %gt3A_165, %broadcast_in_dim3A_168, %broadcast_in_dim3A_169 : vector<1x8xi1>, vector<1x8xi32>
        %add3A_171 = arith.addi %add3A_160, %select_n3A_170 : vector<1x8xi32>
        %slice3A_172 = vector.extract_strided_slice %mul3A_138 {offsets = [0, 3], sizes = [1, 1], strides = [1, 1]} : vector<1x8xi32> to vector<1x1xi32>
        %iota3A_173 = tpu.iota {dimensions = array<i32: 1>} : vector<1x8xi32>
        %gt3A_174 = arith.constant 3 : i32
        %gt3A_175 = vector.broadcast %gt3A_174 : i32 to vector<1x8xi32>
        %gt3A_176 = arith.cmpi sgt, %iota3A_173, %gt3A_175 : vector<1x8xi32>
        %jit3A_177 = arith.constant 0 : i32
        %broadcast_in_dim3A_178 = vector.shape_cast %slice3A_172 : vector<1x1xi32> to vector<1x1xi32>
        %broadcast_in_dim3A_179 = vector.broadcast %broadcast_in_dim3A_178 : vector<1x1xi32> to vector<1x8xi32>
        %broadcast_in_dim3A_180 = vector.broadcast %jit3A_177 : i32 to vector<1x8xi32>
        %select_n3A_181 = arith.select %gt3A_176, %broadcast_in_dim3A_179, %broadcast_in_dim3A_180 : vector<1x8xi1>, vector<1x8xi32>
        %add3A_182 = arith.addi %add3A_171, %select_n3A_181 : vector<1x8xi32>
        %slice3A_183 = vector.extract_strided_slice %mul3A_138 {offsets = [0, 4], sizes = [1, 1], strides = [1, 1]} : vector<1x8xi32> to vector<1x1xi32>
        %iota3A_184 = tpu.iota {dimensions = array<i32: 1>} : vector<1x8xi32>
        %gt3A_185 = arith.constant 4 : i32
        %gt3A_186 = vector.broadcast %gt3A_185 : i32 to vector<1x8xi32>
        %gt3A_187 = arith.cmpi sgt, %iota3A_184, %gt3A_186 : vector<1x8xi32>
        %jit3A_188 = arith.constant 0 : i32
        %broadcast_in_dim3A_189 = vector.shape_cast %slice3A_183 : vector<1x1xi32> to vector<1x1xi32>
        %broadcast_in_dim3A_190 = vector.broadcast %broadcast_in_dim3A_189 : vector<1x1xi32> to vector<1x8xi32>
        %broadcast_in_dim3A_191 = vector.broadcast %jit3A_188 : i32 to vector<1x8xi32>
        %select_n3A_192 = arith.select %gt3A_187, %broadcast_in_dim3A_190, %broadcast_in_dim3A_191 : vector<1x8xi1>, vector<1x8xi32>
        %add3A_193 = arith.addi %add3A_182, %select_n3A_192 : vector<1x8xi32>
        %slice3A_194 = vector.extract_strided_slice %mul3A_138 {offsets = [0, 5], sizes = [1, 1], strides = [1, 1]} : vector<1x8xi32> to vector<1x1xi32>
        %iota3A_195 = tpu.iota {dimensions = array<i32: 1>} : vector<1x8xi32>
        %gt3A_196 = arith.constant 5 : i32
        %gt3A_197 = vector.broadcast %gt3A_196 : i32 to vector<1x8xi32>
        %gt3A_198 = arith.cmpi sgt, %iota3A_195, %gt3A_197 : vector<1x8xi32>
        %jit3A_199 = arith.constant 0 : i32
        %broadcast_in_dim3A_200 = vector.shape_cast %slice3A_194 : vector<1x1xi32> to vector<1x1xi32>
        %broadcast_in_dim3A_201 = vector.broadcast %broadcast_in_dim3A_200 : vector<1x1xi32> to vector<1x8xi32>
        %broadcast_in_dim3A_202 = vector.broadcast %jit3A_199 : i32 to vector<1x8xi32>
        %select_n3A_203 = arith.select %gt3A_198, %broadcast_in_dim3A_201, %broadcast_in_dim3A_202 : vector<1x8xi1>, vector<1x8xi32>
        %add3A_204 = arith.addi %add3A_193, %select_n3A_203 : vector<1x8xi32>
        %slice3A_205 = vector.extract_strided_slice %mul3A_138 {offsets = [0, 6], sizes = [1, 1], strides = [1, 1]} : vector<1x8xi32> to vector<1x1xi32>
        %iota3A_206 = tpu.iota {dimensions = array<i32: 1>} : vector<1x8xi32>
        %gt3A_207 = arith.constant 6 : i32
        %gt3A_208 = vector.broadcast %gt3A_207 : i32 to vector<1x8xi32>
        %gt3A_209 = arith.cmpi sgt, %iota3A_206, %gt3A_208 : vector<1x8xi32>
        %jit3A_210 = arith.constant 0 : i32
        %broadcast_in_dim3A_211 = vector.shape_cast %slice3A_205 : vector<1x1xi32> to vector<1x1xi32>
        %broadcast_in_dim3A_212 = vector.broadcast %broadcast_in_dim3A_211 : vector<1x1xi32> to vector<1x8xi32>
        %broadcast_in_dim3A_213 = vector.broadcast %jit3A_210 : i32 to vector<1x8xi32>
        %select_n3A_214 = arith.select %gt3A_209, %broadcast_in_dim3A_212, %broadcast_in_dim3A_213 : vector<1x8xi1>, vector<1x8xi32>
        %add3A_215 = arith.addi %add3A_204, %select_n3A_214 : vector<1x8xi32>
        %slice3A_216 = vector.extract_strided_slice %mul3A_138 {offsets = [0, 7], sizes = [1, 1], strides = [1, 1]} : vector<1x8xi32> to vector<1x1xi32>
        %iota3A_217 = tpu.iota {dimensions = array<i32: 1>} : vector<1x8xi32>
        %gt3A_218 = arith.constant 7 : i32
        %gt3A_219 = vector.broadcast %gt3A_218 : i32 to vector<1x8xi32>
        %gt3A_220 = arith.cmpi sgt, %iota3A_217, %gt3A_219 : vector<1x8xi32>
        %jit3A_221 = arith.constant 0 : i32
        %broadcast_in_dim3A_222 = vector.shape_cast %slice3A_216 : vector<1x1xi32> to vector<1x1xi32>
        %broadcast_in_dim3A_223 = vector.broadcast %broadcast_in_dim3A_222 : vector<1x1xi32> to vector<1x8xi32>
        %broadcast_in_dim3A_224 = vector.broadcast %jit3A_221 : i32 to vector<1x8xi32>
        %select_n3A_225 = arith.select %gt3A_220, %broadcast_in_dim3A_223, %broadcast_in_dim3A_224 : vector<1x8xi1>, vector<1x8xi32>
        %add3A_226 = arith.addi %add3A_215, %select_n3A_225 : vector<1x8xi32>
        %swap3A_227 = arith.constant 0 : index
        %swap3A_228 = arith.constant 0 : index
        %swap3A_229 = vector.load %arg11[%swap3A_227, %swap3A_228] : memref<1x8xi32, #tpu.memory_space<vmem>>, vector<1x8xi32>
        tpu.vector_store %arg11[%swap3A_227, %swap3A_228], %add3A_226 {strides = array<i32>} : memref<1x8xi32, #tpu.memory_space<vmem>>, vector<1x8xi32>,
        %add3A_230 = arith.addi %add3A_226, %mul3A_138 : vector<1x8xi32>
        %reduce_sum3A_231 = arith.constant dense<0> : vector<1xi32>
        %reduce_sum3A_232 = vector.multi_reduction <add>, %mul3A_138, %reduce_sum3A_231 [1] : vector<1x8xi32> to vector<1xi32>
        %broadcast_in_dim3A_233 = vector.shape_cast %reduce_sum3A_232 : vector<1xi32> to vector<1x1xi32>
        %iota3A_234 = tpu.iota {dimensions = array<i32: 1>} : vector<8x128xi32>
        %broadcast_in_dim3A_235 = arith.constant 0 : i32
        %broadcast_in_dim3A_236 = vector.broadcast %broadcast_in_dim3A_235 : i32 to vector<8x128xi32>
        %slice3A_237 = vector.extract_strided_slice %add3A_230 {offsets = [0, 0], sizes = [1, 1], strides = [1, 1]} : vector<1x8xi32> to vector<1x1xi32>
        %mul3A_238 = arith.constant 512 : i32
        %mul3A_239 = vector.broadcast %mul3A_238 : i32 to vector<8x128xi32>
        %mul3A_240 = arith.muli %iota3A_234, %mul3A_239 : vector<8x128xi32>
        %le3A = vector.broadcast %slice3A_237 : vector<1x1xi32> to vector<8x128xi32>
        %le3A_241 = arith.cmpi sle, %le3A, %mul3A_240 : vector<8x128xi32>
        %convert_element_type3A_242 = arith.extui %le3A_241 : vector<8x128xi1> to vector<8x128xi32>
        %add3A_243 = arith.addi %broadcast_in_dim3A_236, %convert_element_type3A_242 : vector<8x128xi32>
        %slice3A_244 = vector.extract_strided_slice %add3A_230 {offsets = [0, 1], sizes = [1, 1], strides = [1, 1]} : vector<1x8xi32> to vector<1x1xi32>
        %mul3A_245 = arith.constant 512 : i32
        %mul3A_246 = vector.broadcast %mul3A_245 : i32 to vector<8x128xi32>
        %mul3A_247 = arith.muli %iota3A_234, %mul3A_246 : vector<8x128xi32>
        %le3A_248 = vector.broadcast %slice3A_244 : vector<1x1xi32> to vector<8x128xi32>
        %le3A_249 = arith.cmpi sle, %le3A_248, %mul3A_247 : vector<8x128xi32>
        %convert_element_type3A_250 = arith.extui %le3A_249 : vector<8x128xi1> to vector<8x128xi32>
        %add3A_251 = arith.addi %add3A_243, %convert_element_type3A_250 : vector<8x128xi32>
        %slice3A_252 = vector.extract_strided_slice %add3A_230 {offsets = [0, 2], sizes = [1, 1], strides = [1, 1]} : vector<1x8xi32> to vector<1x1xi32>
        %mul3A_253 = arith.constant 512 : i32
        %mul3A_254 = vector.broadcast %mul3A_253 : i32 to vector<8x128xi32>
        %mul3A_255 = arith.muli %iota3A_234, %mul3A_254 : vector<8x128xi32>
        %le3A_256 = vector.broadcast %slice3A_252 : vector<1x1xi32> to vector<8x128xi32>
        %le3A_257 = arith.cmpi sle, %le3A_256, %mul3A_255 : vector<8x128xi32>
        %convert_element_type3A_258 = arith.extui %le3A_257 : vector<8x128xi1> to vector<8x128xi32>
        %add3A_259 = arith.addi %add3A_251, %convert_element_type3A_258 : vector<8x128xi32>
        %slice3A_260 = vector.extract_strided_slice %add3A_230 {offsets = [0, 3], sizes = [1, 1], strides = [1, 1]} : vector<1x8xi32> to vector<1x1xi32>
        %mul3A_261 = arith.constant 512 : i32
        %mul3A_262 = vector.broadcast %mul3A_261 : i32 to vector<8x128xi32>
        %mul3A_263 = arith.muli %iota3A_234, %mul3A_262 : vector<8x128xi32>
        %le3A_264 = vector.broadcast %slice3A_260 : vector<1x1xi32> to vector<8x128xi32>
        %le3A_265 = arith.cmpi sle, %le3A_264, %mul3A_263 : vector<8x128xi32>
        %convert_element_type3A_266 = arith.extui %le3A_265 : vector<8x128xi1> to vector<8x128xi32>
        %add3A_267 = arith.addi %add3A_259, %convert_element_type3A_266 : vector<8x128xi32>
        %slice3A_268 = vector.extract_strided_slice %add3A_230 {offsets = [0, 4], sizes = [1, 1], strides = [1, 1]} : vector<1x8xi32> to vector<1x1xi32>
        %mul3A_269 = arith.constant 512 : i32
        %mul3A_270 = vector.broadcast %mul3A_269 : i32 to vector<8x128xi32>
        %mul3A_271 = arith.muli %iota3A_234, %mul3A_270 : vector<8x128xi32>
        %le3A_272 = vector.broadcast %slice3A_268 : vector<1x1xi32> to vector<8x128xi32>
        %le3A_273 = arith.cmpi sle, %le3A_272, %mul3A_271 : vector<8x128xi32>
        %convert_element_type3A_274 = arith.extui %le3A_273 : vector<8x128xi1> to vector<8x128xi32>
        %add3A_275 = arith.addi %add3A_267, %convert_element_type3A_274 : vector<8x128xi32>
        %slice3A_276 = vector.extract_strided_slice %add3A_230 {offsets = [0, 5], sizes = [1, 1], strides = [1, 1]} : vector<1x8xi32> to vector<1x1xi32>
        %mul3A_277 = arith.constant 512 : i32
        %mul3A_278 = vector.broadcast %mul3A_277 : i32 to vector<8x128xi32>
        %mul3A_279 = arith.muli %iota3A_234, %mul3A_278 : vector<8x128xi32>
        %le3A_280 = vector.broadcast %slice3A_276 : vector<1x1xi32> to vector<8x128xi32>
        %le3A_281 = arith.cmpi sle, %le3A_280, %mul3A_279 : vector<8x128xi32>
        %convert_element_type3A_282 = arith.extui %le3A_281 : vector<8x128xi1> to vector<8x128xi32>
        %add3A_283 = arith.addi %add3A_275, %convert_element_type3A_282 : vector<8x128xi32>
        %slice3A_284 = vector.extract_strided_slice %add3A_230 {offsets = [0, 6], sizes = [1, 1], strides = [1, 1]} : vector<1x8xi32> to vector<1x1xi32>
        %mul3A_285 = arith.constant 512 : i32
        %mul3A_286 = vector.broadcast %mul3A_285 : i32 to vector<8x128xi32>
        %mul3A_287 = arith.muli %iota3A_234, %mul3A_286 : vector<8x128xi32>
        %le3A_288 = vector.broadcast %slice3A_284 : vector<1x1xi32> to vector<8x128xi32>
        %le3A_289 = arith.cmpi sle, %le3A_288, %mul3A_287 : vector<8x128xi32>
        %convert_element_type3A_290 = arith.extui %le3A_289 : vector<8x128xi1> to vector<8x128xi32>
        %add3A_291 = arith.addi %add3A_283, %convert_element_type3A_290 : vector<8x128xi32>
        %slice3A_292 = vector.extract_strided_slice %add3A_230 {offsets = [0, 7], sizes = [1, 1], strides = [1, 1]} : vector<1x8xi32> to vector<1x1xi32>
        %mul3A_293 = arith.constant 512 : i32
        %mul3A_294 = vector.broadcast %mul3A_293 : i32 to vector<8x128xi32>
        %mul3A_295 = arith.muli %iota3A_234, %mul3A_294 : vector<8x128xi32>
        %le3A_296 = vector.broadcast %slice3A_292 : vector<1x1xi32> to vector<8x128xi32>
        %le3A_297 = arith.cmpi sle, %le3A_296, %mul3A_295 : vector<8x128xi32>
        %convert_element_type3A_298 = arith.extui %le3A_297 : vector<8x128xi1> to vector<8x128xi32>
        %add3A_299 = arith.addi %add3A_291, %convert_element_type3A_298 : vector<8x128xi32>
        %min3A = arith.constant 7 : i32
        %min3A_300 = vector.broadcast %min3A : i32 to vector<8x128xi32>
        %min3A_301 = arith.minsi %add3A_299, %min3A_300 : vector<8x128xi32>
        %eq3A_302 = arith.constant 24 : i32
        %eq3A_303 = vector.broadcast %eq3A_302 : i32 to vector<8x128xi32>
        %eq3A_304 = arith.cmpi eq, %iota3A_234, %eq3A_303 : vector<8x128xi32>
        %broadcast_in_dim3A_305 = vector.shape_cast %broadcast_in_dim3A_233 : vector<1x1xi32> to vector<1x1xi32>
        %broadcast_in_dim3A_306 = vector.broadcast %broadcast_in_dim3A_305 : vector<1x1xi32> to vector<8x128xi32>
        %select_n3A_307 = arith.select %eq3A_304, %broadcast_in_dim3A_306, %min3A_301 : vector<8x128xi1>, vector<8x128xi32>
        %swap3A_308 = arith.constant 0 : index
        %swap3A_309 = arith.constant 0 : index
        %swap3A_310 = vector.load %arg6[%swap3A_308, %swap3A_309] : memref<8x128xi32, #tpu.memory_space<vmem>>, vector<8x128xi32>
        tpu.vector_store %arg6[%swap3A_308, %swap3A_309], %select_n3A_307 {strides = array<i32>} : memref<8x128xi32, #tpu.memory_space<vmem>>, vector<8x128xi32>,
      } else {
      }
    } else {
    }
    %eq3A_2 = arith.constant 1 : i32
    %eq3A_3 = arith.cmpi eq, %arg0, %eq3A_2 : i32
    %convert_element_type3A_4 = arith.extui %eq3A_3 : i1 to i32
    %cond3A_5 = arith.constant 0 : i32
    %cond3A_6 = arith.cmpi ne, %convert_element_type3A_4, %cond3A_5 : i32
    scf.if %cond3A_6 {
      %mul3A = arith.constant 512 : i32
      %mul3A_7 = arith.muli %arg1, %mul3A : i32
      %get3A = arith.index_cast %mul3A_7 : i32 to index
      %get3A_8 = arith.constant 0 : index
      %get3A_9 = vector.load %arg7[%get3A, %get3A_8] : memref<4096x1xi32, #tpu.memory_space<vmem>>, vector<512x1xi32>
      %mul3A_10 = arith.constant 512 : i32
      %mul3A_11 = arith.muli %arg1, %mul3A_10 : i32
      %get3A_12 = arith.index_cast %mul3A_11 : i32 to index
      %get3A_13 = arith.constant 0 : index
      %get3A_14 = vector.load %arg8[%get3A_12, %get3A_13] : memref<4096x1xi32, #tpu.memory_space<vmem>>, vector<512x1xi32>
      %eq3A_15 = vector.broadcast %get3A_9 : vector<512x1xi32> to vector<512x8xi32>
      %eq3A_16 = arith.cmpi eq, %iota3A, %eq3A_15 : vector<512x8xi32>
      %convert_element_type3A_17 = arith.extui %eq3A_16 : vector<512x8xi1> to vector<512x8xi32>
      %convert_element_type3A_18 = arith.sitofp %convert_element_type3A_17 : vector<512x8xi32> to vector<512x8xf32>
      %eq3A_19 = vector.broadcast %get3A_14 : vector<512x1xi32> to vector<512x8xi32>
      %eq3A_20 = arith.cmpi eq, %iota3A, %eq3A_19 : vector<512x8xi32>
      %convert_element_type3A_21 = arith.extui %eq3A_20 : vector<512x8xi1> to vector<512x8xi32>
      %convert_element_type3A_22 = arith.sitofp %convert_element_type3A_21 : vector<512x8xi32> to vector<512x8xf32>
      %iota3A_23 = tpu.iota {dimensions = array<i32: 0>} : vector<512x512xi32>
      %iota3A_24 = tpu.iota {dimensions = array<i32: 1>} : vector<512x512xi32>
      %gt3A = arith.cmpi sgt, %iota3A_23, %iota3A_24 : vector<512x512xi32>
      %convert_element_type3A_25 = arith.extui %gt3A : vector<512x512xi1> to vector<512x512xi32>
      %convert_element_type3A_26 = arith.sitofp %convert_element_type3A_25 : vector<512x512xi32> to vector<512x512xf32>
      %dot_general3A = arith.constant dense<0.000000e+00> : vector<512x8xf32>
      %dot_general3A_27 = tpu.matmul %convert_element_type3A_26, %convert_element_type3A_18, %dot_general3A {dimension_numbers = #tpu.dot_dimension_numbers<[1], [0], [0], [1], [0, 0, 1, 1], [], []>, transpose_lhs_hint = false} : vector<512x512xf32>, vector<512x8xf32>, vector<512x8xf32> -> vector<512x8xf32>
      %dot_general3A_28 = arith.constant dense<0.000000e+00> : vector<512x8xf32>
      %dot_general3A_29 = tpu.matmul %convert_element_type3A_26, %convert_element_type3A_22, %dot_general3A_28 {dimension_numbers = #tpu.dot_dimension_numbers<[1], [0], [0], [1], [0, 0, 1, 1], [], []>, transpose_lhs_hint = false} : vector<512x512xf32>, vector<512x8xf32>, vector<512x8xf32> -> vector<512x8xf32>
      %reduce_sum3A = arith.constant dense<0.000000e+00> : vector<8xf32>
      %reduce_sum3A_30 = vector.multi_reduction <add>, %convert_element_type3A_18, %reduce_sum3A [0] : vector<512x8xf32> to vector<8xf32>
      %broadcast_in_dim3A = vector.shape_cast %reduce_sum3A_30 : vector<8xf32> to vector<1x8xf32>
      %get3A_31 = arith.constant 0 : index
      %get3A_32 = arith.constant 0 : index
      %get3A_33 = vector.load %arg11[%get3A_31, %get3A_32] : memref<1x8xi32, #tpu.memory_space<vmem>>, vector<1x8xi32>
      %get3A_34 = arith.index_cast %arg1 : i32 to index
      %get3A_35 = arith.constant 0 : index
      %get3A_36 = vector.load %arg10[%get3A_34, %get3A_35] : memref<8x8xi32, #tpu.memory_space<vmem>>, vector<1x8xi32>
      %add3A = arith.addi %get3A_33, %get3A_36 : vector<1x8xi32>
      %convert_element_type3A_37 = arith.sitofp %add3A : vector<1x8xi32> to vector<1x8xf32>
      %add3A_38 = vector.broadcast %convert_element_type3A_37 : vector<1x8xf32> to vector<512x8xf32>
      %add3A_39 = arith.addf %add3A_38, %dot_general3A_27 : vector<512x8xf32>
      %mul3A_40 = arith.mulf %add3A_39, %convert_element_type3A_18 : vector<512x8xf32>
      %reduce_sum3A_41 = arith.constant dense<0.000000e+00> : vector<512xf32>
      %reduce_sum3A_42 = vector.multi_reduction <add>, %mul3A_40, %reduce_sum3A_41 [1] : vector<512x8xf32> to vector<512xf32>
      %broadcast_in_dim3A_43 = vector.shape_cast %reduce_sum3A_42 : vector<512xf32> to vector<512x1xf32>
      %add3A_44 = arith.addf %convert_element_type3A_37, %broadcast_in_dim3A : vector<1x8xf32>
      %add3A_45 = vector.broadcast %add3A_44 : vector<1x8xf32> to vector<512x8xf32>
      %add3A_46 = arith.addf %add3A_45, %dot_general3A_29 : vector<512x8xf32>
      %mul3A_47 = arith.mulf %add3A_46, %convert_element_type3A_22 : vector<512x8xf32>
      %reduce_sum3A_48 = arith.constant dense<0.000000e+00> : vector<512xf32>
      %reduce_sum3A_49 = vector.multi_reduction <add>, %mul3A_47, %reduce_sum3A_48 [1] : vector<512x8xf32> to vector<512xf32>
      %broadcast_in_dim3A_50 = vector.shape_cast %reduce_sum3A_49 : vector<512xf32> to vector<512x1xf32>
      %eq3A_51 = arith.constant 0 : i32
      %eq3A_52 = vector.broadcast %eq3A_51 : i32 to vector<512x8xi32>
      %eq3A_53 = arith.cmpi eq, %iota3A, %eq3A_52 : vector<512x8xi32>
      %convert_element_type3A_54 = arith.fptosi %broadcast_in_dim3A_43 : vector<512x1xf32> to vector<512x1xi32>
      %jit3A = arith.constant 0 : i32
      %broadcast_in_dim3A_55 = vector.shape_cast %convert_element_type3A_54 : vector<512x1xi32> to vector<512x1xi32>
      %broadcast_in_dim3A_56 = vector.broadcast %broadcast_in_dim3A_55 : vector<512x1xi32> to vector<512x8xi32>
      %broadcast_in_dim3A_57 = vector.broadcast %jit3A : i32 to vector<512x8xi32>
      %select_n3A = arith.select %eq3A_53, %broadcast_in_dim3A_56, %broadcast_in_dim3A_57 : vector<512x8xi1>, vector<512x8xi32>
      %eq3A_58 = arith.constant 1 : i32
      %eq3A_59 = vector.broadcast %eq3A_58 : i32 to vector<512x8xi32>
      %eq3A_60 = arith.cmpi eq, %iota3A, %eq3A_59 : vector<512x8xi32>
      %convert_element_type3A_61 = arith.fptosi %broadcast_in_dim3A_50 : vector<512x1xf32> to vector<512x1xi32>
      %jit3A_62 = arith.constant 0 : i32
      %broadcast_in_dim3A_63 = vector.shape_cast %convert_element_type3A_61 : vector<512x1xi32> to vector<512x1xi32>
      %broadcast_in_dim3A_64 = vector.broadcast %broadcast_in_dim3A_63 : vector<512x1xi32> to vector<512x8xi32>
      %broadcast_in_dim3A_65 = vector.broadcast %jit3A_62 : i32 to vector<512x8xi32>
      %select_n3A_66 = arith.select %eq3A_60, %broadcast_in_dim3A_64, %broadcast_in_dim3A_65 : vector<512x8xi1>, vector<512x8xi32>
      %add3A_67 = arith.addi %select_n3A, %select_n3A_66 : vector<512x8xi32>
      %swap3A = arith.constant 0 : index
      %swap3A_68 = arith.constant 0 : index
      %swap3A_69 = vector.load %arg5[%swap3A, %swap3A_68] : memref<512x8xi32, #tpu.memory_space<vmem>>, vector<512x8xi32>
      tpu.vector_store %arg5[%swap3A, %swap3A_68], %add3A_67 {strides = array<i32>} : memref<512x8xi32, #tpu.memory_space<vmem>>, vector<512x8xi32>,
    } else {
    }
    return
  }
  func.func @transform_0(%arg0: i32, %arg1: i32) -> (i32, i32) {
    %c0_i32 = arith.constant 0 : i32
    %c0_i32_0 = arith.constant 0 : i32
    return %arg1, %c0_i32 : i32, i32
  }
  func.func @transform_1(%arg0: i32, %arg1: i32) -> (i32, i32) {
    %c0_i32 = arith.constant 0 : i32
    %c0_i32_0 = arith.constant 0 : i32
    %c0_i32_1 = arith.constant 0 : i32
    return %c0_i32, %c0_i32_0 : i32, i32
  }
  func.func @transform_2(%arg0: i32, %arg1: i32) -> (i32, i32) {
    %sub3A = arith.constant 8 : i32
    %sub3A_0 = arith.subi %sub3A, %arg1 : i32
    %mul3A = arith.muli %arg0, %sub3A_0 : i32
    %add3A = arith.addi %arg1, %mul3A : i32
    %c0_i32 = arith.constant 0 : i32
    %c0_i32_1 = arith.constant 0 : i32
    return %add3A, %c0_i32 : i32, i32
  }
  func.func @transform_3(%arg0: i32, %arg1: i32) -> (i32, i32) {
    %sub3A = arith.constant 1 : i32
    %sub3A_0 = arith.subi %sub3A, %arg0 : i32
    %sub3A_1 = arith.constant 8 : i32
    %sub3A_2 = arith.subi %sub3A_1, %arg1 : i32
    %mul3A = arith.muli %sub3A_0, %sub3A_2 : i32
    %add3A = arith.addi %arg1, %mul3A : i32
    %c0_i32 = arith.constant 0 : i32
    %c0_i32_3 = arith.constant 0 : i32
    return %add3A, %c0_i32 : i32, i32
  }
  func.func @transform_4(%arg0: i32, %arg1: i32) -> (i32, i32) {
    %c0_i32 = arith.constant 0 : i32
    %c0_i32_0 = arith.constant 0 : i32
    %c0_i32_1 = arith.constant 0 : i32
    return %c0_i32, %c0_i32_0 : i32, i32
  }
}

module attributes {stable_mosaic.version = 14 : i64} {
  func.func @_mlp_body(%arg0: i32, %arg1: memref<25xi32, #tpu.memory_space<smem>>, %arg2: memref<512x768xf32, #tpu.memory_space<vmem>>, %arg3: memref<1x768x768xf32, #tpu.memory_space<vmem>>, %arg4: memref<1x1x768xf32, #tpu.memory_space<vmem>>, %arg5: memref<1x768x768xf32, #tpu.memory_space<vmem>>, %arg6: memref<1x1x768xf32, #tpu.memory_space<vmem>>, %arg7: memref<512x1xf32, #tpu.memory_space<vmem>>, %arg8: memref<512x768xf32, #tpu.memory_space<vmem>>) attributes {dimension_semantics = [#tpu.dimension_semantics<arbitrary>], iteration_bounds = array<i64: 24>, scalar_prefetch = 1 : i64, scratch_operands = 0 : i64, tpu.core_type = #tpu.core_type<tc>, window_params = [{transform_indices = @transform_0, window_bounds = array<i64: 512, 768>}, {transform_indices = @transform_1, window_bounds = array<i64: 1, 768, 768>}, {transform_indices = @transform_2, window_bounds = array<i64: 1, 1, 768>}, {transform_indices = @transform_3, window_bounds = array<i64: 1, 768, 768>}, {transform_indices = @transform_4, window_bounds = array<i64: 1, 1, 768>}, {transform_indices = @transform_5, window_bounds = array<i64: 512, 1>}, {transform_indices = @transform_6, window_bounds = array<i64: 512, 768>}]} {
    %get3A = arith.constant 24 : index
    %get3A_0 = memref.load %arg1[%get3A] : memref<25xi32, #tpu.memory_space<smem>>
    %mul3A = arith.constant 512 : i32
    %mul3A_1 = arith.muli %arg0, %mul3A : i32
    %lt3A = arith.cmpi slt, %mul3A_1, %get3A_0 : i32
    %convert_element_type3A = arith.extui %lt3A : i1 to i32
    %cond3A = arith.constant 0 : i32
    %cond3A_2 = arith.cmpi ne, %convert_element_type3A, %cond3A : i32
    scf.if %cond3A_2 {
      %get3A_3 = arith.constant 0 : index
      %get3A_4 = arith.constant 0 : index
      %get3A_5 = vector.load %arg2[%get3A_3, %get3A_4] : memref<512x768xf32, #tpu.memory_space<vmem>>, vector<512x768xf32>
      %get3A_6 = arith.constant 0 : index
      %get3A_7 = arith.constant 0 : index
      %get3A_8 = arith.constant 0 : index
      %get3A_9 = vector.load %arg3[%get3A_6, %get3A_7, %get3A_8] : memref<1x768x768xf32, #tpu.memory_space<vmem>>, vector<1x768x768xf32>
      %get3A_10 = vector.shape_cast %get3A_9 : vector<1x768x768xf32> to vector<768x768xf32>
      %dot_general3A = arith.constant dense<0.000000e+00> : vector<512x768xf32>
      %dot_general3A_11 = tpu.matmul %get3A_5, %get3A_10, %dot_general3A {dimension_numbers = #tpu.dot_dimension_numbers<[1], [0], [0], [1], [0, 0, 1, 1], [], []>, transpose_lhs_hint = false} : vector<512x768xf32>, vector<768x768xf32>, vector<512x768xf32> -> vector<512x768xf32>
      %get3A_12 = arith.constant 0 : index
      %get3A_13 = arith.constant 0 : index
      %get3A_14 = arith.constant 0 : index
      %get3A_15 = vector.load %arg4[%get3A_12, %get3A_13, %get3A_14] : memref<1x1x768xf32, #tpu.memory_space<vmem>>, vector<1x1x768xf32>
      %get3A_16 = vector.shape_cast %get3A_15 : vector<1x1x768xf32> to vector<1x768xf32>
      %add3A = vector.broadcast %get3A_16 : vector<1x768xf32> to vector<512x768xf32>
      %add3A_17 = arith.addf %dot_general3A_11, %add3A : vector<512x768xf32>
      %max3A = arith.constant 0.000000e+00 : f32
      %max3A_18 = vector.broadcast %max3A : f32 to vector<512x768xf32>
      %max3A_19 = arith.maximumf %add3A_17, %max3A_18 : vector<512x768xf32>
      %get3A_20 = arith.constant 0 : index
      %get3A_21 = arith.constant 0 : index
      %get3A_22 = arith.constant 0 : index
      %get3A_23 = vector.load %arg5[%get3A_20, %get3A_21, %get3A_22] : memref<1x768x768xf32, #tpu.memory_space<vmem>>, vector<1x768x768xf32>
      %get3A_24 = vector.shape_cast %get3A_23 : vector<1x768x768xf32> to vector<768x768xf32>
      %dot_general3A_25 = arith.constant dense<0.000000e+00> : vector<512x768xf32>
      %dot_general3A_26 = tpu.matmul %max3A_19, %get3A_24, %dot_general3A_25 {dimension_numbers = #tpu.dot_dimension_numbers<[1], [0], [0], [1], [0, 0, 1, 1], [], []>, transpose_lhs_hint = false} : vector<512x768xf32>, vector<768x768xf32>, vector<512x768xf32> -> vector<512x768xf32>
      %get3A_27 = arith.constant 0 : index
      %get3A_28 = arith.constant 0 : index
      %get3A_29 = arith.constant 0 : index
      %get3A_30 = vector.load %arg6[%get3A_27, %get3A_28, %get3A_29] : memref<1x1x768xf32, #tpu.memory_space<vmem>>, vector<1x1x768xf32>
      %get3A_31 = vector.shape_cast %get3A_30 : vector<1x1x768xf32> to vector<1x768xf32>
      %add3A_32 = vector.broadcast %get3A_31 : vector<1x768xf32> to vector<512x768xf32>
      %add3A_33 = arith.addf %dot_general3A_26, %add3A_32 : vector<512x768xf32>
      %get3A_34 = arith.constant 0 : index
      %get3A_35 = arith.constant 0 : index
      %get3A_36 = vector.load %arg7[%get3A_34, %get3A_35] : memref<512x1xf32, #tpu.memory_space<vmem>>, vector<512x1xf32>
      %mul3A_37 = vector.broadcast %get3A_36 : vector<512x1xf32> to vector<512x768xf32>
      %mul3A_38 = arith.mulf %add3A_33, %mul3A_37 : vector<512x768xf32>
      %swap3A = arith.constant 0 : index
      %swap3A_39 = arith.constant 0 : index
      %swap3A_40 = vector.load %arg8[%swap3A, %swap3A_39] : memref<512x768xf32, #tpu.memory_space<vmem>>, vector<512x768xf32>
      tpu.vector_store %arg8[%swap3A, %swap3A_39], %mul3A_38 {strides = array<i32>} : memref<512x768xf32, #tpu.memory_space<vmem>>, vector<512x768xf32>,
    } else {
    }
    return
  }
  func.func @transform_0(%arg0: i32, %arg1: memref<25xi32, #tpu.memory_space<smem>>) -> (i32, i32) {
    %c0_i32 = arith.constant 0 : i32
    %c0_i32_0 = arith.constant 0 : i32
    return %arg0, %c0_i32 : i32, i32
  }
  func.func @transform_1(%arg0: i32, %arg1: memref<25xi32, #tpu.memory_space<smem>>) -> (i32, i32, i32) {
    %get3A = arith.index_cast %arg0 : i32 to index
    %get3A_0 = memref.load %arg1[%get3A] : memref<25xi32, #tpu.memory_space<smem>>
    %c0_i32 = arith.constant 0 : i32
    %c0_i32_1 = arith.constant 0 : i32
    %c0_i32_2 = arith.constant 0 : i32
    return %get3A_0, %c0_i32, %c0_i32_1 : i32, i32, i32
  }
  func.func @transform_2(%arg0: i32, %arg1: memref<25xi32, #tpu.memory_space<smem>>) -> (i32, i32, i32) {
    %get3A = arith.index_cast %arg0 : i32 to index
    %get3A_0 = memref.load %arg1[%get3A] : memref<25xi32, #tpu.memory_space<smem>>
    %c0_i32 = arith.constant 0 : i32
    %c0_i32_1 = arith.constant 0 : i32
    %c0_i32_2 = arith.constant 0 : i32
    return %get3A_0, %c0_i32, %c0_i32_1 : i32, i32, i32
  }
  func.func @transform_3(%arg0: i32, %arg1: memref<25xi32, #tpu.memory_space<smem>>) -> (i32, i32, i32) {
    %get3A = arith.index_cast %arg0 : i32 to index
    %get3A_0 = memref.load %arg1[%get3A] : memref<25xi32, #tpu.memory_space<smem>>
    %c0_i32 = arith.constant 0 : i32
    %c0_i32_1 = arith.constant 0 : i32
    %c0_i32_2 = arith.constant 0 : i32
    return %get3A_0, %c0_i32, %c0_i32_1 : i32, i32, i32
  }
  func.func @transform_4(%arg0: i32, %arg1: memref<25xi32, #tpu.memory_space<smem>>) -> (i32, i32, i32) {
    %get3A = arith.index_cast %arg0 : i32 to index
    %get3A_0 = memref.load %arg1[%get3A] : memref<25xi32, #tpu.memory_space<smem>>
    %c0_i32 = arith.constant 0 : i32
    %c0_i32_1 = arith.constant 0 : i32
    %c0_i32_2 = arith.constant 0 : i32
    return %get3A_0, %c0_i32, %c0_i32_1 : i32, i32, i32
  }
  func.func @transform_5(%arg0: i32, %arg1: memref<25xi32, #tpu.memory_space<smem>>) -> (i32, i32) {
    %c0_i32 = arith.constant 0 : i32
    %c0_i32_0 = arith.constant 0 : i32
    return %arg0, %c0_i32 : i32, i32
  }
  func.func @transform_6(%arg0: i32, %arg1: memref<25xi32, #tpu.memory_space<smem>>) -> (i32, i32) {
    %c0_i32 = arith.constant 0 : i32
    %c0_i32_0 = arith.constant 0 : i32
    return %arg0, %c0_i32 : i32, i32
  }
}

</mosaic_0001>

<sc_bundles>
// kernel: kernel.10.cloned.1.call-start
scs
__scs_entry_jumppad:
0x0: {  	(pc) =	sbr.rel $0x88, $3  }
0x1: {  	(tag) =	ssettag $0x0;
	lr =	simm.s32 $0x1  }
0x2: {  	[smem:$0x3F9B] =	sst lr;
	_ =	strace $0xD0000000  }
0x3: {  	_ = 	snop  }
0x4: {  	_ = 	snop  }
0x5: {  	_ = 	snop  }
0x6: {  	_ = 	snop  }
0x7: {  	_ = 	snop  }
__scs_overlays_trampoline_lowered:
0x8: {  	[smem:$0x3FAA] =	sst s0  }
0x9: {  	[smem:$0x3FAB] =	sst s1  }
0xa: {  	[smem:$0x3FAC] =	sst s2  }
0xb: {  	[smem:$0x3FAD] =	sst s3  }
0xc: {  	[smem:$0x3FAE] =	sst s4  }
0xd: {  	[smem:$0x3FAF] =	sst s5  }
0xe: {  	[smem:$0x3FB0] =	sst s6  }
0xf: {  	[smem:$0x3FB1] =	sst s7  }
0x10: {  	[smem:$0x3FB2] =	sst s8  }
0x11: {  	[smem:$0x3FB3] =	sst s9;
	s0 =	simm.s32 @!p0 $0x0  }
0x12: {  	s1 =	sld [smem:$0x3F99];
	s0 =	simm.s32 @p0 $0x1  }
0x13: {  	[smem:$0x3FB4] =	sst s0;
	s0 =	simm.s32 @!p1 $0x0  }
0x14: {  	s2 =	sld [smem:$0x3F98];
	s0 =	simm.s32 @p1 $0x1  }
0x15: {  	[smem:$0x3FB5] =	sst s0;
	s0 =	simm.s32 @!p2 $0x0  }
0x16: {  	s3 =	sld [smem:$0x3FDB];
	s0 =	simm.s32 @p2 $0x1  }
0x17: {  	s4 =	simm.s32 $0x1BF5;
	[smem:$0x3FB7] =	sst s0  }
0x18: {  	s0 =	sld [smem:$0x3F9A];
	_ =	swait.ge [sflag:s4], $0x0  }
0x19: {  	s7 =	sld [smem:$0x3F9B]  }
0x1a: {  	s8 =	sadd.s32 $0xFFFFE003, lr  }
0x1b: {  	s9 =	sadd.s32 $0xFFFFFEF7, lr;
	s5 =	simm.s32 $0xFFFFFFFF;
	p2 =	slt.u32 s8, $0xFFFFF086  }
0x1c: {  	p1 =	slt.u32 s9, $0xF7A;
	s5 =	simm.s32 @!p2 $0x0  }
0x1d: {  	s5 =	simm.s32 @p1 $0x1;
	p0 =	seq.s32 s7, s2  }
0x1e: {  	s7 =	smul.u32 @!p0 $0xF7A, s2;
	p2 =	seq.s32 @!p0 s5, $0x0  }
0x1f: {  	s9 =	smul.u32 $0xF7A, s1;
	s8 =	simm.s32 @!p0 $0x1BF5;
	p2 =	por !p2, p0  }
0x20: {  	[sflag:s8] =	ssyncset.s32 @!p0 $0xFFFFF086;
	s6 =	sadd.s32 @!p0 s3, s7;
	s7 =	simm.s32 @!p0 $0x108  }
0x21: {  	s3 =	sadd.s32 s3, s9;
	s6 =	sadd.s32 @!p0 $0x88, s6;
	s7 =	simm.s32 @p2 $0x1082  }
0x22: {  	[simem:s7], [sflag:s8] =	dma.local @!p0 [hbm:s6], $0xF7A  }
0x23: {  	s9 =	sor.u32 $0xD0000000, s2;
	s6 =	simm.s32 $0x108;
	_ =	swait.ge @!p0 [sflag:s8], $0x0  }
0x24: {  	s3 =	sadd.s32 $0x88, s3;
	s6 =	simm.s32 @!p1 $0x1082;
	[sflag:s4] =	ssyncset.s32 $0xFFFFF086  }
0x25: {  	[simem:s6], [sflag:s4] =	dma.local [hbm:s3], $0xF7A  }
0x26: {  	[smem:$0x3F9B] =	sst s1;
	(tag) =	ssettag s2;
	_ =	strace s9  }
0x27: {  	s1 =	sld [smem:$0x3FAB]  }
0x28: {  	s2 =	sld [smem:$0x3FAC]  }
0x29: {  	s4 =	sld [smem:$0x3FAE]  }
0x2a: {  	p0 =	seq.s32 s5, $0x0;
	s5 =	sld [smem:$0x3FAF]  }
0x2b: {  	s6 =	sld [smem:$0x3FB0]  }
0x2c: {  	s7 =	sld [smem:$0x3FB1]  }
0x2d: {  	s3 =	simm.s32 $0x108;
	s8 =	sld [smem:$0x3FB2]  }
0x2e: {  	s3 =	simm.s32 @!p0 $0x1082;
	s9 =	sld [smem:$0x3FB3]  }
0x2f: {  	lr =	sadd.s32 s0, s3;
	s0 =	sld [smem:$0x3FAA]  }
0x30: {  	s3 =	sld [smem:$0x3FAD]  }
0x31: {  	[smem:$0x3FB6] =	sst s10  }
0x32: {  	s10 =	sld [smem:$0x3FB4];
	_ =	sdelay $0x3  }
0x33: {  	p0 =	seq.s32 s10, $0x1;
	s10 =	sld [smem:$0x3FB6];
	_ =	sdelay $0x3  }
0x34: {  	[smem:$0x3FB6] =	sst s10  }
0x35: {  	s10 =	sld [smem:$0x3FB5];
	_ =	sdelay $0x3  }
0x36: {  	p1 =	seq.s32 s10, $0x1;
	s10 =	sld [smem:$0x3FB6];
	_ =	sdelay $0x3  }
0x37: {  	[smem:$0x3FB6] =	sst s10  }
0x38: {  	s10 =	sld [smem:$0x3FB7]  }
0x39: {  	_ = 	snop;
	(pc) =	sbr.ind lr, $3  }
0x3a: {  	_ = 	snop  }
0x3b: {  	_ = 	snop  }
0x3c: {  	p2 =	seq.s32 s10, $0x1;
	s10 =	sld [smem:$0x3FB6]  }
0x3d: {  	_ =	shalt  }
0x3e: {  	_ =	shalt  }
0x3f: {  	_ =	shalt  }
0x40: {  	_ =	shalt  }
0x41: {  	_ =	shalt  }
0x42: {  	_ =	shalt  }
0x43: {  	_ =	shalt  }
0x44: {  	_ =	shalt  }
0x45: {  	_ =	shalt  }
0x46: {  	_ =	shalt  }
0x47: {  	_ =	shalt  }
0x48: {  	_ =	shalt  }
0x49: {  	_ =	shalt  }
0x4a: {  	_ =	shalt  }
0x4b: {  	_ =	shalt  }
0x4c: {  	_ =	shalt  }
0x4d: {  	_ =	shalt  }
0x4e: {  	_ =	shalt  }
0x4f: {  	_ =	shalt  }
0x50: {  	_ =	shalt  }
0x51: {  	_ =	shalt  }
0x52: {  	_ =	shalt  }
0x53: {  	_ =	shalt  }
0x54: {  	_ =	shalt  }
0x55: {  	_ =	shalt  }
0x56: {  	_ =	shalt  }
0x57: {  	_ =	shalt  }
0x58: {  	_ =	shalt  }
0x59: {  	_ =	shalt  }
0x5a: {  	_ =	shalt  }
0x5b: {  	_ =	shalt  }
0x5c: {  	_ =	shalt  }
0x5d: {  	_ =	shalt  }
0x5e: {  	_ =	shalt  }
0x5f: {  	_ =	shalt  }
0x60: {  	_ =	shalt  }
0x61: {  	_ =	shalt  }
0x62: {  	_ =	shalt  }
0x63: {  	_ =	shalt  }
0x64: {  	_ =	shalt  }
0x65: {  	_ =	shalt  }
0x66: {  	_ =	shalt  }
0x67: {  	_ =	shalt  }
0x68: {  	_ =	shalt  }
0x69: {  	_ =	shalt  }
0x6a: {  	_ =	shalt  }
0x6b: {  	_ =	shalt  }
0x6c: {  	_ =	shalt  }
0x6d: {  	_ =	shalt  }
0x6e: {  	_ =	shalt  }
0x6f: {  	_ =	shalt  }
0x70: {  	_ =	shalt  }
0x71: {  	_ =	shalt  }
0x72: {  	_ =	shalt  }
0x73: {  	_ =	shalt  }
0x74: {  	_ =	shalt  }
0x75: {  	_ =	shalt  }
0x76: {  	_ =	shalt  }
0x77: {  	_ =	shalt  }
0x78: {  	_ =	shalt  }
0x79: {  	_ =	shalt  }
0x7a: {  	_ =	shalt  }
0x7b: {  	_ =	shalt  }
0x7c: {  	_ =	shalt  }
0x7d: {  	_ =	shalt  }
0x7e: {  	_ =	shalt  }
0x7f: {  	_ =	shalt  }
0x80: {  	_ =	shalt  }
0x81: {  	_ =	shalt  }
0x82: {  	_ =	shalt  }
0x83: {  	_ =	shalt  }
0x84: {  	_ =	shalt  }
0x85: {  	_ =	shalt  }
0x86: {  	_ =	shalt  }
0x87: {  	_ =	shalt  }
.Lfunc_end0:
.L_simem_size_0:
called_computation.1_lowered:
.L_overlay_start_0:
0x88: {  	s2 =	sld [smem:$0x3FD9]  }
0x89: {  	s3 =	sld [smem:$0x3FFE];
	_ =	sdelay $0x1  }
0x8a: {  	s1 =	srdreg.scid  }
0x8b: {  	s0 =	sand.u32 $0x1, s1  }
0x8c: {  	s17 =	sshll.u32 s0, $0xA;
	s2 =	sadd.s32 s3, s2  }
0x8d: {  	s2 =	sadd.s32 s2, s17  }
0x8e: {  	[smem:$0x3FC2] =	sst s2  }
0x8f: {  	_ = 	snop  }
0x90: {  	s2 =	sld [smem:$0x3FC9]  }
0x91: {  	s18 =	sld [smem:$0x3FD0];
	(tm) =	ssettm $0x1  }
0x92: {  	s4 =	sld [smem:$0x3FFB];
	_ =	sdelay $0x3  }
0x93: {  	_ =	strace s4  }
0x94: {  	s4 =	sld [smem:$0x3FFC];
	_ =	sdelay $0x3  }
0x95: {  	_ =	strace s4  }
0x96: {  	s4 =	sld [smem:$0x3FFD];
	_ =	sdelay $0x3  }
0x97: {  	_ =	strace s4  }
0x98: {  	_ =	strace $0x8FFFFFFF  }
0x99: {  	s19 =	sld [smem:$0x3FDB];
	_ =	sdelay $0x1  }
0x9a: {  	s5 =	simm.s32 $_scs_section_size  }
0x9b: {  	s6 =	simm.s32 $_size__tile_overlayer_lowered;
	s7 =	simm.s32 $_tile_overlayer_lowered  }
0x9c: {  	s22 =	simm.s32 $0x1BFF;
	s21 =	sshll.u32 s7, $0x1;
	s4 =	sadd.s32 s5, s19  }
0x9d: {  	s8 =	simm.s32 $0x0;
	s20 =	sshll.u32 s6, $0x1;
	s6 =	sadd.s32 s21, s4  }
0x9e: {  	[timem:s8], [sflag:s22] =	dma.local [hbm:s6], s20  }
0x9f: {  	_ =	swait.ge [sflag:s22], s20  }
0xa0: {  	s5 =	ssub.s32 $0x0, s20;
	[sflag:s22] =	ssyncset.done $0x0  }
0xa1: {  	[sflag:s22] =	ssyncadd.s32 s5;
	_ =	sdelay $0x1  }
0xa2: {  	s23 =	simm.s32 $0x1B8B  }
0xa3: {  	_ =	swait.ge [sflag:s23], $0x1  }
0xa4: {  	[sflag:s23] =	ssyncset.done $0x0  }
0xa5: {  	s25 =	simm.s32 $0x1B8E;
	s24 =	sld [smem:$0x3FFE];
	[sflag:s23] =	ssyncadd.s32 $0xFFFFFFFF  }
0xa6: {  	s26 =	simm.s32 $execute0_lowered;
	[smem:$0x3FD2] =	sst s25  }
0xa7: {  	s6 =	sshll.u32 s26, $0x1;
	_ =	strace $0x80000049;
	[dreg:$0x1] =	wrdreg $0xFFFFFFFF  }
0xa8: {  	s28 =	simm.s32 $_size_execute0_lowered;
	s4 =	sadd.s32 s4, s6;
	[dreg:$0x0] =	wrdreg $0x0  }
0xa9: {  	s6 =	sshll.u32 s28, $0x1;
	[dreg:$0x2] =	wrdreg s4  }
0xaa: {  	[dreg:$0x3] =	wrdreg s6  }
0xab: {  	[dreg:$0x4] =	wrdreg $0xC0  }
0xac: {  	_ =	task [dreg:s8], $0x5FFFF  }
0xad: {  	[dreg:$0x1] =	wrdreg $0xFFFFFFFF  }
0xae: {  	[dreg:$0x0] =	wrdreg $0x60  }
0xaf: {  	[dreg:$0x2] =	wrdreg s2  }
0xb0: {  	[dreg:$0x3] =	wrdreg s18  }
0xb1: {  	[dreg:$0x4] =	wrdreg s24  }
0xb2: {  	[dreg:$0x5] =	wrdreg $0x9  }
0xb3: {  	_ =	task.clear_ibuf [dreg:s8], $0x6FFFF;
	_ =	strace $0x90000049  }
0xb4: {  	s29 =	simm.s32 $0x9;
	_ =	strace $0x8000004B  }
0xb5: {  	_ =	swait.ge [sflag:s29], $0x1  }
0xb6: {  	[sflag:s29] =	ssyncadd.s32 $0xFFFFFFFF  }
0xb7: {  	_ =	strace $0x9000004B  }
0xb8: {  	_ =	sfence  }
0xb9: {  	s30 =	sld [smem:$0x0];
	_ =	sdelay $0x2  }
0xba: {  	s31 =	sshll.u32 s1, $0xD;
	s1 =	sshrl.u32 s1, $0x2  }
0xbb: {  	s3 =	sand.u32 $0x4000, s31;
	s1 =	sadd.s32 s1, s30  }
0xbc: {  	s0 =	sor.u32 s3, s0;
	s1 =	sshll.u32 s1, $0x11  }
0xbd: {  	s0 =	sor.u32 s1, s0  }
0xbe: {  	s0 =	sadd.s32 $0x8F2B, s0  }
0xbf: {  	[sflag:s0] =	ssyncadd.remote.s32 $0x1  }
0xc0: {  	_ =	sfence.sel $0xFFFF  }
0xc1: {  	[dreg:$0x0] =	wrdreg $0xFFFFFFFF;
	(pc) =	sbr.abs _section_cstart, $3  }
0xc2: {  	[dreg:$0x1] =	wrdreg $0xFFFFFFFF  }
0xc3: {  	_ =	task.clear_ibuf [dreg:s8], $0x2FFFF;
	_ =	strace $0x9FFFFFFF  }
0xc4: {  	(tm) =	ssettm $0x7FFFFFFF  }
0xc5: {  	_ =	shalt  }
tec
execute0_lowered:
.L_overlay_start_1:
0x0: {  	(tag) =	ssettag $0x1  }
0x1: {  	s2 =	rddreg [dreg:$0x0]  }
0x2: {  	s0 =	srdreg.scid;
	s4 =	rddreg [dreg:$0x1]  }
0x3: {  	s1 =	stileid.u32;
	s5 =	rddreg [dreg:$0x2];
	s22 =	simm.s32 $0x880  }
0x4: {  	s23 =	simm.s32 $0x1080;
	s24 =	simm.s32 $0x1880;
	s26 =	simm.s32 $0x2080  }
0x5: {  	s9 =	simm.s32 $0x80;
	s10 =	simm.s32 $0x2880;
	s11 =	simm.s32 $0x3080  }
0x6: {  	s12 =	simm.s32 $0x3880;
	s13 =	simm.s32 $0x4080;
	s14 =	simm.s32 $0x4880  }
0x7: {  	s15 =	simm.s32 $0x5080;
	s16 =	simm.s32 $0x5880;
	s17 =	simm.s32 $0x6080  }
0x8: {  	s18 =	simm.s32 $0x6880;
	s0 =	sand.u32 $0x1, s0;
	s1 =	smul.u32 $0x300, s1  }
0x9: {  	s19 =	simm.s32 $0x7080;
	s20 =	simm.s32 $0x7880;
	s3 =	smul.u32 $0x180, s0  }
0xa: {  	s21 =	simm.s32 $0x8080;
	s28 =	simm.s32 $0xB080;
	s0 =	ssub.s32 $0x2, s0  }
0xb: {  	s7 =	sshrl.u32 s0, $0x1;
	s1 =	sadd.s32 s3, s1;
	s3 =	simm.s32 $0x0  }
0xc: {  	s29 =	simm.s32 $0xB880;
	s0 =	ssub.s32 s0, s7;
	[smem:$0x7FF] =	sst s3  }
0xd: {  	s0 =	smax.u32 s0, $0x1;
	_ =	strace $0x8000004A;
	[dreg:$0x5] =	wrdreg s22  }
0xe: {  	s30 =	simm.s32 $0x1;
	s1 =	sshrl.u32 s1, $0x3;
	[dreg:$0x9] =	wrdreg s0  }
0xf: {  	s31 =	simm.s32 $0x0;
	s6 =	smul.u32 $0x300, s1;
	[dreg:$0x6] =	wrdreg s23  }
0x10: {  	s1 =	sadd.s32 s1, s4;
	s4 =	sadd.s32 $0x100, s2;
	[dreg:$0x7] =	wrdreg s24  }
0x11: {  	[dreg:$0x8] =	wrdreg s26;
	s22 =	simm.s32 $0x8880;
	s23 =	simm.s32 $0x9080  }
0x12: {  	v2 =	vlaneseq.u32;
	s24 =	simm.s32 $0x9880;
	s26 =	simm.s32 $0xA880;
	s8 =	sadd.s32 s6, s5  }
0x13: {  	vm0 =	vmmov $0xffff;
	v1 =	vshrl.u32 v2, $0x3;
	[dreg:$0x4] =	wrdreg s1;
	s5 =	sadd.s32 $0x200, s2;
	s25 =	sadd.s32 $0x2000, s8  }
0x14: {  	v0 =	vand.u32 $0x7, v2;
	v2 =	vor.u32 $0x8, v2;
	v1 =	vmul.u32 $0x8, v1;
	s8 =	simm.s32 $0x2;
	[dreg:$0xa] =	wrdreg s25;
	s25 =	simm.s32 $0xA080  }
.LBB2_1:
0x15: {  	s1 =	simm.s32 $0x0;
	s7 =	rddreg [dreg:$0xa]  }
.LBB2_2:
0x16: {  	s6 =	rddreg [dreg:$0x4]  }
0x17: {  	s6 =	sadd.s32 s1, s6  }
0x18: {  	[tilespmem:s3], [sflag:$0x2] =	stream.linear.gather [hbm4b:s6+s3], $0x40, $0x38;
	[tilespmem:$0xC080] =	vst v63  }
0x19: {  	_ =	swait.ge [sflag:s8], $0x40  }
0x1a: {  	[sflag:s8] =	ssyncset.done $0x0  }
0x1b: {  	[sflag:s8] =	ssyncadd.s32 $0xFFFFFFC0  }
0x1c: {  	v3 =	vld [tilespmem:$0x0];
	_ =	sdelay $0x4  }
0x1d: {  	v4 =	vshrl.u32 v3, $0x3  }
0x1e: {  	v4 =	vmul.u32 $0x30, v4  }
0x1f: {  	v3 =	vand.u32 $0x7, v3  }
0x20: {  	v3 =	vor.u32 v3, v4  }
0x21: {  	v4 =	vperm.xlane v3, v0;
	_ =	sdelay $0x1  }
0x22: {  	v4 =	vadd.s32 v1, v4;
	_ =	sdelay $0x3  }
0x23: {  	v3 =	vperm.xlane v3, v2  }
0x24: {  	[tilespmem:s9], [sflag:$0x1] =	stream.indirect_vreg.gather [hbm4b:s2+s3], $0x80, v4, vm0, $0xb8;
	[tilespmem:$0xC080] =	vst v63  }
0x25: {  	s6 =	rddreg [dreg:$0x5];
	v3 =	vadd.s32 v1, v3  }
0x26: {  	[tilespmem:s6], [sflag:$0x1] =	stream.indirect_vreg.gather [hbm4b:s4+s3], $0x80, v4, vm0, $0xb8;
	[tilespmem:$0xC080] =	vst v63  }
0x27: {  	s0 =	rddreg [dreg:$0x6]  }
0x28: {  	[tilespmem:s0], [sflag:$0x1] =	stream.indirect_vreg.gather [hbm4b:s5+s3], $0x80, v4, vm0, $0xb8;
	[tilespmem:$0xC080] =	vst v63  }
0x29: {  	s6 =	rddreg [dreg:$0x7]  }
0x2a: {  	[tilespmem:s6], [sflag:$0x1] =	stream.indirect_vreg.gather [hbm4b:s2+s3], $0x80, v3, vm0, $0xb8;
	[tilespmem:$0xC080] =	vst v63  }
0x2b: {  	s0 =	rddreg [dreg:$0x8]  }
0x2c: {  	[tilespmem:s0], [sflag:$0x1] =	stream.indirect_vreg.gather [hbm4b:s4+s3], $0x80, v3, vm0, $0xb8;
	[tilespmem:$0xC080] =	vst v63  }
0x2d: {  	_ = 	snop  }
0x2e: {  	[tilespmem:s10], [sflag:$0x1] =	stream.indirect_vreg.gather [hbm4b:s5+s3], $0x80, v3, vm0, $0xb8;
	[tilespmem:$0xC080] =	vst v63  }
0x2f: {  	v3 =	vld [tilespmem:$0x10];
	_ =	sdelay $0x4  }
0x30: {  	v61 =	vshrl.u32 v3, $0x3  }
0x31: {  	v4 =	vmul.u32 $0x30, v61  }
0x32: {  	v3 =	vand.u32 $0x7, v3  }
0x33: {  	v3 =	vor.u32 v3, v4  }
0x34: {  	v4 =	vperm.xlane v3, v0;
	_ =	sdelay $0x1  }
0x35: {  	v4 =	vadd.s32 v1, v4;
	_ =	sdelay $0x3  }
0x36: {  	v3 =	vperm.xlane v3, v2  }
0x37: {  	[tilespmem:s11], [sflag:$0x1] =	stream.indirect_vreg.gather [hbm4b:s2+s3], $0x80, v4, vm0, $0xb8;
	[tilespmem:$0xC080] =	vst v63  }
0x38: {  	v3 =	vadd.s32 v1, v3  }
0x39: {  	[tilespmem:s12], [sflag:$0x1] =	stream.indirect_vreg.gather [hbm4b:s4+s3], $0x80, v4, vm0, $0xb8;
	[tilespmem:$0xC080] =	vst v63  }
0x3a: {  	_ = 	snop  }
0x3b: {  	[tilespmem:s13], [sflag:$0x1] =	stream.indirect_vreg.gather [hbm4b:s5+s3], $0x80, v4, vm0, $0xb8;
	[tilespmem:$0xC080] =	vst v63  }
0x3c: {  	_ = 	snop  }
0x3d: {  	[tilespmem:s14], [sflag:$0x1] =	stream.indirect_vreg.gather [hbm4b:s2+s3], $0x80, v3, vm0, $0xb8;
	[tilespmem:$0xC080] =	vst v63  }
0x3e: {  	_ = 	snop  }
0x3f: {  	[tilespmem:s15], [sflag:$0x1] =	stream.indirect_vreg.gather [hbm4b:s4+s3], $0x80, v3, vm0, $0xb8;
	[tilespmem:$0xC080] =	vst v63  }
0x40: {  	_ = 	snop  }
0x41: {  	[tilespmem:s16], [sflag:$0x1] =	stream.indirect_vreg.gather [hbm4b:s5+s3], $0x80, v3, vm0, $0xb8;
	[tilespmem:$0xC080] =	vst v63  }
0x42: {  	v3 =	vld [tilespmem:$0x20];
	_ =	sdelay $0x4  }
0x43: {  	v62 =	vshrl.u32 v3, $0x3  }
0x44: {  	v4 =	vmul.u32 $0x30, v62  }
0x45: {  	v3 =	vand.u32 $0x7, v3  }
0x46: {  	v3 =	vor.u32 v3, v4  }
0x47: {  	v4 =	vperm.xlane v3, v0;
	_ =	sdelay $0x1  }
0x48: {  	v4 =	vadd.s32 v1, v4;
	_ =	sdelay $0x3  }
0x49: {  	v3 =	vperm.xlane v3, v2  }
0x4a: {  	[tilespmem:s17], [sflag:$0x1] =	stream.indirect_vreg.gather [hbm4b:s2+s3], $0x80, v4, vm0, $0xb8;
	[tilespmem:$0xC080] =	vst v63  }
0x4b: {  	v3 =	vadd.s32 v1, v3  }
0x4c: {  	[tilespmem:s18], [sflag:$0x1] =	stream.indirect_vreg.gather [hbm4b:s4+s3], $0x80, v4, vm0, $0xb8;
	[tilespmem:$0xC080] =	vst v63  }
0x4d: {  	_ = 	snop  }
0x4e: {  	[tilespmem:s19], [sflag:$0x1] =	stream.indirect_vreg.gather [hbm4b:s5+s3], $0x80, v4, vm0, $0xb8;
	[tilespmem:$0xC080] =	vst v63  }
0x4f: {  	_ = 	snop  }
0x50: {  	[tilespmem:s20], [sflag:$0x1] =	stream.indirect_vreg.gather [hbm4b:s2+s3], $0x80, v3, vm0, $0xb8;
	[tilespmem:$0xC080] =	vst v63  }
0x51: {  	_ = 	snop  }
0x52: {  	[tilespmem:s21], [sflag:$0x1] =	stream.indirect_vreg.gather [hbm4b:s4+s3], $0x80, v3, vm0, $0xb8;
	[tilespmem:$0xC080] =	vst v63  }
0x53: {  	_ = 	snop  }
0x54: {  	[tilespmem:s22], [sflag:$0x1] =	stream.indirect_vreg.gather [hbm4b:s5+s3], $0x80, v3, vm0, $0xb8;
	[tilespmem:$0xC080] =	vst v63  }
0x55: {  	v3 =	vld [tilespmem:$0x30];
	_ =	sdelay $0x4  }
0x56: {  	v63 =	vshrl.u32 v3, $0x3  }
0x57: {  	v4 =	vmul.u32 $0x30, v63  }
0x58: {  	v3 =	vand.u32 $0x7, v3  }
0x59: {  	v3 =	vor.u32 v3, v4  }
0x5a: {  	v4 =	vperm.xlane v3, v0;
	_ =	sdelay $0x1  }
0x5b: {  	v4 =	vadd.s32 v1, v4;
	_ =	sdelay $0x3  }
0x5c: {  	v3 =	vperm.xlane v3, v2  }
0x5d: {  	[tilespmem:s23], [sflag:$0x1] =	stream.indirect_vreg.gather [hbm4b:s2+s3], $0x80, v4, vm0, $0xb8;
	[tilespmem:$0xC080] =	vst v63  }
0x5e: {  	v3 =	vadd.s32 v1, v3  }
0x5f: {  	[tilespmem:s24], [sflag:$0x1] =	stream.indirect_vreg.gather [hbm4b:s4+s3], $0x80, v4, vm0, $0xb8;
	[tilespmem:$0xC080] =	vst v63  }
0x60: {  	_ = 	snop  }
0x61: {  	[tilespmem:s25], [sflag:$0x1] =	stream.indirect_vreg.gather [hbm4b:s5+s3], $0x80, v4, vm0, $0xb8;
	[tilespmem:$0xC080] =	vst v63  }
0x62: {  	_ = 	snop  }
0x63: {  	[tilespmem:s26], [sflag:$0x1] =	stream.indirect_vreg.gather [hbm4b:s2+s3], $0x80, v3, vm0, $0xb8;
	[tilespmem:$0xC080] =	vst v63  }
0x64: {  	_ = 	snop  }
0x65: {  	[tilespmem:s28], [sflag:$0x1] =	stream.indirect_vreg.gather [hbm4b:s4+s3], $0x80, v3, vm0, $0xb8;
	[tilespmem:$0xC080] =	vst v63  }
0x66: {  	_ = 	snop  }
0x67: {  	[tilespmem:s29], [sflag:$0x1] =	stream.indirect_vreg.gather [hbm4b:s5+s3], $0x80, v3, vm0, $0xb8;
	[tilespmem:$0xC080] =	vst v63  }
0x68: {  	_ =	swait.ge [sflag:s30], $0xC000  }
0x69: {  	p0 =	sne.s32 s1, $0x28;
	[sflag:s30] =	ssyncset.done $0x0  }
.Ltmp0:
0x6a: {  	[sflag:s30] =	ssyncadd.s32 $0xFFFF4000;
	(pc) =	sbr.rel @p0 .LBB2_2-.Ltmp0, $4  }
0x6b: {  	[hbm4b:s7+s3] =	stream.linear.scatter [tilespmem:s9], [sflag:$0x2], $0xC000, $0x38;
	[tilespmem:$0xC080] =	vst v63  }
0x6c: {  	_ =	swait.ge [sflag:s8], $0xC000  }
0x6d: {  	[sflag:s8] =	ssyncset.done $0x0  }
0x6e: {  	s1 =	sadd.s32 $0x8, s1;
	s7 =	sadd.s32 $0x1800, s7;
	[sflag:s8] =	ssyncadd.s32 $0xFFFF4000  }
0x6f: {  	s31 =	sadd.s32 $0x1, s31;
	s0 =	rddreg [dreg:$0x9]  }
0x70: {  	p0 =	sne.s32 s31, s0  }
.Ltmp1:
0x71: {  	_ = 	snop;
	(pc) =	sbr.rel @p0 .LBB2_1-.Ltmp1, $1  }
0x72: {  	_ =	sdelay $0x3  }
0x73: {  	_ =	sfence.sel $0x180000  }
0x74: {  	[bflag:$0x0] =	sbarrier.arrive $0xFFFF  }
0x75: {  	_ =	strace $0x9000004A  }
0x76: {  	s0 =	stileid.u32;
	[bflag:$0x2] =	sbarrier.arrive $0xFFFF  }
0x77: {  	p0 =	sne.s32 s0, $0x0;
	s0 =	rddreg [dreg:$0x3]  }
0x78: {  	s0 =	sadd.s32 @!p0 $0x100000, s0  }
0x79: {  	[sflag:s0] =	ssyncadd.tile.s32 @!p0 $0x1;
	_ =	shalt  }
.Lfunc_end2:
_tile_overlayer_lowered:
.L_overlay_start_2:
0x7a: {  	(tag) =	ssettag $0x2  }
0x7b: {  	s0 =	rddreg [dreg:$0x0];
	s2 =	stileid.u32  }
0x7c: {  	s1 =	rddreg [dreg:$0x1];
	p0 =	sne.s32 s2, $0x0  }
0x7d: {  	s3 =	rddreg [dreg:$0x2];
	[bflag:$0x3] =	sbarrier.arrive $0xFFFF;
	s2 =	simm.s32 @!p0 $0x1C02  }
0x7e: {  	[timem:s3], [sflag:s2] =	dma.local @!p0 [hbm:s0], s1  }
0x7f: {  	s0 =	simm.s32 @!p0 $0x2  }
0x80: {  	_ =	swait.ge @!p0 [sflag:s0], s1  }
0x81: {  	s1 =	ssub.s32 @!p0 $0x0, s1;
	[sflag:s0] =	ssyncset.done @!p0 $0x0  }
0x82: {  	[sflag:s0] =	ssyncadd.s32 @!p0 s1  }
0x83: {  	[bflag:$0x3] =	sbarrier.arrive $0xFFFF  }
0x84: {  	_ =	shalt  }

// kernel: kernel.13.cloned.1.call-start
scs
__scs_entry_jumppad:
0x0: {  	(pc) =	sbr.rel $0x88, $3  }
0x1: {  	(tag) =	ssettag $0x0;
	lr =	simm.s32 $0x1  }
0x2: {  	[smem:$0x3F9B] =	sst lr;
	_ =	strace $0xD0000000  }
0x3: {  	_ = 	snop  }
0x4: {  	_ = 	snop  }
0x5: {  	_ = 	snop  }
0x6: {  	_ = 	snop  }
0x7: {  	_ = 	snop  }
__scs_overlays_trampoline_lowered:
0x8: {  	[smem:$0x3FAA] =	sst s0  }
0x9: {  	[smem:$0x3FAB] =	sst s1  }
0xa: {  	[smem:$0x3FAC] =	sst s2  }
0xb: {  	[smem:$0x3FAD] =	sst s3  }
0xc: {  	[smem:$0x3FAE] =	sst s4  }
0xd: {  	[smem:$0x3FAF] =	sst s5  }
0xe: {  	[smem:$0x3FB0] =	sst s6  }
0xf: {  	[smem:$0x3FB1] =	sst s7  }
0x10: {  	[smem:$0x3FB2] =	sst s8  }
0x11: {  	[smem:$0x3FB3] =	sst s9;
	s0 =	simm.s32 @!p0 $0x0  }
0x12: {  	s1 =	sld [smem:$0x3F99];
	s0 =	simm.s32 @p0 $0x1  }
0x13: {  	[smem:$0x3FB4] =	sst s0;
	s0 =	simm.s32 @!p1 $0x0  }
0x14: {  	s2 =	sld [smem:$0x3F98];
	s0 =	simm.s32 @p1 $0x1  }
0x15: {  	[smem:$0x3FB5] =	sst s0;
	s0 =	simm.s32 @!p2 $0x0  }
0x16: {  	s3 =	sld [smem:$0x3FDB];
	s0 =	simm.s32 @p2 $0x1  }
0x17: {  	s4 =	simm.s32 $0x1BF5;
	[smem:$0x3FB7] =	sst s0  }
0x18: {  	s0 =	sld [smem:$0x3F9A];
	_ =	swait.ge [sflag:s4], $0x0  }
0x19: {  	s7 =	sld [smem:$0x3F9B]  }
0x1a: {  	s8 =	sadd.s32 $0xFFFFE003, lr  }
0x1b: {  	s9 =	sadd.s32 $0xFFFFFEF7, lr;
	s5 =	simm.s32 $0xFFFFFFFF;
	p2 =	slt.u32 s8, $0xFFFFF086  }
0x1c: {  	p1 =	slt.u32 s9, $0xF7A;
	s5 =	simm.s32 @!p2 $0x0  }
0x1d: {  	s5 =	simm.s32 @p1 $0x1;
	p0 =	seq.s32 s7, s2  }
0x1e: {  	s7 =	smul.u32 @!p0 $0xF7A, s2;
	p2 =	seq.s32 @!p0 s5, $0x0  }
0x1f: {  	s9 =	smul.u32 $0xF7A, s1;
	s8 =	simm.s32 @!p0 $0x1BF5;
	p2 =	por !p2, p0  }
0x20: {  	[sflag:s8] =	ssyncset.s32 @!p0 $0xFFFFF086;
	s6 =	sadd.s32 @!p0 s3, s7;
	s7 =	simm.s32 @!p0 $0x108  }
0x21: {  	s3 =	sadd.s32 s3, s9;
	s6 =	sadd.s32 @!p0 $0x88, s6;
	s7 =	simm.s32 @p2 $0x1082  }
0x22: {  	[simem:s7], [sflag:s8] =	dma.local @!p0 [hbm:s6], $0xF7A  }
0x23: {  	s9 =	sor.u32 $0xD0000000, s2;
	s6 =	simm.s32 $0x108;
	_ =	swait.ge @!p0 [sflag:s8], $0x0  }
0x24: {  	s3 =	sadd.s32 $0x88, s3;
	s6 =	simm.s32 @!p1 $0x1082;
	[sflag:s4] =	ssyncset.s32 $0xFFFFF086  }
0x25: {  	[simem:s6], [sflag:s4] =	dma.local [hbm:s3], $0xF7A  }
0x26: {  	[smem:$0x3F9B] =	sst s1;
	(tag) =	ssettag s2;
	_ =	strace s9  }
0x27: {  	s1 =	sld [smem:$0x3FAB]  }
0x28: {  	s2 =	sld [smem:$0x3FAC]  }
0x29: {  	s4 =	sld [smem:$0x3FAE]  }
0x2a: {  	p0 =	seq.s32 s5, $0x0;
	s5 =	sld [smem:$0x3FAF]  }
0x2b: {  	s6 =	sld [smem:$0x3FB0]  }
0x2c: {  	s7 =	sld [smem:$0x3FB1]  }
0x2d: {  	s3 =	simm.s32 $0x108;
	s8 =	sld [smem:$0x3FB2]  }
0x2e: {  	s3 =	simm.s32 @!p0 $0x1082;
	s9 =	sld [smem:$0x3FB3]  }
0x2f: {  	lr =	sadd.s32 s0, s3;
	s0 =	sld [smem:$0x3FAA]  }
0x30: {  	s3 =	sld [smem:$0x3FAD]  }
0x31: {  	[smem:$0x3FB6] =	sst s10  }
0x32: {  	s10 =	sld [smem:$0x3FB4];
	_ =	sdelay $0x3  }
0x33: {  	p0 =	seq.s32 s10, $0x1;
	s10 =	sld [smem:$0x3FB6];
	_ =	sdelay $0x3  }
0x34: {  	[smem:$0x3FB6] =	sst s10  }
0x35: {  	s10 =	sld [smem:$0x3FB5];
	_ =	sdelay $0x3  }
0x36: {  	p1 =	seq.s32 s10, $0x1;
	s10 =	sld [smem:$0x3FB6];
	_ =	sdelay $0x3  }
0x37: {  	[smem:$0x3FB6] =	sst s10  }
0x38: {  	s10 =	sld [smem:$0x3FB7]  }
0x39: {  	_ = 	snop;
	(pc) =	sbr.ind lr, $3  }
0x3a: {  	_ = 	snop  }
0x3b: {  	_ = 	snop  }
0x3c: {  	p2 =	seq.s32 s10, $0x1;
	s10 =	sld [smem:$0x3FB6]  }
0x3d: {  	_ =	shalt  }
0x3e: {  	_ =	shalt  }
0x3f: {  	_ =	shalt  }
0x40: {  	_ =	shalt  }
0x41: {  	_ =	shalt  }
0x42: {  	_ =	shalt  }
0x43: {  	_ =	shalt  }
0x44: {  	_ =	shalt  }
0x45: {  	_ =	shalt  }
0x46: {  	_ =	shalt  }
0x47: {  	_ =	shalt  }
0x48: {  	_ =	shalt  }
0x49: {  	_ =	shalt  }
0x4a: {  	_ =	shalt  }
0x4b: {  	_ =	shalt  }
0x4c: {  	_ =	shalt  }
0x4d: {  	_ =	shalt  }
0x4e: {  	_ =	shalt  }
0x4f: {  	_ =	shalt  }
0x50: {  	_ =	shalt  }
0x51: {  	_ =	shalt  }
0x52: {  	_ =	shalt  }
0x53: {  	_ =	shalt  }
0x54: {  	_ =	shalt  }
0x55: {  	_ =	shalt  }
0x56: {  	_ =	shalt  }
0x57: {  	_ =	shalt  }
0x58: {  	_ =	shalt  }
0x59: {  	_ =	shalt  }
0x5a: {  	_ =	shalt  }
0x5b: {  	_ =	shalt  }
0x5c: {  	_ =	shalt  }
0x5d: {  	_ =	shalt  }
0x5e: {  	_ =	shalt  }
0x5f: {  	_ =	shalt  }
0x60: {  	_ =	shalt  }
0x61: {  	_ =	shalt  }
0x62: {  	_ =	shalt  }
0x63: {  	_ =	shalt  }
0x64: {  	_ =	shalt  }
0x65: {  	_ =	shalt  }
0x66: {  	_ =	shalt  }
0x67: {  	_ =	shalt  }
0x68: {  	_ =	shalt  }
0x69: {  	_ =	shalt  }
0x6a: {  	_ =	shalt  }
0x6b: {  	_ =	shalt  }
0x6c: {  	_ =	shalt  }
0x6d: {  	_ =	shalt  }
0x6e: {  	_ =	shalt  }
0x6f: {  	_ =	shalt  }
0x70: {  	_ =	shalt  }
0x71: {  	_ =	shalt  }
0x72: {  	_ =	shalt  }
0x73: {  	_ =	shalt  }
0x74: {  	_ =	shalt  }
0x75: {  	_ =	shalt  }
0x76: {  	_ =	shalt  }
0x77: {  	_ =	shalt  }
0x78: {  	_ =	shalt  }
0x79: {  	_ =	shalt  }
0x7a: {  	_ =	shalt  }
0x7b: {  	_ =	shalt  }
0x7c: {  	_ =	shalt  }
0x7d: {  	_ =	shalt  }
0x7e: {  	_ =	shalt  }
0x7f: {  	_ =	shalt  }
0x80: {  	_ =	shalt  }
0x81: {  	_ =	shalt  }
0x82: {  	_ =	shalt  }
0x83: {  	_ =	shalt  }
0x84: {  	_ =	shalt  }
0x85: {  	_ =	shalt  }
0x86: {  	_ =	shalt  }
0x87: {  	_ =	shalt  }
.Lfunc_end0:
.L_simem_size_0:
called_computation.2_lowered:
.L_overlay_start_0:
0x88: {  	s2 =	sld [smem:$0x3FD9]  }
0x89: {  	s3 =	sld [smem:$0x3FFE];
	_ =	sdelay $0x1  }
0x8a: {  	s1 =	srdreg.scid  }
0x8b: {  	s0 =	sand.u32 $0x1, s1  }
0x8c: {  	s17 =	sshll.u32 s0, $0xA;
	s2 =	sadd.s32 s3, s2  }
0x8d: {  	s2 =	sadd.s32 s2, s17  }
0x8e: {  	[smem:$0x3FC2] =	sst s2  }
0x8f: {  	_ = 	snop  }
0x90: {  	s2 =	sld [smem:$0x3FD0];
	(tm) =	ssettm $0x1  }
0x91: {  	s18 =	sld [smem:$0x3FFB];
	_ =	sdelay $0x3  }
0x92: {  	_ =	strace s18  }
0x93: {  	s3 =	sld [smem:$0x3FFC];
	_ =	sdelay $0x3  }
0x94: {  	_ =	strace s3  }
0x95: {  	s3 =	sld [smem:$0x3FFD];
	_ =	sdelay $0x3  }
0x96: {  	_ =	strace s3  }
0x97: {  	_ =	strace $0x8FFFFFFF  }
0x98: {  	s19 =	sld [smem:$0x3FDB];
	_ =	sdelay $0x1  }
0x99: {  	s4 =	simm.s32 $_scs_section_size  }
0x9a: {  	s5 =	simm.s32 $_size__tile_overlayer_lowered;
	s6 =	simm.s32 $_tile_overlayer_lowered  }
0x9b: {  	s22 =	simm.s32 $0x1BFF;
	s21 =	sshll.u32 s6, $0x1;
	s3 =	sadd.s32 s4, s19  }
0x9c: {  	s7 =	simm.s32 $0x0;
	s20 =	sshll.u32 s5, $0x1;
	s5 =	sadd.s32 s21, s3  }
0x9d: {  	[timem:s7], [sflag:s22] =	dma.local [hbm:s5], s20  }
0x9e: {  	_ =	swait.ge [sflag:s22], s20  }
0x9f: {  	s4 =	ssub.s32 $0x0, s20;
	[sflag:s22] =	ssyncset.done $0x0  }
0xa0: {  	[sflag:s22] =	ssyncadd.s32 s4;
	_ =	sdelay $0x1  }
0xa1: {  	s23 =	simm.s32 $0x1B8B  }
0xa2: {  	_ =	swait.ge [sflag:s23], $0x1  }
0xa3: {  	[sflag:s23] =	ssyncset.done $0x0  }
0xa4: {  	s25 =	simm.s32 $0x1B8E;
	s24 =	sld [smem:$0x3FFE];
	[sflag:s23] =	ssyncadd.s32 $0xFFFFFFFF  }
0xa5: {  	s26 =	simm.s32 $execute0_lowered;
	[smem:$0x3FD2] =	sst s25  }
0xa6: {  	s5 =	sshll.u32 s26, $0x1;
	_ =	strace $0x8000004C;
	[dreg:$0x1] =	wrdreg $0xFFFFFFFF  }
0xa7: {  	s28 =	simm.s32 $_size_execute0_lowered;
	s3 =	sadd.s32 s3, s5;
	[dreg:$0x0] =	wrdreg $0x0  }
0xa8: {  	s5 =	sshll.u32 s28, $0x1;
	[dreg:$0x2] =	wrdreg s3  }
0xa9: {  	[dreg:$0x3] =	wrdreg s5  }
0xaa: {  	[dreg:$0x4] =	wrdreg $0xC0  }
0xab: {  	_ =	task [dreg:s7], $0x5FFFF  }
0xac: {  	[dreg:$0x1] =	wrdreg $0xFFFFFFFF  }
0xad: {  	[dreg:$0x0] =	wrdreg $0x60  }
0xae: {  	[dreg:$0x2] =	wrdreg s24  }
0xaf: {  	[dreg:$0x3] =	wrdreg s2  }
0xb0: {  	[dreg:$0x4] =	wrdreg $0x9  }
0xb1: {  	_ =	task.clear_ibuf [dreg:s7], $0x5FFFF;
	_ =	strace $0x9000004C  }
0xb2: {  	s29 =	simm.s32 $0x9;
	_ =	strace $0x8000004E  }
0xb3: {  	_ =	swait.ge [sflag:s29], $0x1  }
0xb4: {  	[sflag:s29] =	ssyncadd.s32 $0xFFFFFFFF  }
0xb5: {  	_ =	strace $0x9000004E  }
0xb6: {  	_ =	sfence  }
0xb7: {  	s30 =	sld [smem:$0x0];
	_ =	sdelay $0x2  }
0xb8: {  	s31 =	sshll.u32 s1, $0xD;
	s1 =	sshrl.u32 s1, $0x2  }
0xb9: {  	s3 =	sand.u32 $0x4000, s31;
	s1 =	sadd.s32 s1, s30  }
0xba: {  	s0 =	sor.u32 s3, s0;
	s1 =	sshll.u32 s1, $0x11  }
0xbb: {  	s0 =	sor.u32 s1, s0  }
0xbc: {  	s0 =	sadd.s32 $0x8F2B, s0  }
0xbd: {  	[sflag:s0] =	ssyncadd.remote.s32 $0x1  }
0xbe: {  	_ =	sfence.sel $0xFFFF  }
0xbf: {  	[dreg:$0x0] =	wrdreg $0xFFFFFFFF;
	(pc) =	sbr.abs _section_cstart, $3  }
0xc0: {  	[dreg:$0x1] =	wrdreg $0xFFFFFFFF  }
0xc1: {  	_ =	task.clear_ibuf [dreg:s7], $0x2FFFF;
	_ =	strace $0x9FFFFFFF  }
0xc2: {  	(tm) =	ssettm $0x7FFFFFFF  }
0xc3: {  	_ =	shalt  }
tec
execute0_lowered:
.L_overlay_start_1:
0x0: {  	(tag) =	ssettag $0x1  }
0x1: {  	s0 =	rddreg [dreg:$0x0];
	s1 =	simm.s32 $0x0;
	s24 =	srdreg.scid  }
0x2: {  	s7 =	stileid.u32;
	s11 =	simm.s32 $0x3;
	s13 =	simm.s32 $0x100  }
0x3: {  	s23 =	simm.s32 $0x5100;
	s28 =	simm.s32 $0x7100;
	s29 =	simm.s32 $0x7900  }
0x4: {  	s30 =	simm.s32 $0x8100;
	s31 =	simm.s32 $0x8900;
	s10 =	simm.s32 $0xA100  }
0x5: {  	s12 =	simm.s32 $0xB900;
	s14 =	simm.s32 $0x1;
	s15 =	simm.s32 $0x2  }
0x6: {  	s17 =	simm.s32 $0x0;
	[smem:$0x7FF] =	sst s1;
	s1 =	sand.u32 $0x1, s24  }
0x7: {  	s4 =	sadd.s32 $0x122000, s0;
	s5 =	sadd.s32 $0x1400, s0;
	s6 =	sadd.s32 $0x1200, s0  }
0x8: {  	s25 =	sshll.u32 s7, $0x5;
	s8 =	sadd.s32 $0x122100, s0;
	s9 =	sadd.s32 $0x122200, s0  }
0x9: {  	s24 =	simm.s32 $0x5900;
	s0 =	simm.s32 $0x9100;
	s2 =	ssub.s32 $0x2, s1  }
0xa: {  	_ =	strace $0x8000004D;
	s1 =	sshll.u32 s1, $0x4;
	s3 =	sshrl.u32 s2, $0x1  }
0xb: {  	v2 =	vlaneseq.u32;
	s7 =	sor.u32 s1, s25;
	s25 =	simm.s32 $0x6100;
	s2 =	ssub.s32 s2, s3  }
0xc: {  	vm0 =	vmmov $0xffff;
	v1 =	vshrl.u32 v2, $0x3;
	s1 =	simm.s32 $0xA900;
	s3 =	simm.s32 $0x9900;
	s26 =	smax.u32 s2, $0x1  }
0xd: {  	v0 =	vand.u32 $0x7, v2;
	v2 =	vor.u32 $0x8, v2;
	v1 =	vmul.u32 $0x8, v1;
	s2 =	simm.s32 $0xB100;
	[dreg:$0x3] =	wrdreg s26;
	s26 =	simm.s32 $0x6900  }
.LBB2_1:
0xe: {  	[dreg:$0x4] =	wrdreg s17;
	s16 =	simm.s32 $0x0  }
.LBB2_2:
0xf: {  	s17 =	sshll.u32 s16, $0x2  }
0x10: {  	s17 =	sadd.s32 s7, s17  }
0x11: {  	s18 =	simm.s32 $0x0;
	s19 =	sadd.s32 s5, s17  }
0x12: {  	[tilespmem:s18], [sflag:$0x3] =	stream.linear.gather [hbm4b:s19+s18], $0x20, $0x38;
	[tilespmem:$0xC100] =	vst v63  }
0x13: {  	_ =	swait.ge [sflag:s11], $0x20  }
0x14: {  	[sflag:s11] =	ssyncset.done $0x0  }
0x15: {  	s20 =	simm.s32 $0x80;
	s22 =	sadd.s32 s6, s17;
	[sflag:s11] =	ssyncadd.s32 $0xFFFFFFE0  }
0x16: {  	[tilespmem:s20], [sflag:$0x3] =	stream.linear.gather [hbm4b:s22+s18], $0x20, $0x38;
	[tilespmem:$0xC100] =	vst v63  }
0x17: {  	_ =	swait.ge [sflag:s11], $0x20  }
0x18: {  	[sflag:s11] =	ssyncset.done $0x0  }
0x19: {  	[sflag:s11] =	ssyncadd.s32 $0xFFFFFFE0  }
0x1a: {  	v3 =	vld [tilespmem:$0x0];
	_ =	sdelay $0x4  }
0x1b: {  	v4 =	vshrl.u32 v3, $0x3  }
0x1c: {  	v4 =	vmul.u32 $0x30, v4  }
0x1d: {  	v3 =	vand.u32 $0x7, v3  }
0x1e: {  	v3 =	vor.u32 v3, v4  }
0x1f: {  	v4 =	vperm.xlane v3, v0;
	_ =	sdelay $0x1  }
0x20: {  	v4 =	vadd.s32 v1, v4;
	_ =	sdelay $0x3  }
0x21: {  	v3 =	vperm.xlane v3, v2  }
0x22: {  	[tilespmem:s13], [sflag:$0x1] =	stream.indirect_vreg.gather [hbm4b:s4+s18], $0x80, v4, vm0, $0xb8;
	[tilespmem:$0xC100] =	vst v63  }
0x23: {  	s21 =	simm.s32 $0x900;
	v3 =	vadd.s32 v1, v3  }
0x24: {  	[tilespmem:s21], [sflag:$0x1] =	stream.indirect_vreg.gather [hbm4b:s8+s18], $0x80, v4, vm0, $0xb8;
	[tilespmem:$0xC100] =	vst v63  }
0x25: {  	s22 =	simm.s32 $0x1100  }
0x26: {  	[tilespmem:s22], [sflag:$0x1] =	stream.indirect_vreg.gather [hbm4b:s9+s18], $0x80, v4, vm0, $0xb8;
	[tilespmem:$0xC100] =	vst v63  }
0x27: {  	s20 =	simm.s32 $0x1900  }
0x28: {  	[tilespmem:s20], [sflag:$0x1] =	stream.indirect_vreg.gather [hbm4b:s4+s18], $0x80, v3, vm0, $0xb8;
	[tilespmem:$0xC100] =	vst v63  }
0x29: {  	s21 =	simm.s32 $0x2100  }
0x2a: {  	[tilespmem:s21], [sflag:$0x1] =	stream.indirect_vreg.gather [hbm4b:s8+s18], $0x80, v3, vm0, $0xb8;
	[tilespmem:$0xC100] =	vst v63  }
0x2b: {  	s22 =	simm.s32 $0x2900  }
0x2c: {  	[tilespmem:s22], [sflag:$0x1] =	stream.indirect_vreg.gather [hbm4b:s9+s18], $0x80, v3, vm0, $0xb8;
	[tilespmem:$0xC100] =	vst v63  }
0x2d: {  	v3 =	vld [tilespmem:$0x10];
	_ =	sdelay $0x4  }
0x2e: {  	v4 =	vshrl.u32 v3, $0x3  }
0x2f: {  	v4 =	vmul.u32 $0x30, v4  }
0x30: {  	v3 =	vand.u32 $0x7, v3  }
0x31: {  	v3 =	vor.u32 v3, v4  }
0x32: {  	v4 =	vperm.xlane v3, v0;
	_ =	sdelay $0x1  }
0x33: {  	v4 =	vadd.s32 v1, v4;
	_ =	sdelay $0x3  }
0x34: {  	s20 =	simm.s32 $0x3100;
	v3 =	vperm.xlane v3, v2  }
0x35: {  	[tilespmem:s20], [sflag:$0x1] =	stream.indirect_vreg.gather [hbm4b:s4+s18], $0x80, v4, vm0, $0xb8;
	[tilespmem:$0xC100] =	vst v63  }
0x36: {  	s21 =	simm.s32 $0x3900;
	v3 =	vadd.s32 v1, v3  }
0x37: {  	[tilespmem:s21], [sflag:$0x1] =	stream.indirect_vreg.gather [hbm4b:s8+s18], $0x80, v4, vm0, $0xb8;
	[tilespmem:$0xC100] =	vst v63  }
0x38: {  	s22 =	simm.s32 $0x4100  }
0x39: {  	[tilespmem:s22], [sflag:$0x1] =	stream.indirect_vreg.gather [hbm4b:s9+s18], $0x80, v4, vm0, $0xb8;
	[tilespmem:$0xC100] =	vst v63  }
0x3a: {  	s20 =	simm.s32 $0x4900  }
0x3b: {  	[tilespmem:s20], [sflag:$0x1] =	stream.indirect_vreg.gather [hbm4b:s4+s18], $0x80, v3, vm0, $0xb8;
	[tilespmem:$0xC100] =	vst v63  }
0x3c: {  	_ = 	snop  }
0x3d: {  	[tilespmem:s23], [sflag:$0x1] =	stream.indirect_vreg.gather [hbm4b:s8+s18], $0x80, v3, vm0, $0xb8;
	[tilespmem:$0xC100] =	vst v63  }
0x3e: {  	_ = 	snop  }
0x3f: {  	[tilespmem:s24], [sflag:$0x1] =	stream.indirect_vreg.gather [hbm4b:s9+s18], $0x80, v3, vm0, $0xb8;
	[tilespmem:$0xC100] =	vst v63  }
0x40: {  	v3 =	vld [tilespmem:$0x80];
	_ =	sdelay $0x4  }
0x41: {  	v4 =	vshrl.u32 v3, $0x3  }
0x42: {  	v4 =	vmul.u32 $0x30, v4  }
0x43: {  	v3 =	vand.u32 $0x7, v3  }
0x44: {  	v3 =	vor.u32 v3, v4  }
0x45: {  	v4 =	vperm.xlane v3, v0;
	_ =	sdelay $0x1  }
0x46: {  	v4 =	vadd.s32 v1, v4;
	_ =	sdelay $0x3  }
0x47: {  	v3 =	vperm.xlane v3, v2  }
0x48: {  	[tilespmem:s25], [sflag:$0x2] =	stream.indirect_vreg.gather [hbm4b:s4+s18], $0x80, v4, vm0, $0xb8;
	[tilespmem:$0xC100] =	vst v63  }
0x49: {  	v3 =	vadd.s32 v1, v3  }
0x4a: {  	[tilespmem:s26], [sflag:$0x2] =	stream.indirect_vreg.gather [hbm4b:s8+s18], $0x80, v4, vm0, $0xb8;
	[tilespmem:$0xC100] =	vst v63  }
0x4b: {  	_ = 	snop  }
0x4c: {  	[tilespmem:s28], [sflag:$0x2] =	stream.indirect_vreg.gather [hbm4b:s9+s18], $0x80, v4, vm0, $0xb8;
	[tilespmem:$0xC100] =	vst v63  }
0x4d: {  	_ = 	snop  }
0x4e: {  	[tilespmem:s29], [sflag:$0x2] =	stream.indirect_vreg.gather [hbm4b:s4+s18], $0x80, v3, vm0, $0xb8;
	[tilespmem:$0xC100] =	vst v63  }
0x4f: {  	_ = 	snop  }
0x50: {  	[tilespmem:s30], [sflag:$0x2] =	stream.indirect_vreg.gather [hbm4b:s8+s18], $0x80, v3, vm0, $0xb8;
	[tilespmem:$0xC100] =	vst v63  }
0x51: {  	_ = 	snop  }
0x52: {  	[tilespmem:s31], [sflag:$0x2] =	stream.indirect_vreg.gather [hbm4b:s9+s18], $0x80, v3, vm0, $0xb8;
	[tilespmem:$0xC100] =	vst v63  }
0x53: {  	v3 =	vld [tilespmem:$0x90];
	_ =	sdelay $0x4  }
0x54: {  	v4 =	vshrl.u32 v3, $0x3  }
0x55: {  	v4 =	vmul.u32 $0x30, v4  }
0x56: {  	v3 =	vand.u32 $0x7, v3  }
0x57: {  	v3 =	vor.u32 v3, v4  }
0x58: {  	v4 =	vperm.xlane v3, v0;
	_ =	sdelay $0x1  }
0x59: {  	v4 =	vadd.s32 v1, v4;
	_ =	sdelay $0x3  }
0x5a: {  	v3 =	vperm.xlane v3, v2  }
0x5b: {  	[tilespmem:s0], [sflag:$0x2] =	stream.indirect_vreg.gather [hbm4b:s4+s18], $0x80, v4, vm0, $0xb8;
	[tilespmem:$0xC100] =	vst v63  }
0x5c: {  	v3 =	vadd.s32 v1, v3  }
0x5d: {  	[tilespmem:s3], [sflag:$0x2] =	stream.indirect_vreg.gather [hbm4b:s8+s18], $0x80, v4, vm0, $0xb8;
	[tilespmem:$0xC100] =	vst v63  }
0x5e: {  	_ = 	snop  }
0x5f: {  	[tilespmem:s10], [sflag:$0x2] =	stream.indirect_vreg.gather [hbm4b:s9+s18], $0x80, v4, vm0, $0xb8;
	[tilespmem:$0xC100] =	vst v63  }
0x60: {  	_ = 	snop  }
0x61: {  	[tilespmem:s1], [sflag:$0x2] =	stream.indirect_vreg.gather [hbm4b:s4+s18], $0x80, v3, vm0, $0xb8;
	[tilespmem:$0xC100] =	vst v63  }
0x62: {  	_ = 	snop  }
0x63: {  	[tilespmem:s2], [sflag:$0x2] =	stream.indirect_vreg.gather [hbm4b:s8+s18], $0x80, v3, vm0, $0xb8;
	[tilespmem:$0xC100] =	vst v63  }
0x64: {  	_ = 	snop  }
0x65: {  	[tilespmem:s12], [sflag:$0x2] =	stream.indirect_vreg.gather [hbm4b:s9+s18], $0x80, v3, vm0, $0xb8;
	[tilespmem:$0xC100] =	vst v63  }
0x66: {  	_ =	swait.ge [sflag:s14], $0x6000  }
0x67: {  	[sflag:s14] =	ssyncset.done $0x0  }
0x68: {  	s21 =	simm.s32 $0x0;
	[sflag:s14] =	ssyncadd.s32 $0xFFFFA000  }
0x69: {  	s19 =	smul.u32 $0x1800, s21;
	_ =	swait.ge [sflag:s15], $0x6000  }
0x6a: {  	s22 =	sand.u32 $0x380, s18;
	[sflag:s15] =	ssyncset.done $0x0  }
0x6b: {  	s19 =	sor.u32 s22, s19;
	[sflag:s15] =	ssyncadd.s32 $0xFFFFA000  }
0x6c: {  	v12 =	vld [tilespmem:s19+$0x6100]  }
0x6d: {  	v13 =	vld [tilespmem:s19+$0x6110]  }
0x6e: {  	v14 =	vld [tilespmem:s19+$0x6120]  }
0x6f: {  	v15 =	vld [tilespmem:s19+$0x6130]  }
0x70: {  	v16 =	vld [tilespmem:s19+$0x6140]  }
0x71: {  	v17 =	vld [tilespmem:s19+$0x6150]  }
0x72: {  	v18 =	vld [tilespmem:s19+$0x6160]  }
0x73: {  	v19 =	vld [tilespmem:s19+$0x6170]  }
0x74: {  	v20 =	vld [tilespmem:s19+$0x6500]  }
0x75: {  	v21 =	vld [tilespmem:s19+$0x6510]  }
0x76: {  	v22 =	vld [tilespmem:s19+$0x6520]  }
0x77: {  	v23 =	vld [tilespmem:s19+$0x6530]  }
0x78: {  	v24 =	vld [tilespmem:s19+$0x6540]  }
0x79: {  	v25 =	vld [tilespmem:s19+$0x6550]  }
0x7a: {  	v26 =	vld [tilespmem:s19+$0x6560]  }
0x7b: {  	v27 =	vld [tilespmem:s19+$0x6570]  }
0x7c: {  	v28 =	vld [tilespmem:s19+$0x6900]  }
0x7d: {  	v29 =	vld [tilespmem:s19+$0x6910]  }
0x7e: {  	v30 =	vld [tilespmem:s19+$0x6920]  }
0x7f: {  	v31 =	vld [tilespmem:s19+$0x6930]  }
0x80: {  	v32 =	vld [tilespmem:s19+$0x6940]  }
0x81: {  	v33 =	vld [tilespmem:s19+$0x6950]  }
0x82: {  	v34 =	vld [tilespmem:s19+$0x6960]  }
0x83: {  	v35 =	vld [tilespmem:s19+$0x6970]  }
0x84: {  	v36 =	vld [tilespmem:s19+$0x6D00]  }
0x85: {  	v37 =	vld [tilespmem:s19+$0x6D10]  }
0x86: {  	v38 =	vld [tilespmem:s19+$0x6D20]  }
0x87: {  	v39 =	vld [tilespmem:s19+$0x6D30]  }
0x88: {  	v40 =	vld [tilespmem:s19+$0x6D40]  }
0x89: {  	v41 =	vld [tilespmem:s19+$0x6D50]  }
0x8a: {  	v42 =	vld [tilespmem:s19+$0x6D60]  }
0x8b: {  	v43 =	vld [tilespmem:s19+$0x6D70]  }
0x8c: {  	v44 =	vld [tilespmem:s19+$0x7100]  }
0x8d: {  	v45 =	vld [tilespmem:s19+$0x7110]  }
0x8e: {  	v46 =	vld [tilespmem:s19+$0x7120]  }
0x8f: {  	v47 =	vld [tilespmem:s19+$0x7130]  }
0x90: {  	v48 =	vld [tilespmem:s19+$0x7140]  }
0x91: {  	v49 =	vld [tilespmem:s19+$0x7150]  }
0x92: {  	v50 =	vld [tilespmem:s19+$0x7160]  }
0x93: {  	v11 =	vld [tilespmem:s19+$0x7170]  }
0x94: {  	v10 =	vld [tilespmem:s19+$0x7500]  }
0x95: {  	v9 =	vld [tilespmem:s19+$0x7510]  }
0x96: {  	v8 =	vld [tilespmem:s19+$0x7520]  }
0x97: {  	v7 =	vld [tilespmem:s19+$0x7530]  }
0x98: {  	v6 =	vld [tilespmem:s19+$0x7540]  }
0x99: {  	v51 =	vld [tilespmem:s19+$0x100]  }
0x9a: {  	v52 =	vld [tilespmem:s19+$0x110]  }
0x9b: {  	v53 =	vld [tilespmem:s19+$0x120]  }
0x9c: {  	v54 =	vld [tilespmem:s19+$0x130]  }
0x9d: {  	v55 =	vld [tilespmem:s19+$0x140]  }
0x9e: {  	v62 =	vld [tilespmem:s19+$0x150];
	v12 =	vadd.f32 v12, v51  }
0x9f: {  	v63 =	vld [tilespmem:s19+$0x160];
	v13 =	vadd.f32 v13, v52  }
0xa0: {  	[tilespmem:s19+$0x100] =	vst v12;
	v12 =	vadd.f32 v14, v53;
	v14 =	vld [tilespmem:s19+$0x170]  }
0xa1: {  	[tilespmem:s19+$0x110] =	vst v13;
	v13 =	vadd.f32 v15, v54;
	v15 =	vld [tilespmem:s19+$0x500]  }
0xa2: {  	[tilespmem:s19+$0x120] =	vst v12;
	v12 =	vadd.f32 v16, v55;
	v16 =	vld [tilespmem:s19+$0x510]  }
0xa3: {  	[tilespmem:s19+$0x130] =	vst v13;
	v13 =	vadd.f32 v17, v62;
	v17 =	vld [tilespmem:s19+$0x520]  }
0xa4: {  	v5 =	vld [tilespmem:s19+$0x7550]  }
0xa5: {  	[tilespmem:s19+$0x140] =	vst v12;
	v12 =	vadd.f32 v18, v63;
	v18 =	vld [tilespmem:s19+$0x570]  }
0xa6: {  	[tilespmem:s19+$0x150] =	vst v13;
	v13 =	vadd.f32 v19, v14;
	v14 =	vld [tilespmem:s19+$0x530]  }
0xa7: {  	[tilespmem:s19+$0x160] =	vst v12;
	v12 =	vadd.f32 v20, v15;
	v15 =	vld [tilespmem:s19+$0x540]  }
0xa8: {  	[tilespmem:s19+$0x170] =	vst v13;
	v13 =	vadd.f32 v21, v16;
	v16 =	vadd.f32 v22, v17;
	v17 =	vld [tilespmem:s19+$0x560]  }
0xa9: {  	[tilespmem:s19+$0x500] =	vst v12;
	v12 =	vld [tilespmem:s19+$0x550]  }
0xaa: {  	[tilespmem:s19+$0x510] =	vst v13;
	v13 =	vld [tilespmem:s19+$0x900];
	v18 =	vadd.f32 v27, v18  }
0xab: {  	[tilespmem:s19+$0x520] =	vst v16;
	v16 =	vld [tilespmem:s19+$0x910];
	v14 =	vadd.f32 v23, v14  }
0xac: {  	v4 =	vld [tilespmem:s19+$0x7560];
	v15 =	vadd.f32 v24, v15;
	[tilespmem:s19+$0x570] =	vst v18  }
0xad: {  	[tilespmem:s19+$0x530] =	vst v14;
	v14 =	vld [tilespmem:s19+$0x920];
	v17 =	vadd.f32 v26, v17  }
0xae: {  	v12 =	vadd.f32 v25, v12;
	[tilespmem:s19+$0x540] =	vst v15;
	v15 =	vld [tilespmem:s19+$0x930]  }
0xaf: {  	v18 =	vld [tilespmem:s19+$0x970];
	[tilespmem:s19+$0x560] =	vst v17;
	v13 =	vadd.f32 v28, v13  }
0xb0: {  	v16 =	vadd.f32 v29, v16;
	[tilespmem:s19+$0x550] =	vst v12;
	v12 =	vld [tilespmem:s19+$0x940]  }
0xb1: {  	v17 =	vld [tilespmem:s19+$0x950];
	[tilespmem:s19+$0x900] =	vst v13  }
0xb2: {  	[tilespmem:s19+$0x910] =	vst v16;
	v16 =	vld [tilespmem:s19+$0x960];
	v13 =	vadd.f32 v30, v14  }
0xb3: {  	v14 =	vld [tilespmem:s19+$0xD00];
	v15 =	vadd.f32 v31, v15  }
0xb4: {  	[tilespmem:s19+$0x920] =	vst v13;
	v13 =	vld [tilespmem:s19+$0xD10]  }
0xb5: {  	v12 =	vadd.f32 v32, v12;
	[tilespmem:s19+$0x930] =	vst v15;
	v15 =	vld [tilespmem:s19+$0xD20]  }
0xb6: {  	v3 =	vld [tilespmem:s19+$0x7570];
	v17 =	vadd.f32 v33, v17  }
0xb7: {  	v16 =	vadd.f32 v34, v16;
	[tilespmem:s19+$0x940] =	vst v12;
	v12 =	vld [tilespmem:s19+$0xD30]  }
0xb8: {  	[tilespmem:s19+$0x950] =	vst v17;
	v17 =	vld [tilespmem:s19+$0xD40];
	v14 =	vadd.f32 v36, v14  }
0xb9: {  	v18 =	vadd.f32 v35, v18;
	[tilespmem:s19+$0x960] =	vst v16;
	v16 =	vld [tilespmem:s19+$0xD50]  }
0xba: {  	v13 =	vadd.f32 v37, v13;
	[tilespmem:s19+$0xD00] =	vst v14;
	v14 =	vadd.f32 v38, v15;
	v15 =	vld [tilespmem:s19+$0xD60]  }
0xbb: {  	[tilespmem:s19+$0x970] =	vst v18;
	v18 =	vld [tilespmem:s19+$0xD70]  }
0xbc: {  	[tilespmem:s19+$0xD10] =	vst v13;
	v13 =	vld [tilespmem:s19+$0x1100];
	v12 =	vadd.f32 v39, v12  }
0xbd: {  	v17 =	vadd.f32 v40, v17;
	[tilespmem:s19+$0xD20] =	vst v14;
	v14 =	vld [tilespmem:s19+$0x1110]  }
0xbe: {  	v16 =	vadd.f32 v41, v16;
	[tilespmem:s19+$0xD30] =	vst v12;
	v12 =	vld [tilespmem:s19+$0x1120]  }
0xbf: {  	[tilespmem:s19+$0xD40] =	vst v17;
	v17 =	vld [tilespmem:s19+$0x1130];
	v15 =	vadd.f32 v42, v15  }
0xc0: {  	v19 =	vld [tilespmem:s19+$0x1140];
	[tilespmem:s19+$0xD50] =	vst v16;
	v16 =	vadd.f32 v43, v18  }
0xc1: {  	v18 =	vld [tilespmem:s19+$0x1150];
	v13 =	vadd.f32 v44, v13;
	[tilespmem:s19+$0xD60] =	vst v15  }
0xc2: {  	v20 =	vld [tilespmem:s19+$0x1160];
	[tilespmem:s19+$0xD70] =	vst v16;
	v14 =	vadd.f32 v45, v14  }
0xc3: {  	v16 =	vld [tilespmem:s19+$0x1170];
	[tilespmem:s19+$0x1100] =	vst v13;
	v12 =	vadd.f32 v46, v12  }
0xc4: {  	v15 =	vld [tilespmem:s19+$0x1500];
	v13 =	vadd.f32 v47, v17;
	[tilespmem:s19+$0x1110] =	vst v14  }
0xc5: {  	v14 =	vld [tilespmem:s19+$0x1510];
	[tilespmem:s19+$0x1120] =	vst v12;
	v12 =	vadd.f32 v48, v19  }
0xc6: {  	[tilespmem:s19+$0x1130] =	vst v13;
	v13 =	vld [tilespmem:s19+$0x1520];
	v18 =	vadd.f32 v49, v18  }
0xc7: {  	s20 =	simm.s32 $0x1;
	v17 =	vadd.f32 v50, v20;
	[tilespmem:s19+$0x1140] =	vst v12;
	v12 =	vld [tilespmem:s19+$0x1530]  }
.LBB2_3:
0xc8: {  	s21 =	sshrl.u32 s20, $0x3;
	p0 =	sne.s32 s20, $0x1F;
	[tilespmem:s19+$0x1150] =	vst v18;
	v11 =	vadd.f32 v11, v16;
	v16 =	vld [tilespmem:s19+$0x1540]  }
0xc9: {  	s18 =	sadd.s32 $0x80, s18;
	s21 =	smul.u32 $0x1800, s21;
	[tilespmem:s19+$0x1160] =	vst v17;
	v10 =	vadd.f32 v10, v15;
	v15 =	vld [tilespmem:s19+$0x1550]  }
0xca: {  	s22 =	sand.u32 $0x380, s18;
	[tilespmem:s19+$0x1170] =	vst v11;
	v9 =	vadd.f32 v9, v14;
	v11 =	vld [tilespmem:s19+$0x1560]  }
0xcb: {  	s21 =	sor.u32 s22, s21;
	[tilespmem:s19+$0x1500] =	vst v10;
	v8 =	vadd.f32 v8, v13;
	v10 =	vld [tilespmem:s19+$0x1570]  }
0xcc: {  	v39 =	vld [tilespmem:s21+$0x6100];
	[tilespmem:s19+$0x1510] =	vst v9;
	v7 =	vadd.f32 v7, v12  }
0xcd: {  	v40 =	vld [tilespmem:s21+$0x6110];
	[tilespmem:s19+$0x1520] =	vst v8;
	v6 =	vadd.f32 v6, v16  }
0xce: {  	v41 =	vld [tilespmem:s21+$0x6120];
	[tilespmem:s19+$0x1530] =	vst v7;
	v5 =	vadd.f32 v5, v15  }
0xcf: {  	v42 =	vld [tilespmem:s21+$0x6130];
	[tilespmem:s19+$0x1540] =	vst v6;
	v4 =	vadd.f32 v4, v11  }
0xd0: {  	v43 =	vld [tilespmem:s21+$0x6140];
	[tilespmem:s19+$0x1550] =	vst v5;
	v3 =	vadd.f32 v3, v10  }
0xd1: {  	v44 =	vld [tilespmem:s21+$0x6150];
	[tilespmem:s19+$0x1560] =	vst v4  }
0xd2: {  	v45 =	vld [tilespmem:s21+$0x6160];
	[tilespmem:s19+$0x1570] =	vst v3;
	s19 =	smov.u32 s21  }
0xd3: {  	v46 =	vld [tilespmem:s19+$0x6170]  }
0xd4: {  	v47 =	vld [tilespmem:s19+$0x6500]  }
0xd5: {  	v48 =	vld [tilespmem:s19+$0x6510]  }
0xd6: {  	v49 =	vld [tilespmem:s19+$0x6520]  }
0xd7: {  	v50 =	vld [tilespmem:s19+$0x6530]  }
0xd8: {  	v38 =	vld [tilespmem:s19+$0x6540]  }
0xd9: {  	v37 =	vld [tilespmem:s19+$0x6550]  }
0xda: {  	v36 =	vld [tilespmem:s19+$0x6560]  }
0xdb: {  	v35 =	vld [tilespmem:s19+$0x6570]  }
0xdc: {  	v34 =	vld [tilespmem:s19+$0x6900]  }
0xdd: {  	v33 =	vld [tilespmem:s19+$0x6910]  }
0xde: {  	v32 =	vld [tilespmem:s19+$0x6920]  }
0xdf: {  	v31 =	vld [tilespmem:s19+$0x6930]  }
0xe0: {  	v30 =	vld [tilespmem:s19+$0x6940]  }
0xe1: {  	v29 =	vld [tilespmem:s19+$0x6950]  }
0xe2: {  	v28 =	vld [tilespmem:s19+$0x6960]  }
0xe3: {  	v27 =	vld [tilespmem:s19+$0x6970]  }
0xe4: {  	v26 =	vld [tilespmem:s19+$0x6D00]  }
0xe5: {  	v25 =	vld [tilespmem:s19+$0x6D10]  }
0xe6: {  	v24 =	vld [tilespmem:s19+$0x6D20]  }
0xe7: {  	v23 =	vld [tilespmem:s19+$0x6D30]  }
0xe8: {  	v22 =	vld [tilespmem:s19+$0x6D40]  }
0xe9: {  	v21 =	vld [tilespmem:s19+$0x6D50]  }
0xea: {  	v20 =	vld [tilespmem:s19+$0x6D60]  }
0xeb: {  	v19 =	vld [tilespmem:s19+$0x6D70]  }
0xec: {  	v18 =	vld [tilespmem:s19+$0x7100]  }
0xed: {  	v17 =	vld [tilespmem:s19+$0x7110]  }
0xee: {  	v16 =	vld [tilespmem:s19+$0x7120]  }
0xef: {  	v15 =	vld [tilespmem:s19+$0x7130]  }
0xf0: {  	v14 =	vld [tilespmem:s19+$0x7140]  }
0xf1: {  	v13 =	vld [tilespmem:s19+$0x7150]  }
0xf2: {  	v12 =	vld [tilespmem:s19+$0x7160]  }
0xf3: {  	v11 =	vld [tilespmem:s19+$0x7170]  }
0xf4: {  	v10 =	vld [tilespmem:s19+$0x7500]  }
0xf5: {  	v9 =	vld [tilespmem:s19+$0x7510]  }
0xf6: {  	v8 =	vld [tilespmem:s19+$0x7520]  }
0xf7: {  	v7 =	vld [tilespmem:s19+$0x7530]  }
0xf8: {  	v6 =	vld [tilespmem:s19+$0x7540]  }
0xf9: {  	v5 =	vld [tilespmem:s19+$0x7550]  }
0xfa: {  	v4 =	vld [tilespmem:s19+$0x7560]  }
0xfb: {  	v3 =	vld [tilespmem:s19+$0x7570]  }
0xfc: {  	v51 =	vld [tilespmem:s19+$0x100]  }
0xfd: {  	v52 =	vld [tilespmem:s19+$0x110]  }
0xfe: {  	v53 =	vld [tilespmem:s19+$0x120]  }
0xff: {  	v54 =	vld [tilespmem:s19+$0x130]  }
0x100: {  	v55 =	vld [tilespmem:s19+$0x140]  }
0x101: {  	v39 =	vadd.f32 v39, v51;
	v51 =	vld [tilespmem:s19+$0x150]  }
0x102: {  	v40 =	vadd.f32 v40, v52;
	v52 =	vld [tilespmem:s19+$0x160]  }
0x103: {  	[tilespmem:s19+$0x100] =	vst v39;
	v39 =	vadd.f32 v41, v53;
	v41 =	vld [tilespmem:s19+$0x170]  }
0x104: {  	[tilespmem:s19+$0x110] =	vst v40;
	v40 =	vadd.f32 v42, v54;
	v42 =	vld [tilespmem:s19+$0x500]  }
0x105: {  	[tilespmem:s19+$0x120] =	vst v39;
	v39 =	vadd.f32 v43, v55;
	v43 =	vld [tilespmem:s19+$0x510]  }
0x106: {  	[tilespmem:s19+$0x130] =	vst v40;
	v40 =	vadd.f32 v44, v51;
	v44 =	vld [tilespmem:s19+$0x520]  }
0x107: {  	[tilespmem:s19+$0x140] =	vst v39;
	v39 =	vadd.f32 v45, v52;
	v45 =	vld [tilespmem:s19+$0x530]  }
0x108: {  	[tilespmem:s19+$0x150] =	vst v40;
	v40 =	vadd.f32 v46, v41;
	v41 =	vld [tilespmem:s19+$0x540]  }
0x109: {  	[tilespmem:s19+$0x160] =	vst v39;
	v39 =	vadd.f32 v47, v42;
	v42 =	vld [tilespmem:s19+$0x550]  }
0x10a: {  	[tilespmem:s19+$0x170] =	vst v40;
	v40 =	vadd.f32 v48, v43;
	v43 =	vld [tilespmem:s19+$0x560]  }
0x10b: {  	[tilespmem:s19+$0x500] =	vst v39;
	v39 =	vadd.f32 v49, v44;
	v44 =	vld [tilespmem:s19+$0x570]  }
0x10c: {  	[tilespmem:s19+$0x510] =	vst v40;
	v40 =	vadd.f32 v50, v45;
	v45 =	vld [tilespmem:s19+$0x900]  }
0x10d: {  	[tilespmem:s19+$0x520] =	vst v39;
	v38 =	vadd.f32 v38, v41;
	v39 =	vld [tilespmem:s19+$0x910]  }
0x10e: {  	[tilespmem:s19+$0x530] =	vst v40;
	v37 =	vadd.f32 v37, v42;
	v40 =	vld [tilespmem:s19+$0x920]  }
0x10f: {  	[tilespmem:s19+$0x540] =	vst v38;
	v36 =	vadd.f32 v36, v43;
	v38 =	vld [tilespmem:s19+$0x930]  }
0x110: {  	[tilespmem:s19+$0x550] =	vst v37;
	v35 =	vadd.f32 v35, v44;
	v37 =	vld [tilespmem:s19+$0x940]  }
0x111: {  	[tilespmem:s19+$0x560] =	vst v36;
	v34 =	vadd.f32 v34, v45;
	v36 =	vld [tilespmem:s19+$0x950]  }
0x112: {  	[tilespmem:s19+$0x570] =	vst v35;
	v33 =	vadd.f32 v33, v39;
	v35 =	vld [tilespmem:s19+$0x960]  }
0x113: {  	[tilespmem:s19+$0x900] =	vst v34;
	v32 =	vadd.f32 v32, v40;
	v34 =	vld [tilespmem:s19+$0x970]  }
0x114: {  	[tilespmem:s19+$0x910] =	vst v33;
	v31 =	vadd.f32 v31, v38;
	v33 =	vld [tilespmem:s19+$0xD00]  }
0x115: {  	[tilespmem:s19+$0x920] =	vst v32;
	v30 =	vadd.f32 v30, v37;
	v32 =	vld [tilespmem:s19+$0xD10]  }
0x116: {  	[tilespmem:s19+$0x930] =	vst v31;
	v29 =	vadd.f32 v29, v36;
	v31 =	vld [tilespmem:s19+$0xD20]  }
0x117: {  	[tilespmem:s19+$0x940] =	vst v30;
	v28 =	vadd.f32 v28, v35;
	v30 =	vld [tilespmem:s19+$0xD30]  }
0x118: {  	[tilespmem:s19+$0x950] =	vst v29;
	v27 =	vadd.f32 v27, v34;
	v29 =	vld [tilespmem:s19+$0xD40]  }
0x119: {  	[tilespmem:s19+$0x960] =	vst v28;
	v26 =	vadd.f32 v26, v33;
	v28 =	vld [tilespmem:s19+$0xD50]  }
0x11a: {  	[tilespmem:s19+$0x970] =	vst v27;
	v25 =	vadd.f32 v25, v32;
	v27 =	vld [tilespmem:s19+$0xD60]  }
0x11b: {  	[tilespmem:s19+$0xD00] =	vst v26;
	v24 =	vadd.f32 v24, v31;
	v26 =	vld [tilespmem:s19+$0xD70]  }
0x11c: {  	[tilespmem:s19+$0xD10] =	vst v25;
	v23 =	vadd.f32 v23, v30;
	v25 =	vld [tilespmem:s19+$0x1100]  }
0x11d: {  	[tilespmem:s19+$0xD20] =	vst v24;
	v22 =	vadd.f32 v22, v29;
	v24 =	vld [tilespmem:s19+$0x1110]  }
0x11e: {  	[tilespmem:s19+$0xD30] =	vst v23;
	v21 =	vadd.f32 v21, v28;
	v23 =	vld [tilespmem:s19+$0x1120]  }
0x11f: {  	[tilespmem:s19+$0xD40] =	vst v22;
	v20 =	vadd.f32 v20, v27;
	v22 =	vld [tilespmem:s19+$0x1130]  }
0x120: {  	[tilespmem:s19+$0xD50] =	vst v21;
	v19 =	vadd.f32 v19, v26;
	v21 =	vld [tilespmem:s19+$0x1140]  }
0x121: {  	[tilespmem:s19+$0xD60] =	vst v20;
	v18 =	vadd.f32 v18, v25;
	v20 =	vld [tilespmem:s19+$0x1150]  }
0x122: {  	[tilespmem:s19+$0xD70] =	vst v19;
	v17 =	vadd.f32 v17, v24;
	v19 =	vld [tilespmem:s19+$0x1160]  }
.Ltmp0:
0x123: {  	[tilespmem:s19+$0x1100] =	vst v18;
	v18 =	vadd.f32 v16, v23;
	v16 =	vld [tilespmem:s19+$0x1170];
	(pc) =	sbr.rel @p0 .LBB2_3-.Ltmp0, $4  }
0x124: {  	[tilespmem:s19+$0x1110] =	vst v17;
	v17 =	vadd.f32 v15, v22;
	v15 =	vld [tilespmem:s19+$0x1500]  }
0x125: {  	[tilespmem:s19+$0x1120] =	vst v18;
	v21 =	vadd.f32 v14, v21;
	v14 =	vld [tilespmem:s19+$0x1510]  }
0x126: {  	[tilespmem:s19+$0x1130] =	vst v17;
	v18 =	vadd.f32 v13, v20;
	v13 =	vld [tilespmem:s19+$0x1520]  }
0x127: {  	s20 =	sadd.s32 $0x1, s20;
	[tilespmem:s19+$0x1140] =	vst v21;
	v17 =	vadd.f32 v12, v19;
	v12 =	vld [tilespmem:s19+$0x1530]  }
0x128: {  	[tilespmem:s19+$0x1150] =	vst v18;
	v60 =	vld [tilespmem:s19+$0x1540];
	v11 =	vadd.f32 v11, v16  }
0x129: {  	v61 =	vld [tilespmem:s19+$0x1550];
	[tilespmem:s19+$0x1160] =	vst v17;
	v10 =	vadd.f32 v10, v15  }
0x12a: {  	v62 =	vld [tilespmem:s19+$0x1560];
	[tilespmem:s19+$0x1170] =	vst v11;
	v9 =	vadd.f32 v9, v14  }
0x12b: {  	v63 =	vld [tilespmem:s19+$0x1570];
	[tilespmem:s19+$0x1500] =	vst v10;
	v8 =	vadd.f32 v8, v13  }
0x12c: {  	[tilespmem:s19+$0x1510] =	vst v9;
	v7 =	vadd.f32 v7, v12  }
0x12d: {  	[tilespmem:s19+$0x1520] =	vst v8;
	v6 =	vadd.f32 v6, v60  }
0x12e: {  	v5 =	vadd.f32 v5, v61;
	[tilespmem:s19+$0x1530] =	vst v7  }
0x12f: {  	v4 =	vadd.f32 v4, v62;
	[tilespmem:s19+$0x1540] =	vst v6  }
0x130: {  	s17 =	smul.u32 $0x300, s17;
	s16 =	sadd.s32 $0x1, s16;
	v3 =	vadd.f32 v3, v63;
	[tilespmem:s19+$0x1550] =	vst v5  }
0x131: {  	s18 =	rddreg [dreg:$0x1];
	p0 =	sne.s32 s16, $0x4;
	[tilespmem:s19+$0x1560] =	vst v4  }
.Ltmp1:
0x132: {  	s22 =	simm.s32 $0x0;
	s17 =	sadd.s32 s18, s17;
	[tilespmem:s19+$0x1570] =	vst v3;
	(pc) =	sbr.rel @p0 .LBB2_2-.Ltmp1, $4  }
0x133: {  	[hbm4b:s17+s22] =	stream.linear.scatter [tilespmem:s13], [sflag:$0x3], $0x6000, $0x38;
	[tilespmem:$0xC100] =	vst v63  }
0x134: {  	_ =	swait.ge [sflag:s11], $0x6000  }
0x135: {  	[sflag:s11] =	ssyncset.done $0x0  }
0x136: {  	[sflag:s11] =	ssyncadd.s32 $0xFFFFA000  }
0x137: {  	s17 =	rddreg [dreg:$0x4]  }
0x138: {  	s16 =	rddreg [dreg:$0x3];
	s17 =	sadd.s32 $0x1, s17  }
0x139: {  	p0 =	sne.s32 s17, s16  }
.Ltmp2:
0x13a: {  	_ = 	snop;
	(pc) =	sbr.rel @p0 .LBB2_1-.Ltmp2, $1  }
0x13b: {  	_ =	sdelay $0x3  }
0x13c: {  	_ =	sfence.sel $0x180000  }
0x13d: {  	[bflag:$0x0] =	sbarrier.arrive $0xFFFF  }
0x13e: {  	_ =	strace $0x9000004D  }
0x13f: {  	s0 =	stileid.u32;
	[bflag:$0x2] =	sbarrier.arrive $0xFFFF  }
0x140: {  	p0 =	sne.s32 s0, $0x0;
	s0 =	rddreg [dreg:$0x2]  }
0x141: {  	s0 =	sadd.s32 @!p0 $0x100000, s0  }
0x142: {  	[sflag:s0] =	ssyncadd.tile.s32 @!p0 $0x1;
	_ =	shalt  }
.Lfunc_end2:
_tile_overlayer_lowered:
.L_overlay_start_2:
0x143: {  	(tag) =	ssettag $0x2  }
0x144: {  	s0 =	rddreg [dreg:$0x0];
	s2 =	stileid.u32  }
0x145: {  	s1 =	rddreg [dreg:$0x1];
	p0 =	sne.s32 s2, $0x0  }
0x146: {  	s3 =	rddreg [dreg:$0x2];
	[bflag:$0x3] =	sbarrier.arrive $0xFFFF;
	s2 =	simm.s32 @!p0 $0x1C03  }
0x147: {  	[timem:s3], [sflag:s2] =	dma.local @!p0 [hbm:s0], s1  }
0x148: {  	s0 =	simm.s32 @!p0 $0x3  }
0x149: {  	_ =	swait.ge @!p0 [sflag:s0], s1  }
0x14a: {  	s1 =	ssub.s32 @!p0 $0x0, s1;
	[sflag:s0] =	ssyncset.done @!p0 $0x0  }
0x14b: {  	[sflag:s0] =	ssyncadd.s32 @!p0 s1  }
0x14c: {  	[bflag:$0x3] =	sbarrier.arrive $0xFFFF  }
0x14d: {  	_ =	shalt  }

// kernel: kernel.7.cloned.1.call-start
scs
__scs_entry_jumppad:
0x0: {  	(pc) =	sbr.rel $0x88, $3  }
0x1: {  	(tag) =	ssettag $0x0;
	lr =	simm.s32 $0x1  }
0x2: {  	[smem:$0x3F9B] =	sst lr;
	_ =	strace $0xD0000000  }
0x3: {  	_ = 	snop  }
0x4: {  	_ = 	snop  }
0x5: {  	_ = 	snop  }
0x6: {  	_ = 	snop  }
0x7: {  	_ = 	snop  }
__scs_overlays_trampoline_lowered:
0x8: {  	[smem:$0x3FAA] =	sst s0  }
0x9: {  	[smem:$0x3FAB] =	sst s1  }
0xa: {  	[smem:$0x3FAC] =	sst s2  }
0xb: {  	[smem:$0x3FAD] =	sst s3  }
0xc: {  	[smem:$0x3FAE] =	sst s4  }
0xd: {  	[smem:$0x3FAF] =	sst s5  }
0xe: {  	[smem:$0x3FB0] =	sst s6  }
0xf: {  	[smem:$0x3FB1] =	sst s7  }
0x10: {  	[smem:$0x3FB2] =	sst s8  }
0x11: {  	[smem:$0x3FB3] =	sst s9;
	s0 =	simm.s32 @!p0 $0x0  }
0x12: {  	s1 =	sld [smem:$0x3F99];
	s0 =	simm.s32 @p0 $0x1  }
0x13: {  	[smem:$0x3FB4] =	sst s0;
	s0 =	simm.s32 @!p1 $0x0  }
0x14: {  	s2 =	sld [smem:$0x3F98];
	s0 =	simm.s32 @p1 $0x1  }
0x15: {  	[smem:$0x3FB5] =	sst s0;
	s0 =	simm.s32 @!p2 $0x0  }
0x16: {  	s3 =	sld [smem:$0x3FDB];
	s0 =	simm.s32 @p2 $0x1  }
0x17: {  	s4 =	simm.s32 $0x1BF5;
	[smem:$0x3FB7] =	sst s0  }
0x18: {  	s0 =	sld [smem:$0x3F9A];
	_ =	swait.ge [sflag:s4], $0x0  }
0x19: {  	s7 =	sld [smem:$0x3F9B]  }
0x1a: {  	s8 =	sadd.s32 $0xFFFFE003, lr  }
0x1b: {  	s9 =	sadd.s32 $0xFFFFFEF7, lr;
	s5 =	simm.s32 $0xFFFFFFFF;
	p2 =	slt.u32 s8, $0xFFFFF086  }
0x1c: {  	p1 =	slt.u32 s9, $0xF7A;
	s5 =	simm.s32 @!p2 $0x0  }
0x1d: {  	s5 =	simm.s32 @p1 $0x1;
	p0 =	seq.s32 s7, s2  }
0x1e: {  	s7 =	smul.u32 @!p0 $0xF7A, s2;
	p2 =	seq.s32 @!p0 s5, $0x0  }
0x1f: {  	s9 =	smul.u32 $0xF7A, s1;
	s8 =	simm.s32 @!p0 $0x1BF5;
	p2 =	por !p2, p0  }
0x20: {  	[sflag:s8] =	ssyncset.s32 @!p0 $0xFFFFF086;
	s6 =	sadd.s32 @!p0 s3, s7;
	s7 =	simm.s32 @!p0 $0x108  }
0x21: {  	s3 =	sadd.s32 s3, s9;
	s6 =	sadd.s32 @!p0 $0x88, s6;
	s7 =	simm.s32 @p2 $0x1082  }
0x22: {  	[simem:s7], [sflag:s8] =	dma.local @!p0 [hbm:s6], $0xF7A  }
0x23: {  	s9 =	sor.u32 $0xD0000000, s2;
	s6 =	simm.s32 $0x108;
	_ =	swait.ge @!p0 [sflag:s8], $0x0  }
0x24: {  	s3 =	sadd.s32 $0x88, s3;
	s6 =	simm.s32 @!p1 $0x1082;
	[sflag:s4] =	ssyncset.s32 $0xFFFFF086  }
0x25: {  	[simem:s6], [sflag:s4] =	dma.local [hbm:s3], $0xF7A  }
0x26: {  	[smem:$0x3F9B] =	sst s1;
	(tag) =	ssettag s2;
	_ =	strace s9  }
0x27: {  	s1 =	sld [smem:$0x3FAB]  }
0x28: {  	s2 =	sld [smem:$0x3FAC]  }
0x29: {  	s4 =	sld [smem:$0x3FAE]  }
0x2a: {  	p0 =	seq.s32 s5, $0x0;
	s5 =	sld [smem:$0x3FAF]  }
0x2b: {  	s6 =	sld [smem:$0x3FB0]  }
0x2c: {  	s7 =	sld [smem:$0x3FB1]  }
0x2d: {  	s3 =	simm.s32 $0x108;
	s8 =	sld [smem:$0x3FB2]  }
0x2e: {  	s3 =	simm.s32 @!p0 $0x1082;
	s9 =	sld [smem:$0x3FB3]  }
0x2f: {  	lr =	sadd.s32 s0, s3;
	s0 =	sld [smem:$0x3FAA]  }
0x30: {  	s3 =	sld [smem:$0x3FAD]  }
0x31: {  	[smem:$0x3FB6] =	sst s10  }
0x32: {  	s10 =	sld [smem:$0x3FB4];
	_ =	sdelay $0x3  }
0x33: {  	p0 =	seq.s32 s10, $0x1;
	s10 =	sld [smem:$0x3FB6];
	_ =	sdelay $0x3  }
0x34: {  	[smem:$0x3FB6] =	sst s10  }
0x35: {  	s10 =	sld [smem:$0x3FB5];
	_ =	sdelay $0x3  }
0x36: {  	p1 =	seq.s32 s10, $0x1;
	s10 =	sld [smem:$0x3FB6];
	_ =	sdelay $0x3  }
0x37: {  	[smem:$0x3FB6] =	sst s10  }
0x38: {  	s10 =	sld [smem:$0x3FB7]  }
0x39: {  	_ = 	snop;
	(pc) =	sbr.ind lr, $3  }
0x3a: {  	_ = 	snop  }
0x3b: {  	_ = 	snop  }
0x3c: {  	p2 =	seq.s32 s10, $0x1;
	s10 =	sld [smem:$0x3FB6]  }
0x3d: {  	_ =	shalt  }
0x3e: {  	_ =	shalt  }
0x3f: {  	_ =	shalt  }
0x40: {  	_ =	shalt  }
0x41: {  	_ =	shalt  }
0x42: {  	_ =	shalt  }
0x43: {  	_ =	shalt  }
0x44: {  	_ =	shalt  }
0x45: {  	_ =	shalt  }
0x46: {  	_ =	shalt  }
0x47: {  	_ =	shalt  }
0x48: {  	_ =	shalt  }
0x49: {  	_ =	shalt  }
0x4a: {  	_ =	shalt  }
0x4b: {  	_ =	shalt  }
0x4c: {  	_ =	shalt  }
0x4d: {  	_ =	shalt  }
0x4e: {  	_ =	shalt  }
0x4f: {  	_ =	shalt  }
0x50: {  	_ =	shalt  }
0x51: {  	_ =	shalt  }
0x52: {  	_ =	shalt  }
0x53: {  	_ =	shalt  }
0x54: {  	_ =	shalt  }
0x55: {  	_ =	shalt  }
0x56: {  	_ =	shalt  }
0x57: {  	_ =	shalt  }
0x58: {  	_ =	shalt  }
0x59: {  	_ =	shalt  }
0x5a: {  	_ =	shalt  }
0x5b: {  	_ =	shalt  }
0x5c: {  	_ =	shalt  }
0x5d: {  	_ =	shalt  }
0x5e: {  	_ =	shalt  }
0x5f: {  	_ =	shalt  }
0x60: {  	_ =	shalt  }
0x61: {  	_ =	shalt  }
0x62: {  	_ =	shalt  }
0x63: {  	_ =	shalt  }
0x64: {  	_ =	shalt  }
0x65: {  	_ =	shalt  }
0x66: {  	_ =	shalt  }
0x67: {  	_ =	shalt  }
0x68: {  	_ =	shalt  }
0x69: {  	_ =	shalt  }
0x6a: {  	_ =	shalt  }
0x6b: {  	_ =	shalt  }
0x6c: {  	_ =	shalt  }
0x6d: {  	_ =	shalt  }
0x6e: {  	_ =	shalt  }
0x6f: {  	_ =	shalt  }
0x70: {  	_ =	shalt  }
0x71: {  	_ =	shalt  }
0x72: {  	_ =	shalt  }
0x73: {  	_ =	shalt  }
0x74: {  	_ =	shalt  }
0x75: {  	_ =	shalt  }
0x76: {  	_ =	shalt  }
0x77: {  	_ =	shalt  }
0x78: {  	_ =	shalt  }
0x79: {  	_ =	shalt  }
0x7a: {  	_ =	shalt  }
0x7b: {  	_ =	shalt  }
0x7c: {  	_ =	shalt  }
0x7d: {  	_ =	shalt  }
0x7e: {  	_ =	shalt  }
0x7f: {  	_ =	shalt  }
0x80: {  	_ =	shalt  }
0x81: {  	_ =	shalt  }
0x82: {  	_ =	shalt  }
0x83: {  	_ =	shalt  }
0x84: {  	_ =	shalt  }
0x85: {  	_ =	shalt  }
0x86: {  	_ =	shalt  }
0x87: {  	_ =	shalt  }
.Lfunc_end0:
.L_simem_size_0:
called_computation_lowered:
.L_overlay_start_0:
0x88: {  	s2 =	sld [smem:$0x3FD9]  }
0x89: {  	s3 =	sld [smem:$0x3FFE];
	_ =	sdelay $0x1  }
0x8a: {  	s1 =	srdreg.scid  }
0x8b: {  	s0 =	sand.u32 $0x1, s1  }
0x8c: {  	s17 =	sshll.u32 s0, $0xA;
	s2 =	sadd.s32 s3, s2  }
0x8d: {  	s2 =	sadd.s32 s2, s17  }
0x8e: {  	[smem:$0x3FC2] =	sst s2  }
0x8f: {  	_ = 	snop  }
0x90: {  	s2 =	sld [smem:$0x3FD0];
	(tm) =	ssettm $0x1  }
0x91: {  	s18 =	sld [smem:$0x3FFB];
	_ =	sdelay $0x3  }
0x92: {  	_ =	strace s18  }
0x93: {  	s3 =	sld [smem:$0x3FFC];
	_ =	sdelay $0x3  }
0x94: {  	_ =	strace s3  }
0x95: {  	s3 =	sld [smem:$0x3FFD];
	_ =	sdelay $0x3  }
0x96: {  	_ =	strace s3  }
0x97: {  	_ =	strace $0x8FFFFFFF  }
0x98: {  	s19 =	sld [smem:$0x3FDB];
	_ =	sdelay $0x1  }
0x99: {  	s4 =	simm.s32 $_scs_section_size  }
0x9a: {  	s5 =	simm.s32 $_size__tile_overlayer_lowered;
	s6 =	simm.s32 $_tile_overlayer_lowered  }
0x9b: {  	s22 =	simm.s32 $0x1BFF;
	s21 =	sshll.u32 s6, $0x1;
	s3 =	sadd.s32 s4, s19  }
0x9c: {  	s7 =	simm.s32 $0x0;
	s20 =	sshll.u32 s5, $0x1;
	s5 =	sadd.s32 s21, s3  }
0x9d: {  	[timem:s7], [sflag:s22] =	dma.local [hbm:s5], s20  }
0x9e: {  	_ =	swait.ge [sflag:s22], s20  }
0x9f: {  	s4 =	ssub.s32 $0x0, s20;
	[sflag:s22] =	ssyncset.done $0x0  }
0xa0: {  	[sflag:s22] =	ssyncadd.s32 s4;
	_ =	sdelay $0x1  }
0xa1: {  	s23 =	simm.s32 $0x1B8B  }
0xa2: {  	_ =	swait.ge [sflag:s23], $0x1  }
0xa3: {  	[sflag:s23] =	ssyncset.done $0x0  }
0xa4: {  	s25 =	simm.s32 $0x1B8E;
	s24 =	sld [smem:$0x3FFE];
	[sflag:s23] =	ssyncadd.s32 $0xFFFFFFFF  }
0xa5: {  	s26 =	simm.s32 $execute0_lowered;
	[smem:$0x3FD2] =	sst s25  }
0xa6: {  	s5 =	sshll.u32 s26, $0x1;
	_ =	strace $0x80000046;
	[dreg:$0x1] =	wrdreg $0xFFFFFFFF  }
0xa7: {  	s28 =	simm.s32 $_size_execute0_lowered;
	s3 =	sadd.s32 s3, s5;
	[dreg:$0x0] =	wrdreg $0x0  }
0xa8: {  	s5 =	sshll.u32 s28, $0x1;
	[dreg:$0x2] =	wrdreg s3  }
0xa9: {  	[dreg:$0x3] =	wrdreg s5  }
0xaa: {  	[dreg:$0x4] =	wrdreg $0xC0  }
0xab: {  	_ =	task [dreg:s7], $0x5FFFF  }
0xac: {  	[dreg:$0x1] =	wrdreg $0xFFFFFFFF  }
0xad: {  	[dreg:$0x0] =	wrdreg $0x60  }
0xae: {  	[dreg:$0x2] =	wrdreg s24  }
0xaf: {  	[dreg:$0x3] =	wrdreg s2  }
0xb0: {  	[dreg:$0x4] =	wrdreg $0x9  }
0xb1: {  	_ =	task.clear_ibuf [dreg:s7], $0x5FFFF;
	_ =	strace $0x90000046  }
0xb2: {  	s29 =	simm.s32 $0x9;
	_ =	strace $0x80000048  }
0xb3: {  	_ =	swait.ge [sflag:s29], $0x1  }
0xb4: {  	[sflag:s29] =	ssyncadd.s32 $0xFFFFFFFF  }
0xb5: {  	_ =	strace $0x90000048  }
0xb6: {  	_ =	sfence  }
0xb7: {  	s30 =	sld [smem:$0x0];
	_ =	sdelay $0x2  }
0xb8: {  	s31 =	sshll.u32 s1, $0xD;
	s1 =	sshrl.u32 s1, $0x2  }
0xb9: {  	s3 =	sand.u32 $0x4000, s31;
	s1 =	sadd.s32 s1, s30  }
0xba: {  	s0 =	sor.u32 s3, s0;
	s1 =	sshll.u32 s1, $0x11  }
0xbb: {  	s0 =	sor.u32 s1, s0  }
0xbc: {  	s0 =	sadd.s32 $0x8F2B, s0  }
0xbd: {  	[sflag:s0] =	ssyncadd.remote.s32 $0x1  }
0xbe: {  	_ =	sfence.sel $0xFFFF  }
0xbf: {  	[dreg:$0x0] =	wrdreg $0xFFFFFFFF;
	(pc) =	sbr.abs _section_cstart, $3  }
0xc0: {  	[dreg:$0x1] =	wrdreg $0xFFFFFFFF  }
0xc1: {  	_ =	task.clear_ibuf [dreg:s7], $0x2FFFF;
	_ =	strace $0x9FFFFFFF  }
0xc2: {  	(tm) =	ssettm $0x7FFFFFFF  }
0xc3: {  	_ =	shalt  }
tec
execute0_lowered:
.L_overlay_start_1:
0x0: {  	(tag) =	ssettag $0x1  }
0x1: {  	s5 =	rddreg [dreg:$0x0]  }
0x2: {  	s1 =	rddreg [dreg:$0x1]  }
0x3: {  	s0 =	rddreg [dreg:$0x2];
	s2 =	srdreg.scid;
	vm0 =	vcmask $0xF0C;
	vm1 =	vcmask $0x704  }
0x4: {  	_ =	strace $0x80000047;
	s10 =	simm.s32 $0x7000;
	s12 =	simm.s32 $0x0;
	vm0 =	vmor vm1, vm0;
	vm1 =	vcmask $0x1714  }
0x5: {  	s6 =	sand.u32 $0x1, s2;
	s3 =	sadd.s32 $0x1200, s5;
	s2 =	stileid.u32;
	vm0 =	vmor vm0, vm1;
	vm1 =	vcmask $0x1F1C  }
.Ltmp0:
0x6: {  	s4 =	sadd.s32 $0x1600, s5;
	s7 =	ssub.s32 $0x2, s6;
	vm0 =	vmor vm0, vm1;
	vm1 =	vcmask $0x2724;
	(pc) =	sbr.rel .LBB2_1-.Ltmp0, $4  }
0x7: {  	s5 =	sadd.s32 $0x1A00, s5;
	s9 =	sshll.u32 s2, $0x1;
	s8 =	sshrl.u32 s7, $0x1;
	vm0 =	vmor vm0, vm1;
	vm1 =	vcmask $0x2F2C  }
0x8: {  	s11 =	sor.u32 s6, s9;
	s9 =	simm.s32 $0x2000;
	s7 =	ssub.s32 s7, s8;
	vm0 =	vmor vm0, vm1;
	vm1 =	vcmask $0x3734  }
0x9: {  	v0 =	vimm.f32 $0.0e+00;
	p0 =	seq.s32 s11, $0x1;
	s8 =	simm.s32 $0x1;
	p1 =	sne.s32 s11, $0x0;
	vm0 =	vmor vm0, vm1;
	vm1 =	vcmask $0x3F3C  }
0xa: {  	v1 =	vimm.s32 $0x0;
	v2 =	vlaneseq.u32;
	s11 =	simm.s32 $0x4000;
	s6 =	smax.u32 s7, $0x1;
	s7 =	simm.s32 $0x0;
	vm0 =	vmor vm0, vm1  }
.LBB2_13:
0xb: {  	_ =	swait.ge [sflag:s8], $0x3000  }
0xc: {  	[sflag:s8] =	ssyncset.done $0x0  }
0xd: {  	[sflag:s8] =	ssyncadd.s32 $0xFFFFD000  }
.LBB2_14:
0xe: {  	s12 =	sadd.s32 $0x1, s12  }
0xf: {  	p2 =	sne.s32 s12, s6  }
.Ltmp1:
0x10: {  	_ = 	snop;
	(pc) =	sbr.rel @!p2 .LBB2_15-.Ltmp1, $1  }
0x11: {  	_ =	sdelay $0x3  }
.LBB2_1:
.Ltmp2:
0x12: {  	(pc) =	sbr.rel @p0 .LBB2_8-.Ltmp2, $1  }
0x13: {  	_ =	sdelay $0x3  }
.Ltmp3:
0x14: {  	(pc) =	sbr.rel @p1 .LBB2_14-.Ltmp3, $1  }
0x15: {  	_ =	sdelay $0x3  }
0x16: {  	s13 =	simm.s32 $0x0  }
0x17: {  	[tilespmem:s13], [sflag:$0x1] =	stream.linear.gather [hbm4b:s3+s13], $0x2000, $0x38;
	[tilespmem:$0xA000] =	vst v63  }
0x18: {  	_ =	swait.ge [sflag:s8], $0x2000  }
0x19: {  	[sflag:s8] =	ssyncset.done $0x0  }
0x1a: {  	s14 =	simm.s32 $0x40;
	s15 =	simm.s32 $0x0;
	[sflag:s8] =	ssyncadd.s32 $0xFFFFE000  }
.LBB2_4:
0x1b: {  	p2 =	sne.s32 s14, $0xBFC0;
	[tilespmem:s15+$0x4000] =	vst v1;
	s15 =	smov.u32 s14;
	s14 =	sadd.s32 $0x40, s14  }
.Ltmp4:
0x1c: {  	(pc) =	sbr.rel @p2 .LBB2_4-.Ltmp4, $2  }
0x1d: {  	_ =	sdelay $0x2  }
0x1e: {  	s15 =	sshra.s32 s15, $0x2  }
0x1f: {  	[tilespmem:s15+$0x4000] =	vst v1  }
0x20: {  	s14 =	simm.s32 $0x10;
	s15 =	simm.s32 $0x0;
	v3 =	vld [tilespmem:s13+$0x0]  }
.LBB2_6:
0x21: {  	p2 =	sne.s32 s14, $0x1FF0;
	_ =	sdelay $0x1  }
0x22: {  	v4 =	vmov s13  }
0x23: {  	vm1 =	veq.s32 v4, v2  }
.Ltmp5:
0x24: {  	v4 =	vor.u32 s13, v2;
	s13 =	smov.u32 s14;
	vm1 =	vmand vm1, vm0;
	(pc) =	sbr.rel @p2 .LBB2_6-.Ltmp5, $4  }
0x25: {  	v4 =	vshrl.u32 v4, $0x1;
	v5 =	vsel vm1, $0xFFFFFFFF, v1  }
0x26: {  	v4 =	vadd.s32 v5, v4  }
0x27: {  	s15 =	sadd.s32 $0x10, s15;
	[tilespmem:v3+s11+$0x0] =	vst.idx.msk $0xffff, v4  }
0x28: {  	s14 =	sadd.s32 $0x10, s14;
	v3 =	vld [tilespmem:s15+$0x0]  }
0x29: {  	_ =	sdelay $0x2  }
0x2a: {  	v4 =	vmov s13  }
0x2b: {  	vm1 =	veq.s32 v4, v2  }
.Ltmp6:
0x2c: {  	v63 =	vor.u32 s13, v2;
	vm1 =	vmand vm1, vm0;
	(pc) =	sbr.rel .LBB2_13-.Ltmp6, $4  }
0x2d: {  	v4 =	vshrl.u32 v63, $0x1;
	v5 =	vsel vm1, $0xFFFFFFFF, v1  }
0x2e: {  	v4 =	vadd.s32 v5, v4  }
0x2f: {  	[tilespmem:v3+s11+$0x0] =	vst.idx.msk $0xffff, v4  }
0x30: {  	[hbm4b:s1+s7] =	stream.linear.scatter [tilespmem:s11], [sflag:$0x1], $0x3000, $0x38;
	[tilespmem:$0xA000] =	vst v63  }
.LBB2_8:
0x31: {  	s13 =	simm.s32 $0x0  }
0x32: {  	[tilespmem:s13], [sflag:$0x1] =	stream.linear.gather [hbm4b:s3+s13], $0x2000, $0x38;
	[tilespmem:$0xA000] =	vst v63  }
0x33: {  	_ =	swait.ge [sflag:s8], $0x2000  }
0x34: {  	[sflag:s8] =	ssyncset.done $0x0  }
0x35: {  	[sflag:s8] =	ssyncadd.s32 $0xFFFFE000  }
0x36: {  	[tilespmem:s9], [sflag:$0x1] =	stream.linear.gather [hbm4b:s4+s13], $0x2000, $0x38;
	[tilespmem:$0xA000] =	vst v63  }
0x37: {  	_ =	swait.ge [sflag:s8], $0x2000  }
0x38: {  	[sflag:s8] =	ssyncset.done $0x0  }
0x39: {  	s14 =	simm.s32 $0x0;
	s13 =	simm.s32 $0x40;
	[sflag:s8] =	ssyncadd.s32 $0xFFFFE000  }
.LBB2_9:
0x3a: {  	p2 =	sne.s32 s13, $0xBFC0;
	[tilespmem:s14+$0x7000] =	vst v0;
	s14 =	smov.u32 s13;
	s13 =	sadd.s32 $0x40, s13  }
.Ltmp7:
0x3b: {  	(pc) =	sbr.rel @p2 .LBB2_9-.Ltmp7, $2  }
0x3c: {  	_ =	sdelay $0x2  }
0x3d: {  	s14 =	sshra.s32 s14, $0x2  }
0x3e: {  	[tilespmem:s14+$0x7000] =	vst v0;
	s14 =	simm.s32 $0x0;
	s13 =	simm.s32 $0x40  }
.LBB2_11:
0x3f: {  	p2 =	sne.s32 s13, $0x7FC0;
	v3 =	vld [tilespmem:s14+$0x0];
	_ =	sdelay $0x2  }
0x40: {  	v4 =	vld [tilespmem:s14+$0x2000]  }
.Ltmp8:
0x41: {  	(pc) =	sbr.rel @p2 .LBB2_11-.Ltmp8, $2  }
0x42: {  	_ =	sdelay $0x2  }
0x43: {  	s14 =	sshra.s32 s13, $0x2;
	s13 =	sadd.s32 $0x40, s13;
	[tilespmem:v3+s10+$0x0] =	vst.idx.msk $0xffff, v4  }
0x44: {  	v3 =	vld [tilespmem:s14+$0x0];
	_ =	sdelay $0x2  }
0x45: {  	v4 =	vld [tilespmem:s14+$0x2000];
	_ =	sdelay $0x1  }
.Ltmp9:
0x46: {  	_ = 	snop;
	(pc) =	sbr.rel .LBB2_13-.Ltmp9, $3  }
0x47: {  	_ =	sdelay $0x1  }
0x48: {  	[tilespmem:v3+s10+$0x0] =	vst.idx.msk $0xffff, v4  }
0x49: {  	[hbm4b:s5+s7] =	stream.linear.scatter [tilespmem:s10], [sflag:$0x1], $0x3000, $0x38;
	[tilespmem:$0xA000] =	vst v63  }
.LBB2_15:
0x4a: {  	_ =	sfence.sel $0x180000  }
0x4b: {  	[bflag:$0x0] =	sbarrier.arrive $0xFFFF  }
0x4c: {  	p0 =	sne.s32 s2, $0x0;
	_ =	strace $0x90000047  }
0x4d: {  	s0 =	sadd.s32 @!p0 $0x100000, s0;
	[bflag:$0x2] =	sbarrier.arrive $0xFFFF  }
0x4e: {  	[sflag:s0] =	ssyncadd.tile.s32 @!p0 $0x1;
	_ =	shalt  }
.Lfunc_end2:
_tile_overlayer_lowered:
.L_overlay_start_2:
0x4f: {  	(tag) =	ssettag $0x2  }
0x50: {  	s0 =	rddreg [dreg:$0x0];
	s2 =	stileid.u32  }
0x51: {  	s1 =	rddreg [dreg:$0x1];
	p0 =	sne.s32 s2, $0x0  }
0x52: {  	s3 =	rddreg [dreg:$0x2];
	[bflag:$0x3] =	sbarrier.arrive $0xFFFF;
	s2 =	simm.s32 @!p0 $0x1C01  }
0x53: {  	[timem:s3], [sflag:s2] =	dma.local @!p0 [hbm:s0], s1  }
0x54: {  	s0 =	simm.s32 @!p0 $0x1  }
0x55: {  	_ =	swait.ge @!p0 [sflag:s0], s1  }
0x56: {  	s1 =	ssub.s32 @!p0 $0x0, s1;
	[sflag:s0] =	ssyncset.done @!p0 $0x0  }
0x57: {  	[sflag:s0] =	ssyncadd.s32 @!p0 s1  }
0x58: {  	[bflag:$0x3] =	sbarrier.arrive $0xFFFF  }
0x59: {  	_ =	shalt  }

</sc_bundles>
